<compile_context>
chip_gen: v7x
topology: tpu7x:2x2x1
jax: 0.10.2.dev20260603
libtpu: 0.0.44.dev20260713+nightly
codegen_flags: <defaults>
</compile_context>

<pallas_src>
import functools

import jax
import jax.numpy as jnp
from jax import lax
from jax.experimental import pallas as pl
from jax.experimental.pallas import tpu as pltpu
from jax.experimental.pallas import tpu_sc as plsc

HID = 128
N_NODES = 10000
N_EDGES = 320000
N_ITEM = 10000
B = 1024
L = 50
NC = 2
NS = 16
NW = NC * NS

_MESH = plsc.VectorSubcoreMesh(core_axis_name="c", subcore_axis_name="s")


def _sc_gather(table, idx, chunk, dtype=jnp.float32):
  n_idx = idx.shape[0]
  per_w = n_idx // NW
  n_chunks = per_w // chunk
  assert per_w % chunk == 0 and chunk % 16 == 0 and chunk <= 128
  assert n_chunks % 2 == 0 and n_chunks >= 2

  @functools.partial(
      pl.kernel,
      out_type=jax.ShapeDtypeStruct((n_idx, HID), dtype),
      mesh=_MESH,
      cost_estimate=pl.CostEstimate(
          flops=0, bytes_accessed=n_idx * HID * 8, transcendentals=0),
      scratch_types=[
          pltpu.VMEM((per_w,), jnp.int32),
          pltpu.VMEM((chunk, HID), dtype),
          pltpu.VMEM((chunk, HID), dtype),
          pltpu.SemaphoreType.DMA,
          pltpu.SemaphoreType.DMA,
      ],
  )
  def k(table_hbm, idx_hbm, out_hbm, idx_v, r0, r1, g0, g1):
    wid = lax.axis_index("c") * NS + lax.axis_index("s")
    base = wid * per_w
    pltpu.sync_copy(idx_hbm.at[pl.ds(base, per_w)], idx_v)

    def gather(i, buf, sem):
      pltpu.async_copy(table_hbm.at[idx_v.at[pl.ds(i * chunk, chunk)]],
                       buf, sem)

    def wait0():
      pltpu.make_async_copy(table_hbm.at[pl.ds(0, chunk)], r0, g0).wait()

    def out(i, buf):
      pltpu.sync_copy(buf, out_hbm.at[pl.ds(base + i * chunk, chunk)])

    gather(0, r0, g0)

    def body(i, carry):
      gather(2 * i + 1, r1, g1)
      wait0()
      out(2 * i, r0)
      gather(2 * i + 2, r0, g0)
      pltpu.make_async_copy(table_hbm.at[pl.ds(0, chunk)], r1, g1).wait()
      out(2 * i + 1, r1)
      return carry

    lax.fori_loop(0, n_chunks // 2 - 1, body, 0)
    gather(n_chunks - 1, r1, g1)
    wait0()
    out(n_chunks - 2, r0)
    pltpu.make_async_copy(table_hbm.at[pl.ds(0, chunk)], r1, g1).wait()
    out(n_chunks - 1, r1)

  return k(table, idx)


def _sc_edge_scatter_add(m, src, dst3, zeros):
  chunk = 80
  per_w = N_EDGES // NW
  n_chunks = per_w // chunk
  n_pad = 10240
  rows_per_tile = n_pad // NS

  @functools.partial(
      pl.kernel,
      out_type=jax.ShapeDtypeStruct((NC, n_pad, HID), jnp.float32),
      mesh=_MESH,
      cost_estimate=pl.CostEstimate(
          flops=N_EDGES * HID, bytes_accessed=N_EDGES * HID * 8,
          transcendentals=0),
      scratch_types=[
          pltpu.VMEM((per_w,), jnp.int32),
          pltpu.VMEM((n_chunks, chunk), jnp.int32),
          pltpu.VMEM((chunk, HID), jnp.float32),
          pltpu.VMEM((chunk, HID), jnp.float32),
          pltpu.VMEM_SHARED((n_pad, HID), jnp.float32),
          pltpu.SemaphoreType.DMA,
          pltpu.SemaphoreType.DMA,
      ],
  )
  def k(m_hbm, src_hbm, dst_hbm, zero_hbm, out_hbm,
        sidx_v, didx_v, r0, r1, acc_sh, g0, g1):
    c = lax.axis_index("c")
    s = lax.axis_index("s")
    wid = c * NS + s
    base = wid * per_w
    pltpu.sync_copy(src_hbm.at[pl.ds(base, per_w)], sidx_v)
    pltpu.sync_copy(dst_hbm.at[wid], didx_v)
    pltpu.sync_copy(zero_hbm.at[pl.ds(s * rows_per_tile, rows_per_tile)],
                    acc_sh.at[pl.ds(s * rows_per_tile, rows_per_tile)])
    plsc.subcore_barrier()

    def gather(i, buf, sem):
      pltpu.async_copy(m_hbm.at[sidx_v.at[pl.ds(i * chunk, chunk)]], buf, sem)

    def scat(i, buf):
      pltpu.sync_copy(buf, acc_sh.at[didx_v.at[i]], add=True)

    def wait(buf, sem):
      pltpu.make_async_copy(m_hbm.at[pl.ds(0, chunk)], buf, sem).wait()

    gather(0, r0, g0)

    def body(i, carry):
      gather(2 * i + 1, r1, g1)
      wait(r0, g0)
      scat(2 * i, r0)
      gather(2 * i + 2, r0, g0)
      wait(r1, g1)
      scat(2 * i + 1, r1)
      return carry

    lax.fori_loop(0, (n_chunks - 1) // 2, body, 0)
    wait(r0, g0)
    scat(n_chunks - 1, r0)

    plsc.subcore_barrier()
    pltpu.sync_copy(acc_sh.at[pl.ds(s * rows_per_tile, rows_per_tile)],
                    out_hbm.at[c, pl.ds(s * rows_per_tile, rows_per_tile)])

  return k(m, src, dst3, zeros)


def _tc_matmul(x, w):
  n = x.shape[0]
  blk = 1024

  def body(x_ref, w_ref, o_ref):
    o_ref[...] = jnp.dot(x_ref[...], w_ref[...],
                         preferred_element_type=jnp.float32)

  return pl.pallas_call(
      body,
      grid=(n // blk,),
      in_specs=[pl.BlockSpec((blk, HID), lambda i: (i, 0)),
                pl.BlockSpec((HID, HID), lambda i: (0, 0))],
      out_specs=pl.BlockSpec((blk, HID), lambda i: (i, 0)),
      out_shape=jax.ShapeDtypeStruct((n, HID), jnp.float32),
  )(x, w)


def _gates(gi, gh, h):
  i_r, i_z, i_n = gi[:, :HID], gi[:, HID:2 * HID], gi[:, 2 * HID:]
  h_r, h_z, h_n = gh[:, :HID], gh[:, HID:2 * HID], gh[:, 2 * HID:]
  r = jax.nn.sigmoid(i_r + h_r)
  z = jax.nn.sigmoid(i_z + h_z)
  n = jnp.tanh(i_n + r * h_n)
  return (1.0 - z) * n + z * h


def _tc_gru_cell(agg2, x, wih_t, whh_t, bih, bhh, w_next=None,
                 out_dtype=jnp.float32):
  n = x.shape[0]
  blk = 1024
  fused = w_next is not None

  def body(agg_ref, x_ref, wih_ref, whh_ref, bih_ref, bhh_ref, *rest):
    a = agg_ref[0] + agg_ref[1]
    h = x_ref[...]
    gi = jnp.dot(a, wih_ref[...], preferred_element_type=jnp.float32) + bih_ref[0]
    gh = jnp.dot(h, whh_ref[...], preferred_element_type=jnp.float32) + bhh_ref[0]
    x2 = _gates(gi, gh, h)
    if fused:
      wn_ref, o_ref, m_ref = rest
      o_ref[...] = x2
      m_ref[...] = jnp.dot(x2, wn_ref[...], preferred_element_type=jnp.float32)
    else:
      rest[0][...] = x2.astype(out_dtype)

  wspec = pl.BlockSpec((HID, 3 * HID), lambda i: (0, 0))
  bspec = pl.BlockSpec((1, 3 * HID), lambda i: (0, 0))
  in_specs = [pl.BlockSpec((NC, blk, HID), lambda i: (0, i, 0)),
              pl.BlockSpec((blk, HID), lambda i: (i, 0)),
              wspec, wspec, bspec, bspec]
  args = [agg2, x, wih_t, whh_t, bih, bhh]
  out_spec = pl.BlockSpec((blk, HID), lambda i: (i, 0))
  out_shape = jax.ShapeDtypeStruct((n, HID), jnp.float32)
  if fused:
    in_specs.append(pl.BlockSpec((HID, HID), lambda i: (0, 0)))
    args.append(w_next)
    return pl.pallas_call(
        body, grid=(n // blk,), in_specs=in_specs,
        out_specs=[out_spec, out_spec], out_shape=[out_shape, out_shape],
    )(*args)
  return pl.pallas_call(
      body, grid=(n // blk,), in_specs=in_specs,
      out_specs=out_spec,
      out_shape=jax.ShapeDtypeStruct((n, HID), out_dtype),
  )(*args)


def _tc_seq_gru(ops_t, tab, wih_t, whh_t, bih, bhh):
  blk = 1024
  n_op = tab.shape[0]

  def body(ops_ref, tab_ref, wih_ref, whh_ref, bih_ref, bhh_ref, o_ref):
    tab_ih = jnp.dot(tab_ref[...], wih_ref[...],
                     preferred_element_type=jnp.float32)
    whh = whh_ref[...]
    bi = bih_ref[0]
    bh = bhh_ref[0]

    def step(t, h):
      ids = ops_ref[t]
      oh = (ids[:, None] == lax.broadcasted_iota(jnp.int32, (1, n_op), 1)
            ).astype(jnp.float32)
      gi = jnp.dot(oh, tab_ih, preferred_element_type=jnp.float32) + bi
      gh = jnp.dot(h, whh, preferred_element_type=jnp.float32) + bh
      h2 = _gates(gi, gh, h)
      o_ref[t] = h2.astype(jnp.bfloat16)
      return h2

    lax.fori_loop(0, L, step, jnp.zeros((blk, HID), jnp.float32))

  return pl.pallas_call(
      body,
      grid=(B // blk,),
      in_specs=[pl.BlockSpec((L, blk), lambda i: (0, i)),
                pl.BlockSpec((n_op, HID), lambda i: (0, 0)),
                pl.BlockSpec((HID, 3 * HID), lambda i: (0, 0)),
                pl.BlockSpec((HID, 3 * HID), lambda i: (0, 0)),
                pl.BlockSpec((1, 3 * HID), lambda i: (0, 0)),
                pl.BlockSpec((1, 3 * HID), lambda i: (0, 0))],
      out_specs=pl.BlockSpec((L, blk, HID), lambda i: (0, i, 0)),
      out_shape=jax.ShapeDtypeStruct((L, B, HID), jnp.bfloat16),
  )(ops_t, tab, wih_t, whh_t, bih, bhh)


def _tc_attention_score(gnn_t, gru_t, mask_t, w1_t, b1, w2_t, b2, w3_t, b3,
                        wt_t, bt, item_t):
  blk = 128

  def body(g_ref, r_ref, m_ref, w1_ref, b1_ref, w2_ref, b2_ref, w3_ref,
           b3_ref, wt_ref, bt_ref, item_ref, o_ref):
    dot = functools.partial(jnp.dot, preferred_element_type=jnp.float32)
    bf = jnp.bfloat16
    f32 = jnp.float32
    gv = g_ref[...]
    rv = r_ref[...]
    last_g = gv[L - 1]
    last_r = rv[L - 1].astype(f32)
    q = dot(last_g, w1_ref[0]) + dot(last_r, w1_ref[1]) + b1_ref[0]
    g2 = gv.reshape(L * blk, HID)
    r2 = rv.reshape(L * blk, HID)
    k = (dot(g2.astype(bf), w2_ref[0].astype(bf))
         + dot(r2, w2_ref[1].astype(bf)) + b2_ref[0])
    e3 = jax.nn.sigmoid(k.reshape(L, blk, 2 * HID) + q[None])
    alpha = jnp.sum(e3 * w3_ref[0][None, None, :], axis=-1) + b3_ref[0, 0]
    alpha = alpha * (1.0 - m_ref[...])
    aw = alpha[:, :, None]
    sg_g = jnp.sum(gv * aw, axis=0)
    sg_r = jnp.sum(rv.astype(f32) * aw, axis=0)
    s = (dot(last_g, wt_ref[0]) + dot(last_r, wt_ref[1])
         + dot(sg_g, wt_ref[2]) + dot(sg_r, wt_ref[3]) + bt_ref[0])
    o_ref[...] = dot(s, item_ref[...])

  return pl.pallas_call(
      body,
      grid=(B // blk,),
      in_specs=[pl.BlockSpec((L, blk, HID), lambda i: (0, i, 0)),
                pl.BlockSpec((L, blk, HID), lambda i: (0, i, 0)),
                pl.BlockSpec((L, blk), lambda i: (0, i)),
                pl.BlockSpec((2, HID, 2 * HID), lambda i: (0, 0, 0)),
                pl.BlockSpec((1, 2 * HID), lambda i: (0, 0)),
                pl.BlockSpec((2, HID, 2 * HID), lambda i: (0, 0, 0)),
                pl.BlockSpec((1, 2 * HID), lambda i: (0, 0)),
                pl.BlockSpec((1, 2 * HID), lambda i: (0, 0)),
                pl.BlockSpec((1, 1), lambda i: (0, 0)),
                pl.BlockSpec((4, HID, HID), lambda i: (0, 0, 0)),
                pl.BlockSpec((1, HID), lambda i: (0, 0)),
                pl.BlockSpec((HID, N_ITEM), lambda i: (0, 0))],
      out_specs=pl.BlockSpec((blk, N_ITEM), lambda i: (i, 0)),
      out_shape=jax.ShapeDtypeStruct((B, N_ITEM), jnp.float32),
  )(gnn_t, gru_t, mask_t, w1_t, b1, w2_t, b2, w3_t, b3, wt_t, bt, item_t)


def kernel(nodes, edges, edge2seq, ops, mask, entity_table, op_table, gnn_w,
           gnn_wih, gnn_whh, gnn_bih, gnn_bhh, gru_wih, gru_whh, gru_bih,
           gru_bhh, w1, b1, w2, b2, w3, b3, wt, bt):
  f32 = jnp.float32
  nodes_pad = jnp.concatenate(
      [nodes.astype(jnp.int32),
       jnp.arange(10240 - N_NODES, dtype=jnp.int32)])
  ops_t = jnp.transpose(ops).astype(jnp.int32)
  e2s_t = jnp.transpose(edge2seq).reshape(-1).astype(jnp.int32)
  src = edges[0].astype(jnp.int32)
  dst3 = edges[1].astype(jnp.int32).reshape(NW, 125, 80)
  op_tab = jnp.concatenate([op_table, jnp.zeros((4, HID), f32)])
  zeros = jnp.zeros((10240, HID), f32)
  gnn_wih_t = jnp.transpose(gnn_wih)
  gnn_whh_t = jnp.transpose(gnn_whh)
  gru_wih_t = jnp.transpose(gru_wih)
  gru_whh_t = jnp.transpose(gru_whh)
  w1_t = jnp.transpose(w1).reshape(2, HID, 2 * HID)
  w2_t = jnp.transpose(w2).reshape(2, HID, 2 * HID)
  w3_t = w3
  wt_t = jnp.transpose(wt).reshape(4, HID, HID)
  item_t = jnp.transpose(entity_table[:N_ITEM])
  mask_t = jnp.transpose(mask).astype(f32)
  b2d = lambda v: v.reshape(1, -1)

  x = _sc_gather(entity_table, nodes_pad, 80)
  m = _tc_matmul(x, gnn_w[0])
  agg2 = _sc_edge_scatter_add(m, src, dst3, zeros)
  gru_t = _tc_seq_gru(ops_t, op_tab, gru_wih_t, gru_whh_t,
                      b2d(gru_bih), b2d(gru_bhh))
  x, m = _tc_gru_cell(agg2, x, gnn_wih_t, gnn_whh_t,
                      b2d(gnn_bih), b2d(gnn_bhh), w_next=gnn_w[1])
  agg2 = _sc_edge_scatter_add(m, src, dst3, zeros)
  x = _tc_gru_cell(agg2, x, gnn_wih_t, gnn_whh_t,
                   b2d(gnn_bih), b2d(gnn_bhh))

  gnn_t = _sc_gather(x, e2s_t, 80).reshape(L, B, HID)

  return _tc_attention_score(gnn_t, gru_t, mask_t, w1_t, b2d(b1), w2_t,
                             b2d(b2), w3_t, b2d(b3).reshape(1, 1), wt_t,
                             b2d(bt), item_t)

# --- scband reference (transcript-rebuilt; emitter-appended) ---
"""Pipeline reference for scband-mkmsr-26955214749755 (READ-ONLY COPY).

The authoritative reference and input builder live on the scoring server;
editing this copy changes nothing except your own understanding.
"""

import jax, jax.numpy as jnp
import numpy as np

HID = 128
LAYERS = 2
N_ENTITY = 100000
N_ITEM = 10000
N_NODES = 10000
N_EDGES = 320000
B = 1024
L = 50


def _u(key, shape):
    return jax.random.uniform(key, shape, minval=-0.05, maxval=0.05, dtype=jnp.float32)


def setup_inputs(seed: int = 0):
    key = jax.random.key(seed)
    ks = jax.random.split(key, 32)
    nodes = jax.random.randint(ks[0], (N_NODES,), 0, N_ENTITY)
    edges = jax.random.randint(ks[1], (2, N_EDGES), 0, N_NODES)
    edge2seq = jax.random.randint(ks[2], (B, L), 0, N_NODES)
    ops = jax.random.randint(ks[3], (B, L), 0, 100)
    mask = jax.random.randint(ks[4], (B, L), 0, 2).astype(bool)
    entity_table = _u(ks[5], (N_ENTITY, HID)).at[0].set(0.0)
    op_table = _u(ks[6], (100, HID)).at[0].set(0.0)
    gnn_w = _u(ks[7], (LAYERS, HID, HID))
    gnn_wih = _u(ks[8], (3 * HID, HID))
    gnn_whh = _u(ks[9], (3 * HID, HID))
    gnn_bih = _u(ks[10], (3 * HID,))
    gnn_bhh = _u(ks[11], (3 * HID,))
    gru_wih = _u(ks[12], (3 * HID, HID))
    gru_whh = _u(ks[13], (3 * HID, HID))
    gru_bih = _u(ks[14], (3 * HID,))
    gru_bhh = _u(ks[15], (3 * HID,))
    w1 = _u(ks[16], (2 * HID, 2 * HID))
    b1 = _u(ks[17], (2 * HID,))
    w2 = _u(ks[18], (2 * HID, 2 * HID))
    b2 = _u(ks[19], (2 * HID,))
    w3 = _u(ks[20], (1, 2 * HID))
    b3 = _u(ks[21], (1,))
    wt = _u(ks[22], (HID, 4 * HID))
    bt = _u(ks[23], (HID,))
    return dict(nodes=nodes, edges=edges, edge2seq=edge2seq, ops=ops, mask=mask,
                entity_table=entity_table, op_table=op_table, gnn_w=gnn_w,
                gnn_wih=gnn_wih, gnn_whh=gnn_whh, gnn_bih=gnn_bih, gnn_bhh=gnn_bhh,
                gru_wih=gru_wih, gru_whh=gru_whh, gru_bih=gru_bih, gru_bhh=gru_bhh,
                w1=w1, b1=b1, w2=w2, b2=b2, w3=w3, b3=b3, wt=wt, bt=bt)


def _gru_cell(x, h, wih, whh, bih, bhh):
    gi = x @ wih.T + bih
    gh = h @ whh.T + bhh
    i_r, i_z, i_n = jnp.split(gi, 3, axis=-1)
    h_r, h_z, h_n = jnp.split(gh, 3, axis=-1)
    r = jax.nn.sigmoid(i_r + h_r)
    z = jax.nn.sigmoid(i_z + h_z)
    n = jnp.tanh(i_n + r * h_n)
    return (1.0 - z) * n + z * h


def _forward(nodes, edges, edge2seq, ops, mask, entity_table, op_table, gnn_w,
             gnn_wih, gnn_whh, gnn_bih, gnn_bhh, gru_wih, gru_whh, gru_bih, gru_bhh,
             w1, b1, w2, b2, w3, b3, wt, bt):
    n_nodes = nodes.shape[0]
    # GatedGraphConv: x = Emb(nodes); repeat {m = x W_i; agg = scatter_add over dst; x = GRUCell(agg, x)}
    x = jnp.take(entity_table, nodes, axis=0)
    src, dst = edges[0], edges[1]
    for i in range(LAYERS):
        m = x @ gnn_w[i]
        agg = jax.ops.segment_sum(jnp.take(m, src, axis=0), dst, num_segments=n_nodes)
        x = _gru_cell(agg, x, gnn_wih, gnn_whh, gnn_bih, gnn_bhh)
    gnn_out = jnp.take(x, edge2seq.reshape(-1), axis=0).reshape(edge2seq.shape + (HID,))
    # GRU over op embeddings
    emb = jnp.take(op_table, ops, axis=0)
    h0 = jnp.zeros((emb.shape[0], HID), dtype=emb.dtype)
    def step(h, xt):
        h2 = _gru_cell(xt, h, gru_wih, gru_whh, gru_bih, gru_bhh)
        return h2, h2
    _, ys = jax.lax.scan(step, h0, jnp.swapaxes(emb, 0, 1))
    gru_out = jnp.swapaxes(ys, 0, 1)
    final_emb = jnp.concatenate([gnn_out, gru_out], axis=-1)
    last = final_emb[:, -1]
    alpha = jax.nn.sigmoid((last @ w1.T + b1)[:, None, :] + final_emb @ w2.T + b2) @ w3.T + b3
    alpha = jnp.where(mask[:, :, None], 0.0, alpha)
    sg = jnp.sum(final_emb * alpha, axis=1)
    s = jnp.concatenate([last, sg], axis=-1) @ wt.T + bt
    item_emb = entity_table[:N_ITEM]
    return s @ item_emb.T


def reference(nodes, edges, edge2seq, ops, mask, entity_table, op_table, gnn_w,
              gnn_wih, gnn_whh, gnn_bih, gnn_bhh, gru_wih, gru_whh, gru_bih, gru_bhh,
              w1, b1, w2, b2, w3, b3, wt, bt):
    return _forward(nodes=nodes, edges=edges, edge2seq=edge2seq, ops=ops, mask=mask,
                    entity_table=entity_table, op_table=op_table, gnn_w=gnn_w,
                    gnn_wih=gnn_wih, gnn_whh=gnn_whh, gnn_bih=gnn_bih, gnn_bhh=gnn_bhh,
                    gru_wih=gru_wih, gru_whh=gru_whh, gru_bih=gru_bih, gru_bhh=gru_bhh,
                    w1=w1, b1=b1, w2=w2, b2=b2, w3=w3, b3=b3, wt=wt, bt=bt)

if __name__ == "__main__":
    import jax
    _d = setup_inputs()
    print(jax.jit(kernel)(*tuple(_d.values())))

</pallas_src>

<mosaic_0001>
#map = affine_map<(d0, d1) -> (0, 0)>
#map1 = affine_map<(d0, d1) -> (0)>
module attributes {stable_mosaic.version = 14 : i64} {
  func.func @k(%arg0: i32, %arg1: i32, %arg2: memref<100000x128xf32, #tpu.memory_space<hbm>>, %arg3: memref<10240xi32, #tpu.memory_space<hbm>>, %arg4: memref<10240x128xf32, #tpu.memory_space<hbm>>, %arg5: memref<320xi32, #tpu.memory_space<vmem>>, %arg6: memref<80x128xf32, #tpu.memory_space<vmem>>, %arg7: memref<80x128xf32, #tpu.memory_space<vmem>>, %arg8: memref<!tpu.dma_semaphore, #tpu.memory_space<semaphore_mem>>, %arg9: memref<!tpu.dma_semaphore, #tpu.memory_space<semaphore_mem>>) attributes {dimension_semantics = [#tpu.dimension_semantics<core_parallel>, #tpu.dimension_semantics<subcore_parallel>], iteration_bounds = array<i64: 2, 16>, scalar_prefetch = 0 : i64, scratch_operands = 5 : i64, tpu.core_type = #tpu.core_type<sc_vector_subcore>, window_params = [{transform_indices = #map}, {transform_indices = #map1}, {transform_indices = #map}]} {
    %mul3A = arith.constant 16 : i32
    %mul3A_0 = arith.muli %arg0, %mul3A : i32
    %add3A = arith.addi %mul3A_0, %arg1 : i32
    %mul3A_1 = arith.constant 320 : i32
    %mul3A_2 = arith.muli %add3A, %mul3A_1 : i32
    "tpu.region"() ({
      %run_scoped3A = tpu.sem_alloc : memref<!tpu.dma_semaphore, #tpu.memory_space<semaphore_mem>>
      %dma_start3A_73 = tpu.memref_slice %arg3[%mul3A_2] : memref<10240xi32, #tpu.memory_space<hbm>> -> memref<320xi32, #tpu.memory_space<hbm>>
      %dma_start3A_74 = tpu.memref_slice %arg3[%mul3A_2] : memref<10240xi32, #tpu.memory_space<hbm>> -> memref<320xi32, #tpu.memory_space<hbm>>
      tpu.enqueue_dma source(%dma_start3A_74 : memref<320xi32, #tpu.memory_space<hbm>>) target(%arg5 : memref<320xi32, #tpu.memory_space<vmem>>) target_semaphore(%run_scoped3A : memref<!tpu.dma_semaphore, #tpu.memory_space<semaphore_mem>>)
      %dma_wait3A_75 = tpu.memref_slice %arg3[%mul3A_2] : memref<10240xi32, #tpu.memory_space<hbm>> -> memref<320xi32, #tpu.memory_space<hbm>>
      %dma_wait3A_76 = tpu.memref_slice %arg3[%mul3A_2] : memref<10240xi32, #tpu.memory_space<hbm>> -> memref<320xi32, #tpu.memory_space<hbm>>
      tpu.wait_dma2 semaphore(%run_scoped3A : memref<!tpu.dma_semaphore, #tpu.memory_space<semaphore_mem>>) src(%dma_wait3A_76 : memref<320xi32, #tpu.memory_space<hbm>>) dst(%arg5 : memref<320xi32, #tpu.memory_space<vmem>>)
      tpu.yield
    }) : () -> ()
    %dma_start3A = arith.constant 0 : i32
    %dma_start3A_3 = tpu.memref_slice %arg5[%dma_start3A] : memref<320xi32, #tpu.memory_space<vmem>> -> memref<80xi32, #tpu.memory_space<vmem>>
    %dma_start3A_4 = arith.constant 0 : i32
    %dma_start3A_5 = arith.constant 0 : i32
    %dma_start3A_6 = tpu.memref_slice %arg2[%dma_start3A_4, %dma_start3A_5] : memref<100000x128xf32, #tpu.memory_space<hbm>> -> memref<100000x128xf32, #tpu.memory_space<hbm>>
    tpu.enqueue_indirect_dma source(%dma_start3A_6 : memref<100000x128xf32, #tpu.memory_space<hbm>>) target(%arg6 : memref<80x128xf32, #tpu.memory_space<vmem>>) offsets(%dma_start3A_3 : memref<80xi32, #tpu.memory_space<vmem>>) semaphore(%arg8 : memref<!tpu.dma_semaphore, #tpu.memory_space<semaphore_mem>>)
    %scan3A = arith.constant 0 : i32
    %scan3A_7 = arith.constant 0 : i32
    %mul3A_8 = arith.constant 2 : i32
    %mul3A_9 = arith.muli %mul3A_8, %scan3A_7 : i32
    %add3A_10 = arith.constant 1 : i32
    %add3A_11 = arith.addi %mul3A_9, %add3A_10 : i32
    %mul3A_12 = arith.constant 80 : i32
    %mul3A_13 = arith.muli %add3A_11, %mul3A_12 : i32
    %dma_start3A_14 = tpu.memref_slice %arg5[%mul3A_13] : memref<320xi32, #tpu.memory_space<vmem>> -> memref<80xi32, #tpu.memory_space<vmem>>
    %dma_start3A_15 = arith.constant 0 : i32
    %dma_start3A_16 = arith.constant 0 : i32
    %dma_start3A_17 = tpu.memref_slice %arg2[%dma_start3A_15, %dma_start3A_16] : memref<100000x128xf32, #tpu.memory_space<hbm>> -> memref<100000x128xf32, #tpu.memory_space<hbm>>
    tpu.enqueue_indirect_dma source(%dma_start3A_17 : memref<100000x128xf32, #tpu.memory_space<hbm>>) target(%arg7 : memref<80x128xf32, #tpu.memory_space<vmem>>) offsets(%dma_start3A_14 : memref<80xi32, #tpu.memory_space<vmem>>) semaphore(%arg9 : memref<!tpu.dma_semaphore, #tpu.memory_space<semaphore_mem>>)
    %dma_wait3A = arith.constant 0 : i32
    %dma_wait3A_18 = arith.constant 0 : i32
    %dma_wait3A_19 = tpu.memref_slice %arg2[%dma_wait3A, %dma_wait3A_18] : memref<100000x128xf32, #tpu.memory_space<hbm>> -> memref<80x128xf32, #tpu.memory_space<hbm>>
    %dma_wait3A_20 = arith.constant 0 : i32
    %dma_wait3A_21 = arith.constant 0 : i32
    %dma_wait3A_22 = tpu.memref_slice %arg2[%dma_wait3A_20, %dma_wait3A_21] : memref<100000x128xf32, #tpu.memory_space<hbm>> -> memref<80x128xf32, #tpu.memory_space<hbm>>
    tpu.wait_dma2 semaphore(%arg8 : memref<!tpu.dma_semaphore, #tpu.memory_space<semaphore_mem>>) src(%dma_wait3A_22 : memref<80x128xf32, #tpu.memory_space<hbm>>) dst(%arg6 : memref<80x128xf32, #tpu.memory_space<vmem>>)
    %mul3A_23 = arith.constant 2 : i32
    %mul3A_24 = arith.muli %mul3A_23, %scan3A_7 : i32
    %mul3A_25 = arith.constant 80 : i32
    %mul3A_26 = arith.muli %mul3A_24, %mul3A_25 : i32
    %add3A_27 = arith.addi %mul3A_2, %mul3A_26 : i32
    "tpu.region"() ({
      %run_scoped3A = tpu.sem_alloc : memref<!tpu.dma_semaphore, #tpu.memory_space<semaphore_mem>>
      %dma_start3A_73 = arith.constant 0 : i32
      %dma_start3A_74 = tpu.memref_slice %arg4[%add3A_27, %dma_start3A_73] : memref<10240x128xf32, #tpu.memory_space<hbm>> -> memref<80x128xf32, #tpu.memory_space<hbm>>
      %dma_start3A_75 = arith.constant 0 : i32
      %dma_start3A_76 = tpu.memref_slice %arg4[%add3A_27, %dma_start3A_75] : memref<10240x128xf32, #tpu.memory_space<hbm>> -> memref<80x128xf32, #tpu.memory_space<hbm>>
      tpu.enqueue_dma source(%arg6 : memref<80x128xf32, #tpu.memory_space<vmem>>) target(%dma_start3A_76 : memref<80x128xf32, #tpu.memory_space<hbm>>) target_semaphore(%run_scoped3A : memref<!tpu.dma_semaphore, #tpu.memory_space<semaphore_mem>>)
      %dma_wait3A_77 = arith.constant 0 : i32
      %dma_wait3A_78 = tpu.memref_slice %arg4[%add3A_27, %dma_wait3A_77] : memref<10240x128xf32, #tpu.memory_space<hbm>> -> memref<80x128xf32, #tpu.memory_space<hbm>>
      %dma_wait3A_79 = arith.constant 0 : i32
      %dma_wait3A_80 = tpu.memref_slice %arg4[%add3A_27, %dma_wait3A_79] : memref<10240x128xf32, #tpu.memory_space<hbm>> -> memref<80x128xf32, #tpu.memory_space<hbm>>
      tpu.wait_dma2 semaphore(%run_scoped3A : memref<!tpu.dma_semaphore, #tpu.memory_space<semaphore_mem>>) src(%arg6 : memref<80x128xf32, #tpu.memory_space<vmem>>) dst(%dma_wait3A_80 : memref<80x128xf32, #tpu.memory_space<hbm>>)
      tpu.yield
    }) : () -> ()
    %mul3A_28 = arith.constant 2 : i32
    %mul3A_29 = arith.muli %mul3A_28, %scan3A_7 : i32
    %add3A_30 = arith.constant 2 : i32
    %add3A_31 = arith.addi %mul3A_29, %add3A_30 : i32
    %mul3A_32 = arith.constant 80 : i32
    %mul3A_33 = arith.muli %add3A_31, %mul3A_32 : i32
    %dma_start3A_34 = tpu.memref_slice %arg5[%mul3A_33] : memref<320xi32, #tpu.memory_space<vmem>> -> memref<80xi32, #tpu.memory_space<vmem>>
    %dma_start3A_35 = arith.constant 0 : i32
    %dma_start3A_36 = arith.constant 0 : i32
    %dma_start3A_37 = tpu.memref_slice %arg2[%dma_start3A_35, %dma_start3A_36] : memref<100000x128xf32, #tpu.memory_space<hbm>> -> memref<100000x128xf32, #tpu.memory_space<hbm>>
    tpu.enqueue_indirect_dma source(%dma_start3A_37 : memref<100000x128xf32, #tpu.memory_space<hbm>>) target(%arg6 : memref<80x128xf32, #tpu.memory_space<vmem>>) offsets(%dma_start3A_34 : memref<80xi32, #tpu.memory_space<vmem>>) semaphore(%arg8 : memref<!tpu.dma_semaphore, #tpu.memory_space<semaphore_mem>>)
    %dma_wait3A_38 = arith.constant 0 : i32
    %dma_wait3A_39 = arith.constant 0 : i32
    %dma_wait3A_40 = tpu.memref_slice %arg2[%dma_wait3A_38, %dma_wait3A_39] : memref<100000x128xf32, #tpu.memory_space<hbm>> -> memref<80x128xf32, #tpu.memory_space<hbm>>
    %dma_wait3A_41 = arith.constant 0 : i32
    %dma_wait3A_42 = arith.constant 0 : i32
    %dma_wait3A_43 = tpu.memref_slice %arg2[%dma_wait3A_41, %dma_wait3A_42] : memref<100000x128xf32, #tpu.memory_space<hbm>> -> memref<80x128xf32, #tpu.memory_space<hbm>>
    tpu.wait_dma2 semaphore(%arg9 : memref<!tpu.dma_semaphore, #tpu.memory_space<semaphore_mem>>) src(%dma_wait3A_43 : memref<80x128xf32, #tpu.memory_space<hbm>>) dst(%arg7 : memref<80x128xf32, #tpu.memory_space<vmem>>)
    %mul3A_44 = arith.constant 2 : i32
    %mul3A_45 = arith.muli %mul3A_44, %scan3A_7 : i32
    %add3A_46 = arith.constant 1 : i32
    %add3A_47 = arith.addi %mul3A_45, %add3A_46 : i32
    %mul3A_48 = arith.constant 80 : i32
    %mul3A_49 = arith.muli %add3A_47, %mul3A_48 : i32
    %add3A_50 = arith.addi %mul3A_2, %mul3A_49 : i32
    "tpu.region"() ({
      %run_scoped3A = tpu.sem_alloc : memref<!tpu.dma_semaphore, #tpu.memory_space<semaphore_mem>>
      %dma_start3A_73 = arith.constant 0 : i32
      %dma_start3A_74 = tpu.memref_slice %arg4[%add3A_50, %dma_start3A_73] : memref<10240x128xf32, #tpu.memory_space<hbm>> -> memref<80x128xf32, #tpu.memory_space<hbm>>
      %dma_start3A_75 = arith.constant 0 : i32
      %dma_start3A_76 = tpu.memref_slice %arg4[%add3A_50, %dma_start3A_75] : memref<10240x128xf32, #tpu.memory_space<hbm>> -> memref<80x128xf32, #tpu.memory_space<hbm>>
      tpu.enqueue_dma source(%arg7 : memref<80x128xf32, #tpu.memory_space<vmem>>) target(%dma_start3A_76 : memref<80x128xf32, #tpu.memory_space<hbm>>) target_semaphore(%run_scoped3A : memref<!tpu.dma_semaphore, #tpu.memory_space<semaphore_mem>>)
      %dma_wait3A_77 = arith.constant 0 : i32
      %dma_wait3A_78 = tpu.memref_slice %arg4[%add3A_50, %dma_wait3A_77] : memref<10240x128xf32, #tpu.memory_space<hbm>> -> memref<80x128xf32, #tpu.memory_space<hbm>>
      %dma_wait3A_79 = arith.constant 0 : i32
      %dma_wait3A_80 = tpu.memref_slice %arg4[%add3A_50, %dma_wait3A_79] : memref<10240x128xf32, #tpu.memory_space<hbm>> -> memref<80x128xf32, #tpu.memory_space<hbm>>
      tpu.wait_dma2 semaphore(%run_scoped3A : memref<!tpu.dma_semaphore, #tpu.memory_space<semaphore_mem>>) src(%arg7 : memref<80x128xf32, #tpu.memory_space<vmem>>) dst(%dma_wait3A_80 : memref<80x128xf32, #tpu.memory_space<hbm>>)
      tpu.yield
    }) : () -> ()
    %scan3A_51 = arith.constant 1 : i32
    %dma_start3A_52 = arith.constant 240 : i32
    %dma_start3A_53 = tpu.memref_slice %arg5[%dma_start3A_52] : memref<320xi32, #tpu.memory_space<vmem>> -> memref<80xi32, #tpu.memory_space<vmem>>
    %dma_start3A_54 = arith.constant 0 : i32
    %dma_start3A_55 = arith.constant 0 : i32
    %dma_start3A_56 = tpu.memref_slice %arg2[%dma_start3A_54, %dma_start3A_55] : memref<100000x128xf32, #tpu.memory_space<hbm>> -> memref<100000x128xf32, #tpu.memory_space<hbm>>
    tpu.enqueue_indirect_dma source(%dma_start3A_56 : memref<100000x128xf32, #tpu.memory_space<hbm>>) target(%arg7 : memref<80x128xf32, #tpu.memory_space<vmem>>) offsets(%dma_start3A_53 : memref<80xi32, #tpu.memory_space<vmem>>) semaphore(%arg9 : memref<!tpu.dma_semaphore, #tpu.memory_space<semaphore_mem>>)
    %dma_wait3A_57 = arith.constant 0 : i32
    %dma_wait3A_58 = arith.constant 0 : i32
    %dma_wait3A_59 = tpu.memref_slice %arg2[%dma_wait3A_57, %dma_wait3A_58] : memref<100000x128xf32, #tpu.memory_space<hbm>> -> memref<80x128xf32, #tpu.memory_space<hbm>>
    %dma_wait3A_60 = arith.constant 0 : i32
    %dma_wait3A_61 = arith.constant 0 : i32
    %dma_wait3A_62 = tpu.memref_slice %arg2[%dma_wait3A_60, %dma_wait3A_61] : memref<100000x128xf32, #tpu.memory_space<hbm>> -> memref<80x128xf32, #tpu.memory_space<hbm>>
    tpu.wait_dma2 semaphore(%arg8 : memref<!tpu.dma_semaphore, #tpu.memory_space<semaphore_mem>>) src(%dma_wait3A_62 : memref<80x128xf32, #tpu.memory_space<hbm>>) dst(%arg6 : memref<80x128xf32, #tpu.memory_space<vmem>>)
    %add3A_63 = arith.constant 160 : i32
    %add3A_64 = arith.addi %mul3A_2, %add3A_63 : i32
    "tpu.region"() ({
      %run_scoped3A = tpu.sem_alloc : memref<!tpu.dma_semaphore, #tpu.memory_space<semaphore_mem>>
      %dma_start3A_73 = arith.constant 0 : i32
      %dma_start3A_74 = tpu.memref_slice %arg4[%add3A_64, %dma_start3A_73] : memref<10240x128xf32, #tpu.memory_space<hbm>> -> memref<80x128xf32, #tpu.memory_space<hbm>>
      %dma_start3A_75 = arith.constant 0 : i32
      %dma_start3A_76 = tpu.memref_slice %arg4[%add3A_64, %dma_start3A_75] : memref<10240x128xf32, #tpu.memory_space<hbm>> -> memref<80x128xf32, #tpu.memory_space<hbm>>
      tpu.enqueue_dma source(%arg6 : memref<80x128xf32, #tpu.memory_space<vmem>>) target(%dma_start3A_76 : memref<80x128xf32, #tpu.memory_space<hbm>>) target_semaphore(%run_scoped3A : memref<!tpu.dma_semaphore, #tpu.memory_space<semaphore_mem>>)
      %dma_wait3A_77 = arith.constant 0 : i32
      %dma_wait3A_78 = tpu.memref_slice %arg4[%add3A_64, %dma_wait3A_77] : memref<10240x128xf32, #tpu.memory_space<hbm>> -> memref<80x128xf32, #tpu.memory_space<hbm>>
      %dma_wait3A_79 = arith.constant 0 : i32
      %dma_wait3A_80 = tpu.memref_slice %arg4[%add3A_64, %dma_wait3A_79] : memref<10240x128xf32, #tpu.memory_space<hbm>> -> memref<80x128xf32, #tpu.memory_space<hbm>>
      tpu.wait_dma2 semaphore(%run_scoped3A : memref<!tpu.dma_semaphore, #tpu.memory_space<semaphore_mem>>) src(%arg6 : memref<80x128xf32, #tpu.memory_space<vmem>>) dst(%dma_wait3A_80 : memref<80x128xf32, #tpu.memory_space<hbm>>)
      tpu.yield
    }) : () -> ()
    %dma_wait3A_65 = arith.constant 0 : i32
    %dma_wait3A_66 = arith.constant 0 : i32
    %dma_wait3A_67 = tpu.memref_slice %arg2[%dma_wait3A_65, %dma_wait3A_66] : memref<100000x128xf32, #tpu.memory_space<hbm>> -> memref<80x128xf32, #tpu.memory_space<hbm>>
    %dma_wait3A_68 = arith.constant 0 : i32
    %dma_wait3A_69 = arith.constant 0 : i32
    %dma_wait3A_70 = tpu.memref_slice %arg2[%dma_wait3A_68, %dma_wait3A_69] : memref<100000x128xf32, #tpu.memory_space<hbm>> -> memref<80x128xf32, #tpu.memory_space<hbm>>
    tpu.wait_dma2 semaphore(%arg9 : memref<!tpu.dma_semaphore, #tpu.memory_space<semaphore_mem>>) src(%dma_wait3A_70 : memref<80x128xf32, #tpu.memory_space<hbm>>) dst(%arg7 : memref<80x128xf32, #tpu.memory_space<vmem>>)
    %add3A_71 = arith.constant 240 : i32
    %add3A_72 = arith.addi %mul3A_2, %add3A_71 : i32
    "tpu.region"() ({
      %run_scoped3A = tpu.sem_alloc : memref<!tpu.dma_semaphore, #tpu.memory_space<semaphore_mem>>
      %dma_start3A_73 = arith.constant 0 : i32
      %dma_start3A_74 = tpu.memref_slice %arg4[%add3A_72, %dma_start3A_73] : memref<10240x128xf32, #tpu.memory_space<hbm>> -> memref<80x128xf32, #tpu.memory_space<hbm>>
      %dma_start3A_75 = arith.constant 0 : i32
      %dma_start3A_76 = tpu.memref_slice %arg4[%add3A_72, %dma_start3A_75] : memref<10240x128xf32, #tpu.memory_space<hbm>> -> memref<80x128xf32, #tpu.memory_space<hbm>>
      tpu.enqueue_dma source(%arg7 : memref<80x128xf32, #tpu.memory_space<vmem>>) target(%dma_start3A_76 : memref<80x128xf32, #tpu.memory_space<hbm>>) target_semaphore(%run_scoped3A : memref<!tpu.dma_semaphore, #tpu.memory_space<semaphore_mem>>)
      %dma_wait3A_77 = arith.constant 0 : i32
      %dma_wait3A_78 = tpu.memref_slice %arg4[%add3A_72, %dma_wait3A_77] : memref<10240x128xf32, #tpu.memory_space<hbm>> -> memref<80x128xf32, #tpu.memory_space<hbm>>
      %dma_wait3A_79 = arith.constant 0 : i32
      %dma_wait3A_80 = tpu.memref_slice %arg4[%add3A_72, %dma_wait3A_79] : memref<10240x128xf32, #tpu.memory_space<hbm>> -> memref<80x128xf32, #tpu.memory_space<hbm>>
      tpu.wait_dma2 semaphore(%run_scoped3A : memref<!tpu.dma_semaphore, #tpu.memory_space<semaphore_mem>>) src(%arg7 : memref<80x128xf32, #tpu.memory_space<vmem>>) dst(%dma_wait3A_80 : memref<80x128xf32, #tpu.memory_space<hbm>>)
      tpu.yield
    }) : () -> ()
    return
  }
}

#map = affine_map<(d0, d1) -> (0, 0)>
#map1 = affine_map<(d0, d1) -> (0)>
#map2 = affine_map<(d0, d1) -> (0, 0, 0)>
module attributes {stable_mosaic.version = 14 : i64} {
  func.func @k(%arg0: i32, %arg1: i32, %arg2: memref<10240x128xf32, #tpu.memory_space<hbm>>, %arg3: memref<320000xi32, #tpu.memory_space<hbm>>, %arg4: memref<32x125x80xi32, #tpu.memory_space<hbm>>, %arg5: memref<10240x128xf32, #tpu.memory_space<hbm>>, %arg6: memref<2x10240x128xf32, #tpu.memory_space<hbm>>, %arg7: memref<10000xi32, #tpu.memory_space<vmem>>, %arg8: memref<125x80xi32, #tpu.memory_space<vmem>>, %arg9: memref<80x128xf32, #tpu.memory_space<vmem>>, %arg10: memref<80x128xf32, #tpu.memory_space<vmem>>, %arg11: memref<10240x128xf32, #tpu.memory_space<vmem_shared>>, %arg12: memref<!tpu.dma_semaphore, #tpu.memory_space<semaphore_mem>>, %arg13: memref<!tpu.dma_semaphore, #tpu.memory_space<semaphore_mem>>) attributes {dimension_semantics = [#tpu.dimension_semantics<core_parallel>, #tpu.dimension_semantics<subcore_parallel>], iteration_bounds = array<i64: 2, 16>, scalar_prefetch = 0 : i64, scratch_operands = 7 : i64, tpu.core_type = #tpu.core_type<sc_vector_subcore>, window_params = [{transform_indices = #map}, {transform_indices = #map1}, {transform_indices = #map2}, {transform_indices = #map}, {transform_indices = #map2}]} {
    %mul3A = arith.constant 16 : i32
    %mul3A_0 = arith.muli %arg0, %mul3A : i32
    %add3A = arith.addi %mul3A_0, %arg1 : i32
    %mul3A_1 = arith.constant 10000 : i32
    %mul3A_2 = arith.muli %add3A, %mul3A_1 : i32
    "tpu.region"() ({
      %run_scoped3A_26 = tpu.sem_alloc : memref<!tpu.dma_semaphore, #tpu.memory_space<semaphore_mem>>
      %dma_start3A_27 = tpu.memref_slice %arg3[%mul3A_2] : memref<320000xi32, #tpu.memory_space<hbm>> -> memref<10000xi32, #tpu.memory_space<hbm>>
      %dma_start3A_28 = tpu.memref_slice %arg3[%mul3A_2] : memref<320000xi32, #tpu.memory_space<hbm>> -> memref<10000xi32, #tpu.memory_space<hbm>>
      tpu.enqueue_dma source(%dma_start3A_28 : memref<10000xi32, #tpu.memory_space<hbm>>) target(%arg7 : memref<10000xi32, #tpu.memory_space<vmem>>) target_semaphore(%run_scoped3A_26 : memref<!tpu.dma_semaphore, #tpu.memory_space<semaphore_mem>>)
      %dma_wait3A_29 = tpu.memref_slice %arg3[%mul3A_2] : memref<320000xi32, #tpu.memory_space<hbm>> -> memref<10000xi32, #tpu.memory_space<hbm>>
      %dma_wait3A_30 = tpu.memref_slice %arg3[%mul3A_2] : memref<320000xi32, #tpu.memory_space<hbm>> -> memref<10000xi32, #tpu.memory_space<hbm>>
      tpu.wait_dma2 semaphore(%run_scoped3A_26 : memref<!tpu.dma_semaphore, #tpu.memory_space<semaphore_mem>>) src(%dma_wait3A_30 : memref<10000xi32, #tpu.memory_space<hbm>>) dst(%arg7 : memref<10000xi32, #tpu.memory_space<vmem>>)
      tpu.yield
    }) : () -> ()
    "tpu.region"() ({
      %run_scoped3A_26 = tpu.sem_alloc : memref<!tpu.dma_semaphore, #tpu.memory_space<semaphore_mem>>
      %dma_start3A_27 = arith.constant 0 : i32
      %dma_start3A_28 = arith.constant 0 : i32
      %dma_start3A_29 = tpu.memref_slice %arg4[%add3A, %dma_start3A_27, %dma_start3A_28] : memref<32x125x80xi32, #tpu.memory_space<hbm>> -> memref<1x125x80xi32, #tpu.memory_space<hbm>>
      %dma_start3A_30 = tpu.memref_squeeze %dma_start3A_29 : memref<1x125x80xi32, #tpu.memory_space<hbm>> -> memref<125x80xi32, #tpu.memory_space<hbm>>
      %dma_start3A_31 = arith.constant 0 : i32
      %dma_start3A_32 = arith.constant 0 : i32
      %dma_start3A_33 = tpu.memref_slice %arg4[%add3A, %dma_start3A_31, %dma_start3A_32] : memref<32x125x80xi32, #tpu.memory_space<hbm>> -> memref<1x125x80xi32, #tpu.memory_space<hbm>>
      %dma_start3A_34 = tpu.memref_squeeze %dma_start3A_33 : memref<1x125x80xi32, #tpu.memory_space<hbm>> -> memref<125x80xi32, #tpu.memory_space<hbm>>
      tpu.enqueue_dma source(%dma_start3A_34 : memref<125x80xi32, #tpu.memory_space<hbm>>) target(%arg8 : memref<125x80xi32, #tpu.memory_space<vmem>>) target_semaphore(%run_scoped3A_26 : memref<!tpu.dma_semaphore, #tpu.memory_space<semaphore_mem>>)
      %dma_wait3A_35 = arith.constant 0 : i32
      %dma_wait3A_36 = arith.constant 0 : i32
      %dma_wait3A_37 = tpu.memref_slice %arg4[%add3A, %dma_wait3A_35, %dma_wait3A_36] : memref<32x125x80xi32, #tpu.memory_space<hbm>> -> memref<1x125x80xi32, #tpu.memory_space<hbm>>
      %dma_wait3A_38 = tpu.memref_squeeze %dma_wait3A_37 : memref<1x125x80xi32, #tpu.memory_space<hbm>> -> memref<125x80xi32, #tpu.memory_space<hbm>>
      %dma_wait3A_39 = arith.constant 0 : i32
      %dma_wait3A_40 = arith.constant 0 : i32
      %dma_wait3A_41 = tpu.memref_slice %arg4[%add3A, %dma_wait3A_39, %dma_wait3A_40] : memref<32x125x80xi32, #tpu.memory_space<hbm>> -> memref<1x125x80xi32, #tpu.memory_space<hbm>>
      %dma_wait3A_42 = tpu.memref_squeeze %dma_wait3A_41 : memref<1x125x80xi32, #tpu.memory_space<hbm>> -> memref<125x80xi32, #tpu.memory_space<hbm>>
      tpu.wait_dma2 semaphore(%run_scoped3A_26 : memref<!tpu.dma_semaphore, #tpu.memory_space<semaphore_mem>>) src(%dma_wait3A_42 : memref<125x80xi32, #tpu.memory_space<hbm>>) dst(%arg8 : memref<125x80xi32, #tpu.memory_space<vmem>>)
      tpu.yield
    }) : () -> ()
    %mul3A_3 = arith.constant 640 : i32
    %mul3A_4 = arith.muli %arg1, %mul3A_3 : i32
    %mul3A_5 = arith.constant 640 : i32
    %mul3A_6 = arith.muli %arg1, %mul3A_5 : i32
    "tpu.region"() ({
      %run_scoped3A_26 = tpu.sem_alloc : memref<!tpu.dma_semaphore, #tpu.memory_space<semaphore_mem>>
      %dma_start3A_27 = arith.constant 0 : i32
      %dma_start3A_28 = tpu.memref_slice %arg11[%mul3A_6, %dma_start3A_27] : memref<10240x128xf32, #tpu.memory_space<vmem_shared>> -> memref<640x128xf32, #tpu.memory_space<vmem_shared>>
      %dma_start3A_29 = arith.constant 0 : i32
      %dma_start3A_30 = tpu.memref_slice %arg5[%mul3A_4, %dma_start3A_29] : memref<10240x128xf32, #tpu.memory_space<hbm>> -> memref<640x128xf32, #tpu.memory_space<hbm>>
      tpu.enqueue_dma source(%dma_start3A_30 : memref<640x128xf32, #tpu.memory_space<hbm>>) target(%dma_start3A_28 : memref<640x128xf32, #tpu.memory_space<vmem_shared>>) target_semaphore(%run_scoped3A_26 : memref<!tpu.dma_semaphore, #tpu.memory_space<semaphore_mem>>)
      %dma_wait3A_31 = arith.constant 0 : i32
      %dma_wait3A_32 = tpu.memref_slice %arg11[%mul3A_6, %dma_wait3A_31] : memref<10240x128xf32, #tpu.memory_space<vmem_shared>> -> memref<640x128xf32, #tpu.memory_space<vmem_shared>>
      %dma_wait3A_33 = arith.constant 0 : i32
      %dma_wait3A_34 = tpu.memref_slice %arg5[%mul3A_4, %dma_wait3A_33] : memref<10240x128xf32, #tpu.memory_space<hbm>> -> memref<640x128xf32, #tpu.memory_space<hbm>>
      tpu.wait_dma2 semaphore(%run_scoped3A_26 : memref<!tpu.dma_semaphore, #tpu.memory_space<semaphore_mem>>) src(%dma_wait3A_34 : memref<640x128xf32, #tpu.memory_space<hbm>>) dst(%dma_wait3A_32 : memref<640x128xf32, #tpu.memory_space<vmem_shared>>)
      tpu.yield
    }) : () -> ()
    %barrier3A = arith.constant 0 : index
    tpu.barrier barrier_id(%barrier3A)
    %dma_start3A = arith.constant 0 : i32
    %dma_start3A_7 = tpu.memref_slice %arg7[%dma_start3A] : memref<10000xi32, #tpu.memory_space<vmem>> -> memref<80xi32, #tpu.memory_space<vmem>>
    %dma_start3A_8 = arith.constant 0 : i32
    %dma_start3A_9 = arith.constant 0 : i32
    %dma_start3A_10 = tpu.memref_slice %arg2[%dma_start3A_8, %dma_start3A_9] : memref<10240x128xf32, #tpu.memory_space<hbm>> -> memref<10240x128xf32, #tpu.memory_space<hbm>>
    tpu.enqueue_indirect_dma source(%dma_start3A_10 : memref<10240x128xf32, #tpu.memory_space<hbm>>) target(%arg9 : memref<80x128xf32, #tpu.memory_space<vmem>>) offsets(%dma_start3A_7 : memref<80xi32, #tpu.memory_space<vmem>>) semaphore(%arg12 : memref<!tpu.dma_semaphore, #tpu.memory_space<semaphore_mem>>)
    %scan3A = arith.constant 0 : i32
    %scan3A_11 = arith.constant 0 : i32
    %scan3A_12 = arith.constant 62 : i32
    %scan3A_13 = arith.addi %scan3A_11, %scan3A_12 : i32
    %scan3A_14 = arith.constant 1 : i32
    scf.for %scan3A_26 = %scan3A_11 to %scan3A_13 step %scan3A_14  : i32 {
      %mul3A_27 = arith.constant 2 : i32
      %mul3A_28 = arith.muli %mul3A_27, %scan3A_26 : i32
      %add3A_29 = arith.constant 1 : i32
      %add3A_30 = arith.addi %mul3A_28, %add3A_29 : i32
      %mul3A_31 = arith.constant 80 : i32
      %mul3A_32 = arith.muli %add3A_30, %mul3A_31 : i32
      %dma_start3A_33 = tpu.memref_slice %arg7[%mul3A_32] : memref<10000xi32, #tpu.memory_space<vmem>> -> memref<80xi32, #tpu.memory_space<vmem>>
      %dma_start3A_34 = arith.constant 0 : i32
      %dma_start3A_35 = arith.constant 0 : i32
      %dma_start3A_36 = tpu.memref_slice %arg2[%dma_start3A_34, %dma_start3A_35] : memref<10240x128xf32, #tpu.memory_space<hbm>> -> memref<10240x128xf32, #tpu.memory_space<hbm>>
      tpu.enqueue_indirect_dma source(%dma_start3A_36 : memref<10240x128xf32, #tpu.memory_space<hbm>>) target(%arg10 : memref<80x128xf32, #tpu.memory_space<vmem>>) offsets(%dma_start3A_33 : memref<80xi32, #tpu.memory_space<vmem>>) semaphore(%arg13 : memref<!tpu.dma_semaphore, #tpu.memory_space<semaphore_mem>>)
      %dma_wait3A_37 = arith.constant 0 : i32
      %dma_wait3A_38 = arith.constant 0 : i32
      %dma_wait3A_39 = tpu.memref_slice %arg2[%dma_wait3A_37, %dma_wait3A_38] : memref<10240x128xf32, #tpu.memory_space<hbm>> -> memref<80x128xf32, #tpu.memory_space<hbm>>
      %dma_wait3A_40 = arith.constant 0 : i32
      %dma_wait3A_41 = arith.constant 0 : i32
      %dma_wait3A_42 = tpu.memref_slice %arg2[%dma_wait3A_40, %dma_wait3A_41] : memref<10240x128xf32, #tpu.memory_space<hbm>> -> memref<80x128xf32, #tpu.memory_space<hbm>>
      tpu.wait_dma2 semaphore(%arg12 : memref<!tpu.dma_semaphore, #tpu.memory_space<semaphore_mem>>) src(%dma_wait3A_42 : memref<80x128xf32, #tpu.memory_space<hbm>>) dst(%arg9 : memref<80x128xf32, #tpu.memory_space<vmem>>)
      %mul3A_43 = arith.constant 2 : i32
      %mul3A_44 = arith.muli %mul3A_43, %scan3A_26 : i32
      "tpu.region"() ({
        %run_scoped3A_65 = tpu.sem_alloc : memref<!tpu.dma_semaphore, #tpu.memory_space<semaphore_mem>>
        %dma_start3A_66 = arith.constant 0 : i32
        %dma_start3A_67 = tpu.memref_slice %arg8[%mul3A_44, %dma_start3A_66] : memref<125x80xi32, #tpu.memory_space<vmem>> -> memref<1x80xi32, #tpu.memory_space<vmem>>
        %dma_start3A_68 = tpu.memref_squeeze %dma_start3A_67 : memref<1x80xi32, #tpu.memory_space<vmem>> -> memref<80xi32, #tpu.memory_space<vmem>>
        %dma_start3A_69 = arith.constant 0 : i32
        %dma_start3A_70 = arith.constant 0 : i32
        %dma_start3A_71 = tpu.memref_slice %arg11[%dma_start3A_69, %dma_start3A_70] : memref<10240x128xf32, #tpu.memory_space<vmem_shared>> -> memref<10240x128xf32, #tpu.memory_space<vmem_shared>>
        tpu.enqueue_indirect_dma source(%arg9 : memref<80x128xf32, #tpu.memory_space<vmem>>) target(%dma_start3A_71 : memref<10240x128xf32, #tpu.memory_space<vmem_shared>>) offsets(%dma_start3A_68 : memref<80xi32, #tpu.memory_space<vmem>>) semaphore(%run_scoped3A_65 : memref<!tpu.dma_semaphore, #tpu.memory_space<semaphore_mem>>) {add = true}
        %dma_wait3A_72 = arith.constant 0 : i32
        %dma_wait3A_73 = tpu.memref_slice %arg8[%mul3A_44, %dma_wait3A_72] : memref<125x80xi32, #tpu.memory_space<vmem>> -> memref<1x80xi32, #tpu.memory_space<vmem>>
        %dma_wait3A_74 = tpu.memref_squeeze %dma_wait3A_73 : memref<1x80xi32, #tpu.memory_space<vmem>> -> memref<80xi32, #tpu.memory_space<vmem>>
        %dma_wait3A_75 = arith.constant 0 : i32
        %dma_wait3A_76 = arith.constant 0 : i32
        %dma_wait3A_77 = tpu.memref_slice %arg11[%dma_wait3A_75, %dma_wait3A_76] : memref<10240x128xf32, #tpu.memory_space<vmem_shared>> -> memref<10240x128xf32, #tpu.memory_space<vmem_shared>>
        tpu.wait_indirect_dma semaphore(%run_scoped3A_65 : memref<!tpu.dma_semaphore, #tpu.memory_space<semaphore_mem>>) src(%arg9 : memref<80x128xf32, #tpu.memory_space<vmem>>) dst(%dma_wait3A_77 : memref<10240x128xf32, #tpu.memory_space<vmem_shared>>)
        tpu.yield
      }) : () -> ()
      %mul3A_45 = arith.constant 2 : i32
      %mul3A_46 = arith.muli %mul3A_45, %scan3A_26 : i32
      %add3A_47 = arith.constant 2 : i32
      %add3A_48 = arith.addi %mul3A_46, %add3A_47 : i32
      %mul3A_49 = arith.constant 80 : i32
      %mul3A_50 = arith.muli %add3A_48, %mul3A_49 : i32
      %dma_start3A_51 = tpu.memref_slice %arg7[%mul3A_50] : memref<10000xi32, #tpu.memory_space<vmem>> -> memref<80xi32, #tpu.memory_space<vmem>>
      %dma_start3A_52 = arith.constant 0 : i32
      %dma_start3A_53 = arith.constant 0 : i32
      %dma_start3A_54 = tpu.memref_slice %arg2[%dma_start3A_52, %dma_start3A_53] : memref<10240x128xf32, #tpu.memory_space<hbm>> -> memref<10240x128xf32, #tpu.memory_space<hbm>>
      tpu.enqueue_indirect_dma source(%dma_start3A_54 : memref<10240x128xf32, #tpu.memory_space<hbm>>) target(%arg9 : memref<80x128xf32, #tpu.memory_space<vmem>>) offsets(%dma_start3A_51 : memref<80xi32, #tpu.memory_space<vmem>>) semaphore(%arg12 : memref<!tpu.dma_semaphore, #tpu.memory_space<semaphore_mem>>)
      %dma_wait3A_55 = arith.constant 0 : i32
      %dma_wait3A_56 = arith.constant 0 : i32
      %dma_wait3A_57 = tpu.memref_slice %arg2[%dma_wait3A_55, %dma_wait3A_56] : memref<10240x128xf32, #tpu.memory_space<hbm>> -> memref<80x128xf32, #tpu.memory_space<hbm>>
      %dma_wait3A_58 = arith.constant 0 : i32
      %dma_wait3A_59 = arith.constant 0 : i32
      %dma_wait3A_60 = tpu.memref_slice %arg2[%dma_wait3A_58, %dma_wait3A_59] : memref<10240x128xf32, #tpu.memory_space<hbm>> -> memref<80x128xf32, #tpu.memory_space<hbm>>
      tpu.wait_dma2 semaphore(%arg13 : memref<!tpu.dma_semaphore, #tpu.memory_space<semaphore_mem>>) src(%dma_wait3A_60 : memref<80x128xf32, #tpu.memory_space<hbm>>) dst(%arg10 : memref<80x128xf32, #tpu.memory_space<vmem>>)
      %mul3A_61 = arith.constant 2 : i32
      %mul3A_62 = arith.muli %mul3A_61, %scan3A_26 : i32
      %add3A_63 = arith.constant 1 : i32
      %add3A_64 = arith.addi %mul3A_62, %add3A_63 : i32
      "tpu.region"() ({
        %run_scoped3A_65 = tpu.sem_alloc : memref<!tpu.dma_semaphore, #tpu.memory_space<semaphore_mem>>
        %dma_start3A_66 = arith.constant 0 : i32
        %dma_start3A_67 = tpu.memref_slice %arg8[%add3A_64, %dma_start3A_66] : memref<125x80xi32, #tpu.memory_space<vmem>> -> memref<1x80xi32, #tpu.memory_space<vmem>>
        %dma_start3A_68 = tpu.memref_squeeze %dma_start3A_67 : memref<1x80xi32, #tpu.memory_space<vmem>> -> memref<80xi32, #tpu.memory_space<vmem>>
        %dma_start3A_69 = arith.constant 0 : i32
        %dma_start3A_70 = arith.constant 0 : i32
        %dma_start3A_71 = tpu.memref_slice %arg11[%dma_start3A_69, %dma_start3A_70] : memref<10240x128xf32, #tpu.memory_space<vmem_shared>> -> memref<10240x128xf32, #tpu.memory_space<vmem_shared>>
        tpu.enqueue_indirect_dma source(%arg10 : memref<80x128xf32, #tpu.memory_space<vmem>>) target(%dma_start3A_71 : memref<10240x128xf32, #tpu.memory_space<vmem_shared>>) offsets(%dma_start3A_68 : memref<80xi32, #tpu.memory_space<vmem>>) semaphore(%run_scoped3A_65 : memref<!tpu.dma_semaphore, #tpu.memory_space<semaphore_mem>>) {add = true}
        %dma_wait3A_72 = arith.constant 0 : i32
        %dma_wait3A_73 = tpu.memref_slice %arg8[%add3A_64, %dma_wait3A_72] : memref<125x80xi32, #tpu.memory_space<vmem>> -> memref<1x80xi32, #tpu.memory_space<vmem>>
        %dma_wait3A_74 = tpu.memref_squeeze %dma_wait3A_73 : memref<1x80xi32, #tpu.memory_space<vmem>> -> memref<80xi32, #tpu.memory_space<vmem>>
        %dma_wait3A_75 = arith.constant 0 : i32
        %dma_wait3A_76 = arith.constant 0 : i32
        %dma_wait3A_77 = tpu.memref_slice %arg11[%dma_wait3A_75, %dma_wait3A_76] : memref<10240x128xf32, #tpu.memory_space<vmem_shared>> -> memref<10240x128xf32, #tpu.memory_space<vmem_shared>>
        tpu.wait_indirect_dma semaphore(%run_scoped3A_65 : memref<!tpu.dma_semaphore, #tpu.memory_space<semaphore_mem>>) src(%arg10 : memref<80x128xf32, #tpu.memory_space<vmem>>) dst(%dma_wait3A_77 : memref<10240x128xf32, #tpu.memory_space<vmem_shared>>)
        tpu.yield
      }) : () -> ()
    }
    %scan3A_15 = arith.constant 62 : i32
    %dma_wait3A = arith.constant 0 : i32
    %dma_wait3A_16 = arith.constant 0 : i32
    %dma_wait3A_17 = tpu.memref_slice %arg2[%dma_wait3A, %dma_wait3A_16] : memref<10240x128xf32, #tpu.memory_space<hbm>> -> memref<80x128xf32, #tpu.memory_space<hbm>>
    %dma_wait3A_18 = arith.constant 0 : i32
    %dma_wait3A_19 = arith.constant 0 : i32
    %dma_wait3A_20 = tpu.memref_slice %arg2[%dma_wait3A_18, %dma_wait3A_19] : memref<10240x128xf32, #tpu.memory_space<hbm>> -> memref<80x128xf32, #tpu.memory_space<hbm>>
    tpu.wait_dma2 semaphore(%arg12 : memref<!tpu.dma_semaphore, #tpu.memory_space<semaphore_mem>>) src(%dma_wait3A_20 : memref<80x128xf32, #tpu.memory_space<hbm>>) dst(%arg9 : memref<80x128xf32, #tpu.memory_space<vmem>>)
    %run_scoped3A = arith.constant 124 : i32
    "tpu.region"() ({
      %run_scoped3A_26 = tpu.sem_alloc : memref<!tpu.dma_semaphore, #tpu.memory_space<semaphore_mem>>
      %dma_start3A_27 = arith.constant 0 : i32
      %dma_start3A_28 = tpu.memref_slice %arg8[%run_scoped3A, %dma_start3A_27] : memref<125x80xi32, #tpu.memory_space<vmem>> -> memref<1x80xi32, #tpu.memory_space<vmem>>
      %dma_start3A_29 = tpu.memref_squeeze %dma_start3A_28 : memref<1x80xi32, #tpu.memory_space<vmem>> -> memref<80xi32, #tpu.memory_space<vmem>>
      %dma_start3A_30 = arith.constant 0 : i32
      %dma_start3A_31 = arith.constant 0 : i32
      %dma_start3A_32 = tpu.memref_slice %arg11[%dma_start3A_30, %dma_start3A_31] : memref<10240x128xf32, #tpu.memory_space<vmem_shared>> -> memref<10240x128xf32, #tpu.memory_space<vmem_shared>>
      tpu.enqueue_indirect_dma source(%arg9 : memref<80x128xf32, #tpu.memory_space<vmem>>) target(%dma_start3A_32 : memref<10240x128xf32, #tpu.memory_space<vmem_shared>>) offsets(%dma_start3A_29 : memref<80xi32, #tpu.memory_space<vmem>>) semaphore(%run_scoped3A_26 : memref<!tpu.dma_semaphore, #tpu.memory_space<semaphore_mem>>) {add = true}
      %dma_wait3A_33 = arith.constant 0 : i32
      %dma_wait3A_34 = tpu.memref_slice %arg8[%run_scoped3A, %dma_wait3A_33] : memref<125x80xi32, #tpu.memory_space<vmem>> -> memref<1x80xi32, #tpu.memory_space<vmem>>
      %dma_wait3A_35 = tpu.memref_squeeze %dma_wait3A_34 : memref<1x80xi32, #tpu.memory_space<vmem>> -> memref<80xi32, #tpu.memory_space<vmem>>
      %dma_wait3A_36 = arith.constant 0 : i32
      %dma_wait3A_37 = arith.constant 0 : i32
      %dma_wait3A_38 = tpu.memref_slice %arg11[%dma_wait3A_36, %dma_wait3A_37] : memref<10240x128xf32, #tpu.memory_space<vmem_shared>> -> memref<10240x128xf32, #tpu.memory_space<vmem_shared>>
      tpu.wait_indirect_dma semaphore(%run_scoped3A_26 : memref<!tpu.dma_semaphore, #tpu.memory_space<semaphore_mem>>) src(%arg9 : memref<80x128xf32, #tpu.memory_space<vmem>>) dst(%dma_wait3A_38 : memref<10240x128xf32, #tpu.memory_space<vmem_shared>>)
      tpu.yield
    }) : () -> ()
    %barrier3A_21 = arith.constant 0 : index
    tpu.barrier barrier_id(%barrier3A_21)
    %mul3A_22 = arith.constant 640 : i32
    %mul3A_23 = arith.muli %arg1, %mul3A_22 : i32
    %mul3A_24 = arith.constant 640 : i32
    %mul3A_25 = arith.muli %arg1, %mul3A_24 : i32
    "tpu.region"() ({
      %run_scoped3A_26 = tpu.sem_alloc : memref<!tpu.dma_semaphore, #tpu.memory_space<semaphore_mem>>
      %dma_start3A_27 = arith.constant 0 : i32
      %dma_start3A_28 = tpu.memref_slice %arg6[%arg0, %mul3A_25, %dma_start3A_27] : memref<2x10240x128xf32, #tpu.memory_space<hbm>> -> memref<1x640x128xf32, #tpu.memory_space<hbm>>
      %dma_start3A_29 = tpu.memref_squeeze %dma_start3A_28 : memref<1x640x128xf32, #tpu.memory_space<hbm>> -> memref<640x128xf32, #tpu.memory_space<hbm>>
      %dma_start3A_30 = arith.constant 0 : i32
      %dma_start3A_31 = tpu.memref_slice %arg11[%mul3A_23, %dma_start3A_30] : memref<10240x128xf32, #tpu.memory_space<vmem_shared>> -> memref<640x128xf32, #tpu.memory_space<vmem_shared>>
      tpu.enqueue_dma source(%dma_start3A_31 : memref<640x128xf32, #tpu.memory_space<vmem_shared>>) target(%dma_start3A_29 : memref<640x128xf32, #tpu.memory_space<hbm>>) target_semaphore(%run_scoped3A_26 : memref<!tpu.dma_semaphore, #tpu.memory_space<semaphore_mem>>)
      %dma_wait3A_32 = arith.constant 0 : i32
      %dma_wait3A_33 = tpu.memref_slice %arg6[%arg0, %mul3A_25, %dma_wait3A_32] : memref<2x10240x128xf32, #tpu.memory_space<hbm>> -> memref<1x640x128xf32, #tpu.memory_space<hbm>>
      %dma_wait3A_34 = tpu.memref_squeeze %dma_wait3A_33 : memref<1x640x128xf32, #tpu.memory_space<hbm>> -> memref<640x128xf32, #tpu.memory_space<hbm>>
      %dma_wait3A_35 = arith.constant 0 : i32
      %dma_wait3A_36 = tpu.memref_slice %arg11[%mul3A_23, %dma_wait3A_35] : memref<10240x128xf32, #tpu.memory_space<vmem_shared>> -> memref<640x128xf32, #tpu.memory_space<vmem_shared>>
      tpu.wait_dma2 semaphore(%run_scoped3A_26 : memref<!tpu.dma_semaphore, #tpu.memory_space<semaphore_mem>>) src(%dma_wait3A_36 : memref<640x128xf32, #tpu.memory_space<vmem_shared>>) dst(%dma_wait3A_34 : memref<640x128xf32, #tpu.memory_space<hbm>>)
      tpu.yield
    }) : () -> ()
    return
  }
}

#map = affine_map<(d0, d1) -> (0, 0)>
#map1 = affine_map<(d0, d1) -> (0)>
#map2 = affine_map<(d0, d1) -> (0, 0, 0)>
module attributes {stable_mosaic.version = 14 : i64} {
  func.func @k(%arg0: i32, %arg1: i32, %arg2: memref<10240x128xf32, #tpu.memory_space<hbm>>, %arg3: memref<320000xi32, #tpu.memory_space<hbm>>, %arg4: memref<32x125x80xi32, #tpu.memory_space<hbm>>, %arg5: memref<10240x128xf32, #tpu.memory_space<hbm>>, %arg6: memref<2x10240x128xf32, #tpu.memory_space<hbm>>, %arg7: memref<10000xi32, #tpu.memory_space<vmem>>, %arg8: memref<125x80xi32, #tpu.memory_space<vmem>>, %arg9: memref<80x128xf32, #tpu.memory_space<vmem>>, %arg10: memref<80x128xf32, #tpu.memory_space<vmem>>, %arg11: memref<10240x128xf32, #tpu.memory_space<vmem_shared>>, %arg12: memref<!tpu.dma_semaphore, #tpu.memory_space<semaphore_mem>>, %arg13: memref<!tpu.dma_semaphore, #tpu.memory_space<semaphore_mem>>) attributes {dimension_semantics = [#tpu.dimension_semantics<core_parallel>, #tpu.dimension_semantics<subcore_parallel>], iteration_bounds = array<i64: 2, 16>, scalar_prefetch = 0 : i64, scratch_operands = 7 : i64, tpu.core_type = #tpu.core_type<sc_vector_subcore>, window_params = [{transform_indices = #map}, {transform_indices = #map1}, {transform_indices = #map2}, {transform_indices = #map}, {transform_indices = #map2}]} {
    %mul3A = arith.constant 16 : i32
    %mul3A_0 = arith.muli %arg0, %mul3A : i32
    %add3A = arith.addi %mul3A_0, %arg1 : i32
    %mul3A_1 = arith.constant 10000 : i32
    %mul3A_2 = arith.muli %add3A, %mul3A_1 : i32
    "tpu.region"() ({
      %run_scoped3A_26 = tpu.sem_alloc : memref<!tpu.dma_semaphore, #tpu.memory_space<semaphore_mem>>
      %dma_start3A_27 = tpu.memref_slice %arg3[%mul3A_2] : memref<320000xi32, #tpu.memory_space<hbm>> -> memref<10000xi32, #tpu.memory_space<hbm>>
      %dma_start3A_28 = tpu.memref_slice %arg3[%mul3A_2] : memref<320000xi32, #tpu.memory_space<hbm>> -> memref<10000xi32, #tpu.memory_space<hbm>>
      tpu.enqueue_dma source(%dma_start3A_28 : memref<10000xi32, #tpu.memory_space<hbm>>) target(%arg7 : memref<10000xi32, #tpu.memory_space<vmem>>) target_semaphore(%run_scoped3A_26 : memref<!tpu.dma_semaphore, #tpu.memory_space<semaphore_mem>>)
      %dma_wait3A_29 = tpu.memref_slice %arg3[%mul3A_2] : memref<320000xi32, #tpu.memory_space<hbm>> -> memref<10000xi32, #tpu.memory_space<hbm>>
      %dma_wait3A_30 = tpu.memref_slice %arg3[%mul3A_2] : memref<320000xi32, #tpu.memory_space<hbm>> -> memref<10000xi32, #tpu.memory_space<hbm>>
      tpu.wait_dma2 semaphore(%run_scoped3A_26 : memref<!tpu.dma_semaphore, #tpu.memory_space<semaphore_mem>>) src(%dma_wait3A_30 : memref<10000xi32, #tpu.memory_space<hbm>>) dst(%arg7 : memref<10000xi32, #tpu.memory_space<vmem>>)
      tpu.yield
    }) : () -> ()
    "tpu.region"() ({
      %run_scoped3A_26 = tpu.sem_alloc : memref<!tpu.dma_semaphore, #tpu.memory_space<semaphore_mem>>
      %dma_start3A_27 = arith.constant 0 : i32
      %dma_start3A_28 = arith.constant 0 : i32
      %dma_start3A_29 = tpu.memref_slice %arg4[%add3A, %dma_start3A_27, %dma_start3A_28] : memref<32x125x80xi32, #tpu.memory_space<hbm>> -> memref<1x125x80xi32, #tpu.memory_space<hbm>>
      %dma_start3A_30 = tpu.memref_squeeze %dma_start3A_29 : memref<1x125x80xi32, #tpu.memory_space<hbm>> -> memref<125x80xi32, #tpu.memory_space<hbm>>
      %dma_start3A_31 = arith.constant 0 : i32
      %dma_start3A_32 = arith.constant 0 : i32
      %dma_start3A_33 = tpu.memref_slice %arg4[%add3A, %dma_start3A_31, %dma_start3A_32] : memref<32x125x80xi32, #tpu.memory_space<hbm>> -> memref<1x125x80xi32, #tpu.memory_space<hbm>>
      %dma_start3A_34 = tpu.memref_squeeze %dma_start3A_33 : memref<1x125x80xi32, #tpu.memory_space<hbm>> -> memref<125x80xi32, #tpu.memory_space<hbm>>
      tpu.enqueue_dma source(%dma_start3A_34 : memref<125x80xi32, #tpu.memory_space<hbm>>) target(%arg8 : memref<125x80xi32, #tpu.memory_space<vmem>>) target_semaphore(%run_scoped3A_26 : memref<!tpu.dma_semaphore, #tpu.memory_space<semaphore_mem>>)
      %dma_wait3A_35 = arith.constant 0 : i32
      %dma_wait3A_36 = arith.constant 0 : i32
      %dma_wait3A_37 = tpu.memref_slice %arg4[%add3A, %dma_wait3A_35, %dma_wait3A_36] : memref<32x125x80xi32, #tpu.memory_space<hbm>> -> memref<1x125x80xi32, #tpu.memory_space<hbm>>
      %dma_wait3A_38 = tpu.memref_squeeze %dma_wait3A_37 : memref<1x125x80xi32, #tpu.memory_space<hbm>> -> memref<125x80xi32, #tpu.memory_space<hbm>>
      %dma_wait3A_39 = arith.constant 0 : i32
      %dma_wait3A_40 = arith.constant 0 : i32
      %dma_wait3A_41 = tpu.memref_slice %arg4[%add3A, %dma_wait3A_39, %dma_wait3A_40] : memref<32x125x80xi32, #tpu.memory_space<hbm>> -> memref<1x125x80xi32, #tpu.memory_space<hbm>>
      %dma_wait3A_42 = tpu.memref_squeeze %dma_wait3A_41 : memref<1x125x80xi32, #tpu.memory_space<hbm>> -> memref<125x80xi32, #tpu.memory_space<hbm>>
      tpu.wait_dma2 semaphore(%run_scoped3A_26 : memref<!tpu.dma_semaphore, #tpu.memory_space<semaphore_mem>>) src(%dma_wait3A_42 : memref<125x80xi32, #tpu.memory_space<hbm>>) dst(%arg8 : memref<125x80xi32, #tpu.memory_space<vmem>>)
      tpu.yield
    }) : () -> ()
    %mul3A_3 = arith.constant 640 : i32
    %mul3A_4 = arith.muli %arg1, %mul3A_3 : i32
    %mul3A_5 = arith.constant 640 : i32
    %mul3A_6 = arith.muli %arg1, %mul3A_5 : i32
    "tpu.region"() ({
      %run_scoped3A_26 = tpu.sem_alloc : memref<!tpu.dma_semaphore, #tpu.memory_space<semaphore_mem>>
      %dma_start3A_27 = arith.constant 0 : i32
      %dma_start3A_28 = tpu.memref_slice %arg11[%mul3A_6, %dma_start3A_27] : memref<10240x128xf32, #tpu.memory_space<vmem_shared>> -> memref<640x128xf32, #tpu.memory_space<vmem_shared>>
      %dma_start3A_29 = arith.constant 0 : i32
      %dma_start3A_30 = tpu.memref_slice %arg5[%mul3A_4, %dma_start3A_29] : memref<10240x128xf32, #tpu.memory_space<hbm>> -> memref<640x128xf32, #tpu.memory_space<hbm>>
      tpu.enqueue_dma source(%dma_start3A_30 : memref<640x128xf32, #tpu.memory_space<hbm>>) target(%dma_start3A_28 : memref<640x128xf32, #tpu.memory_space<vmem_shared>>) target_semaphore(%run_scoped3A_26 : memref<!tpu.dma_semaphore, #tpu.memory_space<semaphore_mem>>)
      %dma_wait3A_31 = arith.constant 0 : i32
      %dma_wait3A_32 = tpu.memref_slice %arg11[%mul3A_6, %dma_wait3A_31] : memref<10240x128xf32, #tpu.memory_space<vmem_shared>> -> memref<640x128xf32, #tpu.memory_space<vmem_shared>>
      %dma_wait3A_33 = arith.constant 0 : i32
      %dma_wait3A_34 = tpu.memref_slice %arg5[%mul3A_4, %dma_wait3A_33] : memref<10240x128xf32, #tpu.memory_space<hbm>> -> memref<640x128xf32, #tpu.memory_space<hbm>>
      tpu.wait_dma2 semaphore(%run_scoped3A_26 : memref<!tpu.dma_semaphore, #tpu.memory_space<semaphore_mem>>) src(%dma_wait3A_34 : memref<640x128xf32, #tpu.memory_space<hbm>>) dst(%dma_wait3A_32 : memref<640x128xf32, #tpu.memory_space<vmem_shared>>)
      tpu.yield
    }) : () -> ()
    %barrier3A = arith.constant 0 : index
    tpu.barrier barrier_id(%barrier3A)
    %dma_start3A = arith.constant 0 : i32
    %dma_start3A_7 = tpu.memref_slice %arg7[%dma_start3A] : memref<10000xi32, #tpu.memory_space<vmem>> -> memref<80xi32, #tpu.memory_space<vmem>>
    %dma_start3A_8 = arith.constant 0 : i32
    %dma_start3A_9 = arith.constant 0 : i32
    %dma_start3A_10 = tpu.memref_slice %arg2[%dma_start3A_8, %dma_start3A_9] : memref<10240x128xf32, #tpu.memory_space<hbm>> -> memref<10240x128xf32, #tpu.memory_space<hbm>>
    tpu.enqueue_indirect_dma source(%dma_start3A_10 : memref<10240x128xf32, #tpu.memory_space<hbm>>) target(%arg9 : memref<80x128xf32, #tpu.memory_space<vmem>>) offsets(%dma_start3A_7 : memref<80xi32, #tpu.memory_space<vmem>>) semaphore(%arg12 : memref<!tpu.dma_semaphore, #tpu.memory_space<semaphore_mem>>)
    %scan3A = arith.constant 0 : i32
    %scan3A_11 = arith.constant 0 : i32
    %scan3A_12 = arith.constant 62 : i32
    %scan3A_13 = arith.addi %scan3A_11, %scan3A_12 : i32
    %scan3A_14 = arith.constant 1 : i32
    scf.for %scan3A_26 = %scan3A_11 to %scan3A_13 step %scan3A_14  : i32 {
      %mul3A_27 = arith.constant 2 : i32
      %mul3A_28 = arith.muli %mul3A_27, %scan3A_26 : i32
      %add3A_29 = arith.constant 1 : i32
      %add3A_30 = arith.addi %mul3A_28, %add3A_29 : i32
      %mul3A_31 = arith.constant 80 : i32
      %mul3A_32 = arith.muli %add3A_30, %mul3A_31 : i32
      %dma_start3A_33 = tpu.memref_slice %arg7[%mul3A_32] : memref<10000xi32, #tpu.memory_space<vmem>> -> memref<80xi32, #tpu.memory_space<vmem>>
      %dma_start3A_34 = arith.constant 0 : i32
      %dma_start3A_35 = arith.constant 0 : i32
      %dma_start3A_36 = tpu.memref_slice %arg2[%dma_start3A_34, %dma_start3A_35] : memref<10240x128xf32, #tpu.memory_space<hbm>> -> memref<10240x128xf32, #tpu.memory_space<hbm>>
      tpu.enqueue_indirect_dma source(%dma_start3A_36 : memref<10240x128xf32, #tpu.memory_space<hbm>>) target(%arg10 : memref<80x128xf32, #tpu.memory_space<vmem>>) offsets(%dma_start3A_33 : memref<80xi32, #tpu.memory_space<vmem>>) semaphore(%arg13 : memref<!tpu.dma_semaphore, #tpu.memory_space<semaphore_mem>>)
      %dma_wait3A_37 = arith.constant 0 : i32
      %dma_wait3A_38 = arith.constant 0 : i32
      %dma_wait3A_39 = tpu.memref_slice %arg2[%dma_wait3A_37, %dma_wait3A_38] : memref<10240x128xf32, #tpu.memory_space<hbm>> -> memref<80x128xf32, #tpu.memory_space<hbm>>
      %dma_wait3A_40 = arith.constant 0 : i32
      %dma_wait3A_41 = arith.constant 0 : i32
      %dma_wait3A_42 = tpu.memref_slice %arg2[%dma_wait3A_40, %dma_wait3A_41] : memref<10240x128xf32, #tpu.memory_space<hbm>> -> memref<80x128xf32, #tpu.memory_space<hbm>>
      tpu.wait_dma2 semaphore(%arg12 : memref<!tpu.dma_semaphore, #tpu.memory_space<semaphore_mem>>) src(%dma_wait3A_42 : memref<80x128xf32, #tpu.memory_space<hbm>>) dst(%arg9 : memref<80x128xf32, #tpu.memory_space<vmem>>)
      %mul3A_43 = arith.constant 2 : i32
      %mul3A_44 = arith.muli %mul3A_43, %scan3A_26 : i32
      "tpu.region"() ({
        %run_scoped3A_65 = tpu.sem_alloc : memref<!tpu.dma_semaphore, #tpu.memory_space<semaphore_mem>>
        %dma_start3A_66 = arith.constant 0 : i32
        %dma_start3A_67 = tpu.memref_slice %arg8[%mul3A_44, %dma_start3A_66] : memref<125x80xi32, #tpu.memory_space<vmem>> -> memref<1x80xi32, #tpu.memory_space<vmem>>
        %dma_start3A_68 = tpu.memref_squeeze %dma_start3A_67 : memref<1x80xi32, #tpu.memory_space<vmem>> -> memref<80xi32, #tpu.memory_space<vmem>>
        %dma_start3A_69 = arith.constant 0 : i32
        %dma_start3A_70 = arith.constant 0 : i32
        %dma_start3A_71 = tpu.memref_slice %arg11[%dma_start3A_69, %dma_start3A_70] : memref<10240x128xf32, #tpu.memory_space<vmem_shared>> -> memref<10240x128xf32, #tpu.memory_space<vmem_shared>>
        tpu.enqueue_indirect_dma source(%arg9 : memref<80x128xf32, #tpu.memory_space<vmem>>) target(%dma_start3A_71 : memref<10240x128xf32, #tpu.memory_space<vmem_shared>>) offsets(%dma_start3A_68 : memref<80xi32, #tpu.memory_space<vmem>>) semaphore(%run_scoped3A_65 : memref<!tpu.dma_semaphore, #tpu.memory_space<semaphore_mem>>) {add = true}
        %dma_wait3A_72 = arith.constant 0 : i32
        %dma_wait3A_73 = tpu.memref_slice %arg8[%mul3A_44, %dma_wait3A_72] : memref<125x80xi32, #tpu.memory_space<vmem>> -> memref<1x80xi32, #tpu.memory_space<vmem>>
        %dma_wait3A_74 = tpu.memref_squeeze %dma_wait3A_73 : memref<1x80xi32, #tpu.memory_space<vmem>> -> memref<80xi32, #tpu.memory_space<vmem>>
        %dma_wait3A_75 = arith.constant 0 : i32
        %dma_wait3A_76 = arith.constant 0 : i32
        %dma_wait3A_77 = tpu.memref_slice %arg11[%dma_wait3A_75, %dma_wait3A_76] : memref<10240x128xf32, #tpu.memory_space<vmem_shared>> -> memref<10240x128xf32, #tpu.memory_space<vmem_shared>>
        tpu.wait_indirect_dma semaphore(%run_scoped3A_65 : memref<!tpu.dma_semaphore, #tpu.memory_space<semaphore_mem>>) src(%arg9 : memref<80x128xf32, #tpu.memory_space<vmem>>) dst(%dma_wait3A_77 : memref<10240x128xf32, #tpu.memory_space<vmem_shared>>)
        tpu.yield
      }) : () -> ()
      %mul3A_45 = arith.constant 2 : i32
      %mul3A_46 = arith.muli %mul3A_45, %scan3A_26 : i32
      %add3A_47 = arith.constant 2 : i32
      %add3A_48 = arith.addi %mul3A_46, %add3A_47 : i32
      %mul3A_49 = arith.constant 80 : i32
      %mul3A_50 = arith.muli %add3A_48, %mul3A_49 : i32
      %dma_start3A_51 = tpu.memref_slice %arg7[%mul3A_50] : memref<10000xi32, #tpu.memory_space<vmem>> -> memref<80xi32, #tpu.memory_space<vmem>>
      %dma_start3A_52 = arith.constant 0 : i32
      %dma_start3A_53 = arith.constant 0 : i32
      %dma_start3A_54 = tpu.memref_slice %arg2[%dma_start3A_52, %dma_start3A_53] : memref<10240x128xf32, #tpu.memory_space<hbm>> -> memref<10240x128xf32, #tpu.memory_space<hbm>>
      tpu.enqueue_indirect_dma source(%dma_start3A_54 : memref<10240x128xf32, #tpu.memory_space<hbm>>) target(%arg9 : memref<80x128xf32, #tpu.memory_space<vmem>>) offsets(%dma_start3A_51 : memref<80xi32, #tpu.memory_space<vmem>>) semaphore(%arg12 : memref<!tpu.dma_semaphore, #tpu.memory_space<semaphore_mem>>)
      %dma_wait3A_55 = arith.constant 0 : i32
      %dma_wait3A_56 = arith.constant 0 : i32
      %dma_wait3A_57 = tpu.memref_slice %arg2[%dma_wait3A_55, %dma_wait3A_56] : memref<10240x128xf32, #tpu.memory_space<hbm>> -> memref<80x128xf32, #tpu.memory_space<hbm>>
      %dma_wait3A_58 = arith.constant 0 : i32
      %dma_wait3A_59 = arith.constant 0 : i32
      %dma_wait3A_60 = tpu.memref_slice %arg2[%dma_wait3A_58, %dma_wait3A_59] : memref<10240x128xf32, #tpu.memory_space<hbm>> -> memref<80x128xf32, #tpu.memory_space<hbm>>
      tpu.wait_dma2 semaphore(%arg13 : memref<!tpu.dma_semaphore, #tpu.memory_space<semaphore_mem>>) src(%dma_wait3A_60 : memref<80x128xf32, #tpu.memory_space<hbm>>) dst(%arg10 : memref<80x128xf32, #tpu.memory_space<vmem>>)
      %mul3A_61 = arith.constant 2 : i32
      %mul3A_62 = arith.muli %mul3A_61, %scan3A_26 : i32
      %add3A_63 = arith.constant 1 : i32
      %add3A_64 = arith.addi %mul3A_62, %add3A_63 : i32
      "tpu.region"() ({
        %run_scoped3A_65 = tpu.sem_alloc : memref<!tpu.dma_semaphore, #tpu.memory_space<semaphore_mem>>
        %dma_start3A_66 = arith.constant 0 : i32
        %dma_start3A_67 = tpu.memref_slice %arg8[%add3A_64, %dma_start3A_66] : memref<125x80xi32, #tpu.memory_space<vmem>> -> memref<1x80xi32, #tpu.memory_space<vmem>>
        %dma_start3A_68 = tpu.memref_squeeze %dma_start3A_67 : memref<1x80xi32, #tpu.memory_space<vmem>> -> memref<80xi32, #tpu.memory_space<vmem>>
        %dma_start3A_69 = arith.constant 0 : i32
        %dma_start3A_70 = arith.constant 0 : i32
        %dma_start3A_71 = tpu.memref_slice %arg11[%dma_start3A_69, %dma_start3A_70] : memref<10240x128xf32, #tpu.memory_space<vmem_shared>> -> memref<10240x128xf32, #tpu.memory_space<vmem_shared>>
        tpu.enqueue_indirect_dma source(%arg10 : memref<80x128xf32, #tpu.memory_space<vmem>>) target(%dma_start3A_71 : memref<10240x128xf32, #tpu.memory_space<vmem_shared>>) offsets(%dma_start3A_68 : memref<80xi32, #tpu.memory_space<vmem>>) semaphore(%run_scoped3A_65 : memref<!tpu.dma_semaphore, #tpu.memory_space<semaphore_mem>>) {add = true}
        %dma_wait3A_72 = arith.constant 0 : i32
        %dma_wait3A_73 = tpu.memref_slice %arg8[%add3A_64, %dma_wait3A_72] : memref<125x80xi32, #tpu.memory_space<vmem>> -> memref<1x80xi32, #tpu.memory_space<vmem>>
        %dma_wait3A_74 = tpu.memref_squeeze %dma_wait3A_73 : memref<1x80xi32, #tpu.memory_space<vmem>> -> memref<80xi32, #tpu.memory_space<vmem>>
        %dma_wait3A_75 = arith.constant 0 : i32
        %dma_wait3A_76 = arith.constant 0 : i32
        %dma_wait3A_77 = tpu.memref_slice %arg11[%dma_wait3A_75, %dma_wait3A_76] : memref<10240x128xf32, #tpu.memory_space<vmem_shared>> -> memref<10240x128xf32, #tpu.memory_space<vmem_shared>>
        tpu.wait_indirect_dma semaphore(%run_scoped3A_65 : memref<!tpu.dma_semaphore, #tpu.memory_space<semaphore_mem>>) src(%arg10 : memref<80x128xf32, #tpu.memory_space<vmem>>) dst(%dma_wait3A_77 : memref<10240x128xf32, #tpu.memory_space<vmem_shared>>)
        tpu.yield
      }) : () -> ()
    }
    %scan3A_15 = arith.constant 62 : i32
    %dma_wait3A = arith.constant 0 : i32
    %dma_wait3A_16 = arith.constant 0 : i32
    %dma_wait3A_17 = tpu.memref_slice %arg2[%dma_wait3A, %dma_wait3A_16] : memref<10240x128xf32, #tpu.memory_space<hbm>> -> memref<80x128xf32, #tpu.memory_space<hbm>>
    %dma_wait3A_18 = arith.constant 0 : i32
    %dma_wait3A_19 = arith.constant 0 : i32
    %dma_wait3A_20 = tpu.memref_slice %arg2[%dma_wait3A_18, %dma_wait3A_19] : memref<10240x128xf32, #tpu.memory_space<hbm>> -> memref<80x128xf32, #tpu.memory_space<hbm>>
    tpu.wait_dma2 semaphore(%arg12 : memref<!tpu.dma_semaphore, #tpu.memory_space<semaphore_mem>>) src(%dma_wait3A_20 : memref<80x128xf32, #tpu.memory_space<hbm>>) dst(%arg9 : memref<80x128xf32, #tpu.memory_space<vmem>>)
    %run_scoped3A = arith.constant 124 : i32
    "tpu.region"() ({
      %run_scoped3A_26 = tpu.sem_alloc : memref<!tpu.dma_semaphore, #tpu.memory_space<semaphore_mem>>
      %dma_start3A_27 = arith.constant 0 : i32
      %dma_start3A_28 = tpu.memref_slice %arg8[%run_scoped3A, %dma_start3A_27] : memref<125x80xi32, #tpu.memory_space<vmem>> -> memref<1x80xi32, #tpu.memory_space<vmem>>
      %dma_start3A_29 = tpu.memref_squeeze %dma_start3A_28 : memref<1x80xi32, #tpu.memory_space<vmem>> -> memref<80xi32, #tpu.memory_space<vmem>>
      %dma_start3A_30 = arith.constant 0 : i32
      %dma_start3A_31 = arith.constant 0 : i32
      %dma_start3A_32 = tpu.memref_slice %arg11[%dma_start3A_30, %dma_start3A_31] : memref<10240x128xf32, #tpu.memory_space<vmem_shared>> -> memref<10240x128xf32, #tpu.memory_space<vmem_shared>>
      tpu.enqueue_indirect_dma source(%arg9 : memref<80x128xf32, #tpu.memory_space<vmem>>) target(%dma_start3A_32 : memref<10240x128xf32, #tpu.memory_space<vmem_shared>>) offsets(%dma_start3A_29 : memref<80xi32, #tpu.memory_space<vmem>>) semaphore(%run_scoped3A_26 : memref<!tpu.dma_semaphore, #tpu.memory_space<semaphore_mem>>) {add = true}
      %dma_wait3A_33 = arith.constant 0 : i32
      %dma_wait3A_34 = tpu.memref_slice %arg8[%run_scoped3A, %dma_wait3A_33] : memref<125x80xi32, #tpu.memory_space<vmem>> -> memref<1x80xi32, #tpu.memory_space<vmem>>
      %dma_wait3A_35 = tpu.memref_squeeze %dma_wait3A_34 : memref<1x80xi32, #tpu.memory_space<vmem>> -> memref<80xi32, #tpu.memory_space<vmem>>
      %dma_wait3A_36 = arith.constant 0 : i32
      %dma_wait3A_37 = arith.constant 0 : i32
      %dma_wait3A_38 = tpu.memref_slice %arg11[%dma_wait3A_36, %dma_wait3A_37] : memref<10240x128xf32, #tpu.memory_space<vmem_shared>> -> memref<10240x128xf32, #tpu.memory_space<vmem_shared>>
      tpu.wait_indirect_dma semaphore(%run_scoped3A_26 : memref<!tpu.dma_semaphore, #tpu.memory_space<semaphore_mem>>) src(%arg9 : memref<80x128xf32, #tpu.memory_space<vmem>>) dst(%dma_wait3A_38 : memref<10240x128xf32, #tpu.memory_space<vmem_shared>>)
      tpu.yield
    }) : () -> ()
    %barrier3A_21 = arith.constant 0 : index
    tpu.barrier barrier_id(%barrier3A_21)
    %mul3A_22 = arith.constant 640 : i32
    %mul3A_23 = arith.muli %arg1, %mul3A_22 : i32
    %mul3A_24 = arith.constant 640 : i32
    %mul3A_25 = arith.muli %arg1, %mul3A_24 : i32
    "tpu.region"() ({
      %run_scoped3A_26 = tpu.sem_alloc : memref<!tpu.dma_semaphore, #tpu.memory_space<semaphore_mem>>
      %dma_start3A_27 = arith.constant 0 : i32
      %dma_start3A_28 = tpu.memref_slice %arg6[%arg0, %mul3A_25, %dma_start3A_27] : memref<2x10240x128xf32, #tpu.memory_space<hbm>> -> memref<1x640x128xf32, #tpu.memory_space<hbm>>
      %dma_start3A_29 = tpu.memref_squeeze %dma_start3A_28 : memref<1x640x128xf32, #tpu.memory_space<hbm>> -> memref<640x128xf32, #tpu.memory_space<hbm>>
      %dma_start3A_30 = arith.constant 0 : i32
      %dma_start3A_31 = tpu.memref_slice %arg11[%mul3A_23, %dma_start3A_30] : memref<10240x128xf32, #tpu.memory_space<vmem_shared>> -> memref<640x128xf32, #tpu.memory_space<vmem_shared>>
      tpu.enqueue_dma source(%dma_start3A_31 : memref<640x128xf32, #tpu.memory_space<vmem_shared>>) target(%dma_start3A_29 : memref<640x128xf32, #tpu.memory_space<hbm>>) target_semaphore(%run_scoped3A_26 : memref<!tpu.dma_semaphore, #tpu.memory_space<semaphore_mem>>)
      %dma_wait3A_32 = arith.constant 0 : i32
      %dma_wait3A_33 = tpu.memref_slice %arg6[%arg0, %mul3A_25, %dma_wait3A_32] : memref<2x10240x128xf32, #tpu.memory_space<hbm>> -> memref<1x640x128xf32, #tpu.memory_space<hbm>>
      %dma_wait3A_34 = tpu.memref_squeeze %dma_wait3A_33 : memref<1x640x128xf32, #tpu.memory_space<hbm>> -> memref<640x128xf32, #tpu.memory_space<hbm>>
      %dma_wait3A_35 = arith.constant 0 : i32
      %dma_wait3A_36 = tpu.memref_slice %arg11[%mul3A_23, %dma_wait3A_35] : memref<10240x128xf32, #tpu.memory_space<vmem_shared>> -> memref<640x128xf32, #tpu.memory_space<vmem_shared>>
      tpu.wait_dma2 semaphore(%run_scoped3A_26 : memref<!tpu.dma_semaphore, #tpu.memory_space<semaphore_mem>>) src(%dma_wait3A_36 : memref<640x128xf32, #tpu.memory_space<vmem_shared>>) dst(%dma_wait3A_34 : memref<640x128xf32, #tpu.memory_space<hbm>>)
      tpu.yield
    }) : () -> ()
    return
  }
}

#map = affine_map<(d0, d1) -> (0, 0)>
#map1 = affine_map<(d0, d1) -> (0)>
module attributes {stable_mosaic.version = 14 : i64} {
  func.func @k(%arg0: i32, %arg1: i32, %arg2: memref<10240x128xf32, #tpu.memory_space<hbm>>, %arg3: memref<51200xi32, #tpu.memory_space<hbm>>, %arg4: memref<51200x128xf32, #tpu.memory_space<hbm>>, %arg5: memref<1600xi32, #tpu.memory_space<vmem>>, %arg6: memref<80x128xf32, #tpu.memory_space<vmem>>, %arg7: memref<80x128xf32, #tpu.memory_space<vmem>>, %arg8: memref<!tpu.dma_semaphore, #tpu.memory_space<semaphore_mem>>, %arg9: memref<!tpu.dma_semaphore, #tpu.memory_space<semaphore_mem>>) attributes {dimension_semantics = [#tpu.dimension_semantics<core_parallel>, #tpu.dimension_semantics<subcore_parallel>], iteration_bounds = array<i64: 2, 16>, scalar_prefetch = 0 : i64, scratch_operands = 5 : i64, tpu.core_type = #tpu.core_type<sc_vector_subcore>, window_params = [{transform_indices = #map}, {transform_indices = #map1}, {transform_indices = #map}]} {
    %mul3A = arith.constant 16 : i32
    %mul3A_0 = arith.muli %arg0, %mul3A : i32
    %add3A = arith.addi %mul3A_0, %arg1 : i32
    %mul3A_1 = arith.constant 1600 : i32
    %mul3A_2 = arith.muli %add3A, %mul3A_1 : i32
    "tpu.region"() ({
      %run_scoped3A = tpu.sem_alloc : memref<!tpu.dma_semaphore, #tpu.memory_space<semaphore_mem>>
      %dma_start3A_32 = tpu.memref_slice %arg3[%mul3A_2] : memref<51200xi32, #tpu.memory_space<hbm>> -> memref<1600xi32, #tpu.memory_space<hbm>>
      %dma_start3A_33 = tpu.memref_slice %arg3[%mul3A_2] : memref<51200xi32, #tpu.memory_space<hbm>> -> memref<1600xi32, #tpu.memory_space<hbm>>
      tpu.enqueue_dma source(%dma_start3A_33 : memref<1600xi32, #tpu.memory_space<hbm>>) target(%arg5 : memref<1600xi32, #tpu.memory_space<vmem>>) target_semaphore(%run_scoped3A : memref<!tpu.dma_semaphore, #tpu.memory_space<semaphore_mem>>)
      %dma_wait3A_34 = tpu.memref_slice %arg3[%mul3A_2] : memref<51200xi32, #tpu.memory_space<hbm>> -> memref<1600xi32, #tpu.memory_space<hbm>>
      %dma_wait3A_35 = tpu.memref_slice %arg3[%mul3A_2] : memref<51200xi32, #tpu.memory_space<hbm>> -> memref<1600xi32, #tpu.memory_space<hbm>>
      tpu.wait_dma2 semaphore(%run_scoped3A : memref<!tpu.dma_semaphore, #tpu.memory_space<semaphore_mem>>) src(%dma_wait3A_35 : memref<1600xi32, #tpu.memory_space<hbm>>) dst(%arg5 : memref<1600xi32, #tpu.memory_space<vmem>>)
      tpu.yield
    }) : () -> ()
    %dma_start3A = arith.constant 0 : i32
    %dma_start3A_3 = tpu.memref_slice %arg5[%dma_start3A] : memref<1600xi32, #tpu.memory_space<vmem>> -> memref<80xi32, #tpu.memory_space<vmem>>
    %dma_start3A_4 = arith.constant 0 : i32
    %dma_start3A_5 = arith.constant 0 : i32
    %dma_start3A_6 = tpu.memref_slice %arg2[%dma_start3A_4, %dma_start3A_5] : memref<10240x128xf32, #tpu.memory_space<hbm>> -> memref<10240x128xf32, #tpu.memory_space<hbm>>
    tpu.enqueue_indirect_dma source(%dma_start3A_6 : memref<10240x128xf32, #tpu.memory_space<hbm>>) target(%arg6 : memref<80x128xf32, #tpu.memory_space<vmem>>) offsets(%dma_start3A_3 : memref<80xi32, #tpu.memory_space<vmem>>) semaphore(%arg8 : memref<!tpu.dma_semaphore, #tpu.memory_space<semaphore_mem>>)
    %scan3A = arith.constant 0 : i32
    %scan3A_7 = arith.constant 0 : i32
    %scan3A_8 = arith.constant 9 : i32
    %scan3A_9 = arith.addi %scan3A_7, %scan3A_8 : i32
    %scan3A_10 = arith.constant 1 : i32
    scf.for %scan3A_32 = %scan3A_7 to %scan3A_9 step %scan3A_10  : i32 {
      %mul3A_33 = arith.constant 2 : i32
      %mul3A_34 = arith.muli %mul3A_33, %scan3A_32 : i32
      %add3A_35 = arith.constant 1 : i32
      %add3A_36 = arith.addi %mul3A_34, %add3A_35 : i32
      %mul3A_37 = arith.constant 80 : i32
      %mul3A_38 = arith.muli %add3A_36, %mul3A_37 : i32
      %dma_start3A_39 = tpu.memref_slice %arg5[%mul3A_38] : memref<1600xi32, #tpu.memory_space<vmem>> -> memref<80xi32, #tpu.memory_space<vmem>>
      %dma_start3A_40 = arith.constant 0 : i32
      %dma_start3A_41 = arith.constant 0 : i32
      %dma_start3A_42 = tpu.memref_slice %arg2[%dma_start3A_40, %dma_start3A_41] : memref<10240x128xf32, #tpu.memory_space<hbm>> -> memref<10240x128xf32, #tpu.memory_space<hbm>>
      tpu.enqueue_indirect_dma source(%dma_start3A_42 : memref<10240x128xf32, #tpu.memory_space<hbm>>) target(%arg7 : memref<80x128xf32, #tpu.memory_space<vmem>>) offsets(%dma_start3A_39 : memref<80xi32, #tpu.memory_space<vmem>>) semaphore(%arg9 : memref<!tpu.dma_semaphore, #tpu.memory_space<semaphore_mem>>)
      %dma_wait3A_43 = arith.constant 0 : i32
      %dma_wait3A_44 = arith.constant 0 : i32
      %dma_wait3A_45 = tpu.memref_slice %arg2[%dma_wait3A_43, %dma_wait3A_44] : memref<10240x128xf32, #tpu.memory_space<hbm>> -> memref<80x128xf32, #tpu.memory_space<hbm>>
      %dma_wait3A_46 = arith.constant 0 : i32
      %dma_wait3A_47 = arith.constant 0 : i32
      %dma_wait3A_48 = tpu.memref_slice %arg2[%dma_wait3A_46, %dma_wait3A_47] : memref<10240x128xf32, #tpu.memory_space<hbm>> -> memref<80x128xf32, #tpu.memory_space<hbm>>
      tpu.wait_dma2 semaphore(%arg8 : memref<!tpu.dma_semaphore, #tpu.memory_space<semaphore_mem>>) src(%dma_wait3A_48 : memref<80x128xf32, #tpu.memory_space<hbm>>) dst(%arg6 : memref<80x128xf32, #tpu.memory_space<vmem>>)
      %mul3A_49 = arith.constant 2 : i32
      %mul3A_50 = arith.muli %mul3A_49, %scan3A_32 : i32
      %mul3A_51 = arith.constant 80 : i32
      %mul3A_52 = arith.muli %mul3A_50, %mul3A_51 : i32
      %add3A_53 = arith.addi %mul3A_2, %mul3A_52 : i32
      "tpu.region"() ({
        %run_scoped3A = tpu.sem_alloc : memref<!tpu.dma_semaphore, #tpu.memory_space<semaphore_mem>>
        %dma_start3A_77 = arith.constant 0 : i32
        %dma_start3A_78 = tpu.memref_slice %arg4[%add3A_53, %dma_start3A_77] : memref<51200x128xf32, #tpu.memory_space<hbm>> -> memref<80x128xf32, #tpu.memory_space<hbm>>
        %dma_start3A_79 = arith.constant 0 : i32
        %dma_start3A_80 = tpu.memref_slice %arg4[%add3A_53, %dma_start3A_79] : memref<51200x128xf32, #tpu.memory_space<hbm>> -> memref<80x128xf32, #tpu.memory_space<hbm>>
        tpu.enqueue_dma source(%arg6 : memref<80x128xf32, #tpu.memory_space<vmem>>) target(%dma_start3A_80 : memref<80x128xf32, #tpu.memory_space<hbm>>) target_semaphore(%run_scoped3A : memref<!tpu.dma_semaphore, #tpu.memory_space<semaphore_mem>>)
        %dma_wait3A_81 = arith.constant 0 : i32
        %dma_wait3A_82 = tpu.memref_slice %arg4[%add3A_53, %dma_wait3A_81] : memref<51200x128xf32, #tpu.memory_space<hbm>> -> memref<80x128xf32, #tpu.memory_space<hbm>>
        %dma_wait3A_83 = arith.constant 0 : i32
        %dma_wait3A_84 = tpu.memref_slice %arg4[%add3A_53, %dma_wait3A_83] : memref<51200x128xf32, #tpu.memory_space<hbm>> -> memref<80x128xf32, #tpu.memory_space<hbm>>
        tpu.wait_dma2 semaphore(%run_scoped3A : memref<!tpu.dma_semaphore, #tpu.memory_space<semaphore_mem>>) src(%arg6 : memref<80x128xf32, #tpu.memory_space<vmem>>) dst(%dma_wait3A_84 : memref<80x128xf32, #tpu.memory_space<hbm>>)
        tpu.yield
      }) : () -> ()
      %mul3A_54 = arith.constant 2 : i32
      %mul3A_55 = arith.muli %mul3A_54, %scan3A_32 : i32
      %add3A_56 = arith.constant 2 : i32
      %add3A_57 = arith.addi %mul3A_55, %add3A_56 : i32
      %mul3A_58 = arith.constant 80 : i32
      %mul3A_59 = arith.muli %add3A_57, %mul3A_58 : i32
      %dma_start3A_60 = tpu.memref_slice %arg5[%mul3A_59] : memref<1600xi32, #tpu.memory_space<vmem>> -> memref<80xi32, #tpu.memory_space<vmem>>
      %dma_start3A_61 = arith.constant 0 : i32
      %dma_start3A_62 = arith.constant 0 : i32
      %dma_start3A_63 = tpu.memref_slice %arg2[%dma_start3A_61, %dma_start3A_62] : memref<10240x128xf32, #tpu.memory_space<hbm>> -> memref<10240x128xf32, #tpu.memory_space<hbm>>
      tpu.enqueue_indirect_dma source(%dma_start3A_63 : memref<10240x128xf32, #tpu.memory_space<hbm>>) target(%arg6 : memref<80x128xf32, #tpu.memory_space<vmem>>) offsets(%dma_start3A_60 : memref<80xi32, #tpu.memory_space<vmem>>) semaphore(%arg8 : memref<!tpu.dma_semaphore, #tpu.memory_space<semaphore_mem>>)
      %dma_wait3A_64 = arith.constant 0 : i32
      %dma_wait3A_65 = arith.constant 0 : i32
      %dma_wait3A_66 = tpu.memref_slice %arg2[%dma_wait3A_64, %dma_wait3A_65] : memref<10240x128xf32, #tpu.memory_space<hbm>> -> memref<80x128xf32, #tpu.memory_space<hbm>>
      %dma_wait3A_67 = arith.constant 0 : i32
      %dma_wait3A_68 = arith.constant 0 : i32
      %dma_wait3A_69 = tpu.memref_slice %arg2[%dma_wait3A_67, %dma_wait3A_68] : memref<10240x128xf32, #tpu.memory_space<hbm>> -> memref<80x128xf32, #tpu.memory_space<hbm>>
      tpu.wait_dma2 semaphore(%arg9 : memref<!tpu.dma_semaphore, #tpu.memory_space<semaphore_mem>>) src(%dma_wait3A_69 : memref<80x128xf32, #tpu.memory_space<hbm>>) dst(%arg7 : memref<80x128xf32, #tpu.memory_space<vmem>>)
      %mul3A_70 = arith.constant 2 : i32
      %mul3A_71 = arith.muli %mul3A_70, %scan3A_32 : i32
      %add3A_72 = arith.constant 1 : i32
      %add3A_73 = arith.addi %mul3A_71, %add3A_72 : i32
      %mul3A_74 = arith.constant 80 : i32
      %mul3A_75 = arith.muli %add3A_73, %mul3A_74 : i32
      %add3A_76 = arith.addi %mul3A_2, %mul3A_75 : i32
      "tpu.region"() ({
        %run_scoped3A = tpu.sem_alloc : memref<!tpu.dma_semaphore, #tpu.memory_space<semaphore_mem>>
        %dma_start3A_77 = arith.constant 0 : i32
        %dma_start3A_78 = tpu.memref_slice %arg4[%add3A_76, %dma_start3A_77] : memref<51200x128xf32, #tpu.memory_space<hbm>> -> memref<80x128xf32, #tpu.memory_space<hbm>>
        %dma_start3A_79 = arith.constant 0 : i32
        %dma_start3A_80 = tpu.memref_slice %arg4[%add3A_76, %dma_start3A_79] : memref<51200x128xf32, #tpu.memory_space<hbm>> -> memref<80x128xf32, #tpu.memory_space<hbm>>
        tpu.enqueue_dma source(%arg7 : memref<80x128xf32, #tpu.memory_space<vmem>>) target(%dma_start3A_80 : memref<80x128xf32, #tpu.memory_space<hbm>>) target_semaphore(%run_scoped3A : memref<!tpu.dma_semaphore, #tpu.memory_space<semaphore_mem>>)
        %dma_wait3A_81 = arith.constant 0 : i32
        %dma_wait3A_82 = tpu.memref_slice %arg4[%add3A_76, %dma_wait3A_81] : memref<51200x128xf32, #tpu.memory_space<hbm>> -> memref<80x128xf32, #tpu.memory_space<hbm>>
        %dma_wait3A_83 = arith.constant 0 : i32
        %dma_wait3A_84 = tpu.memref_slice %arg4[%add3A_76, %dma_wait3A_83] : memref<51200x128xf32, #tpu.memory_space<hbm>> -> memref<80x128xf32, #tpu.memory_space<hbm>>
        tpu.wait_dma2 semaphore(%run_scoped3A : memref<!tpu.dma_semaphore, #tpu.memory_space<semaphore_mem>>) src(%arg7 : memref<80x128xf32, #tpu.memory_space<vmem>>) dst(%dma_wait3A_84 : memref<80x128xf32, #tpu.memory_space<hbm>>)
        tpu.yield
      }) : () -> ()
    }
    %scan3A_11 = arith.constant 9 : i32
    %dma_start3A_12 = arith.constant 1520 : i32
    %dma_start3A_13 = tpu.memref_slice %arg5[%dma_start3A_12] : memref<1600xi32, #tpu.memory_space<vmem>> -> memref<80xi32, #tpu.memory_space<vmem>>
    %dma_start3A_14 = arith.constant 0 : i32
    %dma_start3A_15 = arith.constant 0 : i32
    %dma_start3A_16 = tpu.memref_slice %arg2[%dma_start3A_14, %dma_start3A_15] : memref<10240x128xf32, #tpu.memory_space<hbm>> -> memref<10240x128xf32, #tpu.memory_space<hbm>>
    tpu.enqueue_indirect_dma source(%dma_start3A_16 : memref<10240x128xf32, #tpu.memory_space<hbm>>) target(%arg7 : memref<80x128xf32, #tpu.memory_space<vmem>>) offsets(%dma_start3A_13 : memref<80xi32, #tpu.memory_space<vmem>>) semaphore(%arg9 : memref<!tpu.dma_semaphore, #tpu.memory_space<semaphore_mem>>)
    %dma_wait3A = arith.constant 0 : i32
    %dma_wait3A_17 = arith.constant 0 : i32
    %dma_wait3A_18 = tpu.memref_slice %arg2[%dma_wait3A, %dma_wait3A_17] : memref<10240x128xf32, #tpu.memory_space<hbm>> -> memref<80x128xf32, #tpu.memory_space<hbm>>
    %dma_wait3A_19 = arith.constant 0 : i32
    %dma_wait3A_20 = arith.constant 0 : i32
    %dma_wait3A_21 = tpu.memref_slice %arg2[%dma_wait3A_19, %dma_wait3A_20] : memref<10240x128xf32, #tpu.memory_space<hbm>> -> memref<80x128xf32, #tpu.memory_space<hbm>>
    tpu.wait_dma2 semaphore(%arg8 : memref<!tpu.dma_semaphore, #tpu.memory_space<semaphore_mem>>) src(%dma_wait3A_21 : memref<80x128xf32, #tpu.memory_space<hbm>>) dst(%arg6 : memref<80x128xf32, #tpu.memory_space<vmem>>)
    %add3A_22 = arith.constant 1440 : i32
    %add3A_23 = arith.addi %mul3A_2, %add3A_22 : i32
    "tpu.region"() ({
      %run_scoped3A = tpu.sem_alloc : memref<!tpu.dma_semaphore, #tpu.memory_space<semaphore_mem>>
      %dma_start3A_32 = arith.constant 0 : i32
      %dma_start3A_33 = tpu.memref_slice %arg4[%add3A_23, %dma_start3A_32] : memref<51200x128xf32, #tpu.memory_space<hbm>> -> memref<80x128xf32, #tpu.memory_space<hbm>>
      %dma_start3A_34 = arith.constant 0 : i32
      %dma_start3A_35 = tpu.memref_slice %arg4[%add3A_23, %dma_start3A_34] : memref<51200x128xf32, #tpu.memory_space<hbm>> -> memref<80x128xf32, #tpu.memory_space<hbm>>
      tpu.enqueue_dma source(%arg6 : memref<80x128xf32, #tpu.memory_space<vmem>>) target(%dma_start3A_35 : memref<80x128xf32, #tpu.memory_space<hbm>>) target_semaphore(%run_scoped3A : memref<!tpu.dma_semaphore, #tpu.memory_space<semaphore_mem>>)
      %dma_wait3A_36 = arith.constant 0 : i32
      %dma_wait3A_37 = tpu.memref_slice %arg4[%add3A_23, %dma_wait3A_36] : memref<51200x128xf32, #tpu.memory_space<hbm>> -> memref<80x128xf32, #tpu.memory_space<hbm>>
      %dma_wait3A_38 = arith.constant 0 : i32
      %dma_wait3A_39 = tpu.memref_slice %arg4[%add3A_23, %dma_wait3A_38] : memref<51200x128xf32, #tpu.memory_space<hbm>> -> memref<80x128xf32, #tpu.memory_space<hbm>>
      tpu.wait_dma2 semaphore(%run_scoped3A : memref<!tpu.dma_semaphore, #tpu.memory_space<semaphore_mem>>) src(%arg6 : memref<80x128xf32, #tpu.memory_space<vmem>>) dst(%dma_wait3A_39 : memref<80x128xf32, #tpu.memory_space<hbm>>)
      tpu.yield
    }) : () -> ()
    %dma_wait3A_24 = arith.constant 0 : i32
    %dma_wait3A_25 = arith.constant 0 : i32
    %dma_wait3A_26 = tpu.memref_slice %arg2[%dma_wait3A_24, %dma_wait3A_25] : memref<10240x128xf32, #tpu.memory_space<hbm>> -> memref<80x128xf32, #tpu.memory_space<hbm>>
    %dma_wait3A_27 = arith.constant 0 : i32
    %dma_wait3A_28 = arith.constant 0 : i32
    %dma_wait3A_29 = tpu.memref_slice %arg2[%dma_wait3A_27, %dma_wait3A_28] : memref<10240x128xf32, #tpu.memory_space<hbm>> -> memref<80x128xf32, #tpu.memory_space<hbm>>
    tpu.wait_dma2 semaphore(%arg9 : memref<!tpu.dma_semaphore, #tpu.memory_space<semaphore_mem>>) src(%dma_wait3A_29 : memref<80x128xf32, #tpu.memory_space<hbm>>) dst(%arg7 : memref<80x128xf32, #tpu.memory_space<vmem>>)
    %add3A_30 = arith.constant 1520 : i32
    %add3A_31 = arith.addi %mul3A_2, %add3A_30 : i32
    "tpu.region"() ({
      %run_scoped3A = tpu.sem_alloc : memref<!tpu.dma_semaphore, #tpu.memory_space<semaphore_mem>>
      %dma_start3A_32 = arith.constant 0 : i32
      %dma_start3A_33 = tpu.memref_slice %arg4[%add3A_31, %dma_start3A_32] : memref<51200x128xf32, #tpu.memory_space<hbm>> -> memref<80x128xf32, #tpu.memory_space<hbm>>
      %dma_start3A_34 = arith.constant 0 : i32
      %dma_start3A_35 = tpu.memref_slice %arg4[%add3A_31, %dma_start3A_34] : memref<51200x128xf32, #tpu.memory_space<hbm>> -> memref<80x128xf32, #tpu.memory_space<hbm>>
      tpu.enqueue_dma source(%arg7 : memref<80x128xf32, #tpu.memory_space<vmem>>) target(%dma_start3A_35 : memref<80x128xf32, #tpu.memory_space<hbm>>) target_semaphore(%run_scoped3A : memref<!tpu.dma_semaphore, #tpu.memory_space<semaphore_mem>>)
      %dma_wait3A_36 = arith.constant 0 : i32
      %dma_wait3A_37 = tpu.memref_slice %arg4[%add3A_31, %dma_wait3A_36] : memref<51200x128xf32, #tpu.memory_space<hbm>> -> memref<80x128xf32, #tpu.memory_space<hbm>>
      %dma_wait3A_38 = arith.constant 0 : i32
      %dma_wait3A_39 = tpu.memref_slice %arg4[%add3A_31, %dma_wait3A_38] : memref<51200x128xf32, #tpu.memory_space<hbm>> -> memref<80x128xf32, #tpu.memory_space<hbm>>
      tpu.wait_dma2 semaphore(%run_scoped3A : memref<!tpu.dma_semaphore, #tpu.memory_space<semaphore_mem>>) src(%arg7 : memref<80x128xf32, #tpu.memory_space<vmem>>) dst(%dma_wait3A_39 : memref<80x128xf32, #tpu.memory_space<hbm>>)
      tpu.yield
    }) : () -> ()
    return
  }
}

module attributes {stable_mosaic.version = 14 : i64} {
  func.func @body(%arg0: i32, %arg1: memref<1024x128xf32, #tpu.memory_space<vmem>>, %arg2: memref<128x128xf32, #tpu.memory_space<vmem>>, %arg3: memref<1024x128xf32, #tpu.memory_space<vmem>>) attributes {dimension_semantics = [#tpu.dimension_semantics<arbitrary>], iteration_bounds = array<i64: 10>, scalar_prefetch = 0 : i64, scratch_operands = 0 : i64, tpu.core_type = #tpu.core_type<tc>, window_params = [{transform_indices = @transform_0, window_bounds = array<i64: 1024, 128>}, {pipeline_mode = #tpu.pipeline_mode<synchronous>, transform_indices = @transform_1, window_bounds = array<i64: 128, 128>}, {transform_indices = @transform_2, window_bounds = array<i64: 1024, 128>}]} {
    %get3A = arith.constant 0 : index
    %get3A_0 = arith.constant 0 : index
    %get3A_1 = vector.load %arg1[%get3A, %get3A_0] : memref<1024x128xf32, #tpu.memory_space<vmem>>, vector<1024x128xf32>
    %get3A_2 = arith.constant 0 : index
    %get3A_3 = arith.constant 0 : index
    %get3A_4 = vector.load %arg2[%get3A_2, %get3A_3] : memref<128x128xf32, #tpu.memory_space<vmem>>, vector<128x128xf32>
    %dot_general3A = arith.constant dense<0.000000e+00> : vector<1024x128xf32>
    %dot_general3A_5 = tpu.matmul %get3A_1, %get3A_4, %dot_general3A {dimension_numbers = #tpu.dot_dimension_numbers<[1], [0], [0], [1], [0, 0, 1, 1], [], []>, transpose_lhs_hint = false} : vector<1024x128xf32>, vector<128x128xf32>, vector<1024x128xf32> -> vector<1024x128xf32>
    %swap3A = arith.constant 0 : index
    %swap3A_6 = arith.constant 0 : index
    %swap3A_7 = vector.load %arg3[%swap3A, %swap3A_6] : memref<1024x128xf32, #tpu.memory_space<vmem>>, vector<1024x128xf32>
    tpu.vector_store %arg3[%swap3A, %swap3A_6], %dot_general3A_5 {strides = array<i32>} : memref<1024x128xf32, #tpu.memory_space<vmem>>, vector<1024x128xf32>,
    return
  }
  func.func @transform_0(%arg0: i32) -> (i32, i32) {
    %c0_i32 = arith.constant 0 : i32
    %c0_i32_0 = arith.constant 0 : i32
    return %arg0, %c0_i32 : i32, i32
  }
  func.func @transform_1(%arg0: i32) -> (i32, i32) {
    %c0_i32 = arith.constant 0 : i32
    %c0_i32_0 = arith.constant 0 : i32
    %c0_i32_1 = arith.constant 0 : i32
    return %c0_i32, %c0_i32_0 : i32, i32
  }
  func.func @transform_2(%arg0: i32) -> (i32, i32) {
    %c0_i32 = arith.constant 0 : i32
    %c0_i32_0 = arith.constant 0 : i32
    return %arg0, %c0_i32 : i32, i32
  }
}

module attributes {stable_mosaic.version = 14 : i64} {
  func.func @body(%arg0: i32, %arg1: memref<2x1024x128xf32, #tpu.memory_space<vmem>>, %arg2: memref<1024x128xf32, #tpu.memory_space<vmem>>, %arg3: memref<128x384xf32, #tpu.memory_space<vmem>>, %arg4: memref<128x384xf32, #tpu.memory_space<vmem>>, %arg5: memref<1x384xf32, #tpu.memory_space<vmem>>, %arg6: memref<1x384xf32, #tpu.memory_space<vmem>>, %arg7: memref<128x128xf32, #tpu.memory_space<vmem>>, %arg8: memref<1024x128xf32, #tpu.memory_space<vmem>>, %arg9: memref<1024x128xf32, #tpu.memory_space<vmem>>) attributes {dimension_semantics = [#tpu.dimension_semantics<arbitrary>], iteration_bounds = array<i64: 10>, scalar_prefetch = 0 : i64, scratch_operands = 0 : i64, tpu.core_type = #tpu.core_type<tc>, window_params = [{transform_indices = @transform_0, window_bounds = array<i64: 2, 1024, 128>}, {transform_indices = @transform_1, window_bounds = array<i64: 1024, 128>}, {pipeline_mode = #tpu.pipeline_mode<synchronous>, transform_indices = @transform_2, window_bounds = array<i64: 128, 384>}, {pipeline_mode = #tpu.pipeline_mode<synchronous>, transform_indices = @transform_3, window_bounds = array<i64: 128, 384>}, {pipeline_mode = #tpu.pipeline_mode<synchronous>, transform_indices = @transform_4, window_bounds = array<i64: 1, 384>}, {pipeline_mode = #tpu.pipeline_mode<synchronous>, transform_indices = @transform_5, window_bounds = array<i64: 1, 384>}, {pipeline_mode = #tpu.pipeline_mode<synchronous>, transform_indices = @transform_6, window_bounds = array<i64: 128, 128>}, {transform_indices = @transform_7, window_bounds = array<i64: 1024, 128>}, {transform_indices = @transform_8, window_bounds = array<i64: 1024, 128>}]} {
    %get3A = arith.constant 0 : index
    %get3A_0 = arith.constant 0 : index
    %get3A_1 = arith.constant 0 : index
    %get3A_2 = vector.load %arg1[%get3A, %get3A_0, %get3A_1] : memref<2x1024x128xf32, #tpu.memory_space<vmem>>, vector<1x1024x128xf32>
    %get3A_3 = vector.shape_cast %get3A_2 : vector<1x1024x128xf32> to vector<1024x128xf32>
    %get3A_4 = arith.constant 1 : index
    %get3A_5 = arith.constant 0 : index
    %get3A_6 = arith.constant 0 : index
    %get3A_7 = vector.load %arg1[%get3A_4, %get3A_5, %get3A_6] : memref<2x1024x128xf32, #tpu.memory_space<vmem>>, vector<1x1024x128xf32>
    %get3A_8 = vector.shape_cast %get3A_7 : vector<1x1024x128xf32> to vector<1024x128xf32>
    %add3A = arith.addf %get3A_3, %get3A_8 : vector<1024x128xf32>
    %get3A_9 = arith.constant 0 : index
    %get3A_10 = arith.constant 0 : index
    %get3A_11 = vector.load %arg2[%get3A_9, %get3A_10] : memref<1024x128xf32, #tpu.memory_space<vmem>>, vector<1024x128xf32>
    %get3A_12 = arith.constant 0 : index
    %get3A_13 = arith.constant 0 : index
    %get3A_14 = vector.load %arg3[%get3A_12, %get3A_13] : memref<128x384xf32, #tpu.memory_space<vmem>>, vector<128x384xf32>
    %dot_general3A = arith.constant dense<0.000000e+00> : vector<1024x384xf32>
    %dot_general3A_15 = tpu.matmul %add3A, %get3A_14, %dot_general3A {dimension_numbers = #tpu.dot_dimension_numbers<[1], [0], [0], [1], [0, 0, 1, 1], [], []>, transpose_lhs_hint = false} : vector<1024x128xf32>, vector<128x384xf32>, vector<1024x384xf32> -> vector<1024x384xf32>
    %get3A_16 = arith.constant 0 : index
    %get3A_17 = arith.constant 0 : index
    %get3A_18 = vector.load %arg5[%get3A_16, %get3A_17] : memref<1x384xf32, #tpu.memory_space<vmem>>, vector<1x384xf32>
    %get3A_19 = vector.shape_cast %get3A_18 : vector<1x384xf32> to vector<384xf32>
    %broadcast_in_dim3A = vector.shape_cast %get3A_19 : vector<384xf32> to vector<1x384xf32>
    %add3A_20 = vector.broadcast %broadcast_in_dim3A : vector<1x384xf32> to vector<1024x384xf32>
    %add3A_21 = arith.addf %dot_general3A_15, %add3A_20 : vector<1024x384xf32>
    %get3A_22 = arith.constant 0 : index
    %get3A_23 = arith.constant 0 : index
    %get3A_24 = vector.load %arg4[%get3A_22, %get3A_23] : memref<128x384xf32, #tpu.memory_space<vmem>>, vector<128x384xf32>
    %dot_general3A_25 = arith.constant dense<0.000000e+00> : vector<1024x384xf32>
    %dot_general3A_26 = tpu.matmul %get3A_11, %get3A_24, %dot_general3A_25 {dimension_numbers = #tpu.dot_dimension_numbers<[1], [0], [0], [1], [0, 0, 1, 1], [], []>, transpose_lhs_hint = false} : vector<1024x128xf32>, vector<128x384xf32>, vector<1024x384xf32> -> vector<1024x384xf32>
    %get3A_27 = arith.constant 0 : index
    %get3A_28 = arith.constant 0 : index
    %get3A_29 = vector.load %arg6[%get3A_27, %get3A_28] : memref<1x384xf32, #tpu.memory_space<vmem>>, vector<1x384xf32>
    %get3A_30 = vector.shape_cast %get3A_29 : vector<1x384xf32> to vector<384xf32>
    %broadcast_in_dim3A_31 = vector.shape_cast %get3A_30 : vector<384xf32> to vector<1x384xf32>
    %add3A_32 = vector.broadcast %broadcast_in_dim3A_31 : vector<1x384xf32> to vector<1024x384xf32>
    %add3A_33 = arith.addf %dot_general3A_26, %add3A_32 : vector<1024x384xf32>
    %slice3A = vector.extract_strided_slice %add3A_21 {offsets = [0, 0], sizes = [1024, 128], strides = [1, 1]} : vector<1024x384xf32> to vector<1024x128xf32>
    %slice3A_34 = vector.extract_strided_slice %add3A_21 {offsets = [0, 128], sizes = [1024, 128], strides = [1, 1]} : vector<1024x384xf32> to vector<1024x128xf32>
    %slice3A_35 = vector.extract_strided_slice %add3A_21 {offsets = [0, 256], sizes = [1024, 128], strides = [1, 1]} : vector<1024x384xf32> to vector<1024x128xf32>
    %slice3A_36 = vector.extract_strided_slice %add3A_33 {offsets = [0, 0], sizes = [1024, 128], strides = [1, 1]} : vector<1024x384xf32> to vector<1024x128xf32>
    %slice3A_37 = vector.extract_strided_slice %add3A_33 {offsets = [0, 128], sizes = [1024, 128], strides = [1, 1]} : vector<1024x384xf32> to vector<1024x128xf32>
    %slice3A_38 = vector.extract_strided_slice %add3A_33 {offsets = [0, 256], sizes = [1024, 128], strides = [1, 1]} : vector<1024x384xf32> to vector<1024x128xf32>
    %add3A_39 = arith.addf %slice3A, %slice3A_36 : vector<1024x128xf32>
    %logistic3A = arith.negf %add3A_39 : vector<1024x128xf32>
    %logistic3A_40 = math.exp %logistic3A : vector<1024x128xf32>
    %logistic3A_41 = arith.constant 1.000000e+00 : f32
    %logistic3A_42 = vector.broadcast %logistic3A_41 : f32 to vector<1024x128xf32>
    %logistic3A_43 = arith.addf %logistic3A_42, %logistic3A_40 : vector<1024x128xf32>
    %logistic3A_44 = arith.divf %logistic3A_42, %logistic3A_43 : vector<1024x128xf32>
    %add3A_45 = arith.addf %slice3A_34, %slice3A_37 : vector<1024x128xf32>
    %logistic3A_46 = arith.negf %add3A_45 : vector<1024x128xf32>
    %logistic3A_47 = math.exp %logistic3A_46 : vector<1024x128xf32>
    %logistic3A_48 = arith.constant 1.000000e+00 : f32
    %logistic3A_49 = vector.broadcast %logistic3A_48 : f32 to vector<1024x128xf32>
    %logistic3A_50 = arith.addf %logistic3A_49, %logistic3A_47 : vector<1024x128xf32>
    %logistic3A_51 = arith.divf %logistic3A_49, %logistic3A_50 : vector<1024x128xf32>
    %mul3A = arith.mulf %logistic3A_44, %slice3A_38 : vector<1024x128xf32>
    %add3A_52 = arith.addf %slice3A_35, %mul3A : vector<1024x128xf32>
    %tanh3A = math.tanh %add3A_52 : vector<1024x128xf32>
    %sub3A = arith.constant 1.000000e+00 : f32
    %sub3A_53 = vector.broadcast %sub3A : f32 to vector<1024x128xf32>
    %sub3A_54 = arith.subf %sub3A_53, %logistic3A_51 : vector<1024x128xf32>
    %mul3A_55 = arith.mulf %sub3A_54, %tanh3A : vector<1024x128xf32>
    %mul3A_56 = arith.mulf %logistic3A_51, %get3A_11 : vector<1024x128xf32>
    %add3A_57 = arith.addf %mul3A_55, %mul3A_56 : vector<1024x128xf32>
    %swap3A = arith.constant 0 : index
    %swap3A_58 = arith.constant 0 : index
    %swap3A_59 = vector.load %arg8[%swap3A, %swap3A_58] : memref<1024x128xf32, #tpu.memory_space<vmem>>, vector<1024x128xf32>
    tpu.vector_store %arg8[%swap3A, %swap3A_58], %add3A_57 {strides = array<i32>} : memref<1024x128xf32, #tpu.memory_space<vmem>>, vector<1024x128xf32>,
    %get3A_60 = arith.constant 0 : index
    %get3A_61 = arith.constant 0 : index
    %get3A_62 = vector.load %arg7[%get3A_60, %get3A_61] : memref<128x128xf32, #tpu.memory_space<vmem>>, vector<128x128xf32>
    %dot_general3A_63 = arith.constant dense<0.000000e+00> : vector<1024x128xf32>
    %dot_general3A_64 = tpu.matmul %add3A_57, %get3A_62, %dot_general3A_63 {dimension_numbers = #tpu.dot_dimension_numbers<[1], [0], [0], [1], [0, 0, 1, 1], [], []>, transpose_lhs_hint = false} : vector<1024x128xf32>, vector<128x128xf32>, vector<1024x128xf32> -> vector<1024x128xf32>
    %swap3A_65 = arith.constant 0 : index
    %swap3A_66 = arith.constant 0 : index
    %swap3A_67 = vector.load %arg9[%swap3A_65, %swap3A_66] : memref<1024x128xf32, #tpu.memory_space<vmem>>, vector<1024x128xf32>
    tpu.vector_store %arg9[%swap3A_65, %swap3A_66], %dot_general3A_64 {strides = array<i32>} : memref<1024x128xf32, #tpu.memory_space<vmem>>, vector<1024x128xf32>,
    return
  }
  func.func @transform_0(%arg0: i32) -> (i32, i32, i32) {
    %c0_i32 = arith.constant 0 : i32
    %c0_i32_0 = arith.constant 0 : i32
    %c0_i32_1 = arith.constant 0 : i32
    return %c0_i32, %arg0, %c0_i32_0 : i32, i32, i32
  }
  func.func @transform_1(%arg0: i32) -> (i32, i32) {
    %c0_i32 = arith.constant 0 : i32
    %c0_i32_0 = arith.constant 0 : i32
    return %arg0, %c0_i32 : i32, i32
  }
  func.func @transform_2(%arg0: i32) -> (i32, i32) {
    %c0_i32 = arith.constant 0 : i32
    %c0_i32_0 = arith.constant 0 : i32
    %c0_i32_1 = arith.constant 0 : i32
    return %c0_i32, %c0_i32_0 : i32, i32
  }
  func.func @transform_3(%arg0: i32) -> (i32, i32) {
    %c0_i32 = arith.constant 0 : i32
    %c0_i32_0 = arith.constant 0 : i32
    %c0_i32_1 = arith.constant 0 : i32
    return %c0_i32, %c0_i32_0 : i32, i32
  }
  func.func @transform_4(%arg0: i32) -> (i32, i32) {
    %c0_i32 = arith.constant 0 : i32
    %c0_i32_0 = arith.constant 0 : i32
    %c0_i32_1 = arith.constant 0 : i32
    return %c0_i32, %c0_i32_0 : i32, i32
  }
  func.func @transform_5(%arg0: i32) -> (i32, i32) {
    %c0_i32 = arith.constant 0 : i32
    %c0_i32_0 = arith.constant 0 : i32
    %c0_i32_1 = arith.constant 0 : i32
    return %c0_i32, %c0_i32_0 : i32, i32
  }
  func.func @transform_6(%arg0: i32) -> (i32, i32) {
    %c0_i32 = arith.constant 0 : i32
    %c0_i32_0 = arith.constant 0 : i32
    %c0_i32_1 = arith.constant 0 : i32
    return %c0_i32, %c0_i32_0 : i32, i32
  }
  func.func @transform_7(%arg0: i32) -> (i32, i32) {
    %c0_i32 = arith.constant 0 : i32
    %c0_i32_0 = arith.constant 0 : i32
    return %arg0, %c0_i32 : i32, i32
  }
  func.func @transform_8(%arg0: i32) -> (i32, i32) {
    %c0_i32 = arith.constant 0 : i32
    %c0_i32_0 = arith.constant 0 : i32
    return %arg0, %c0_i32 : i32, i32
  }
}

module attributes {stable_mosaic.version = 14 : i64} {
  func.func @body(%arg0: i32, %arg1: memref<2x1024x128xf32, #tpu.memory_space<vmem>>, %arg2: memref<1024x128xf32, #tpu.memory_space<vmem>>, %arg3: memref<128x384xf32, #tpu.memory_space<vmem>>, %arg4: memref<128x384xf32, #tpu.memory_space<vmem>>, %arg5: memref<1x384xf32, #tpu.memory_space<vmem>>, %arg6: memref<1x384xf32, #tpu.memory_space<vmem>>, %arg7: memref<1024x128xf32, #tpu.memory_space<vmem>>) attributes {dimension_semantics = [#tpu.dimension_semantics<arbitrary>], iteration_bounds = array<i64: 10>, scalar_prefetch = 0 : i64, scratch_operands = 0 : i64, tpu.core_type = #tpu.core_type<tc>, window_params = [{transform_indices = @transform_0, window_bounds = array<i64: 2, 1024, 128>}, {transform_indices = @transform_1, window_bounds = array<i64: 1024, 128>}, {pipeline_mode = #tpu.pipeline_mode<synchronous>, transform_indices = @transform_2, window_bounds = array<i64: 128, 384>}, {pipeline_mode = #tpu.pipeline_mode<synchronous>, transform_indices = @transform_3, window_bounds = array<i64: 128, 384>}, {pipeline_mode = #tpu.pipeline_mode<synchronous>, transform_indices = @transform_4, window_bounds = array<i64: 1, 384>}, {pipeline_mode = #tpu.pipeline_mode<synchronous>, transform_indices = @transform_5, window_bounds = array<i64: 1, 384>}, {transform_indices = @transform_6, window_bounds = array<i64: 1024, 128>}]} {
    %get3A = arith.constant 0 : index
    %get3A_0 = arith.constant 0 : index
    %get3A_1 = arith.constant 0 : index
    %get3A_2 = vector.load %arg1[%get3A, %get3A_0, %get3A_1] : memref<2x1024x128xf32, #tpu.memory_space<vmem>>, vector<1x1024x128xf32>
    %get3A_3 = vector.shape_cast %get3A_2 : vector<1x1024x128xf32> to vector<1024x128xf32>
    %get3A_4 = arith.constant 1 : index
    %get3A_5 = arith.constant 0 : index
    %get3A_6 = arith.constant 0 : index
    %get3A_7 = vector.load %arg1[%get3A_4, %get3A_5, %get3A_6] : memref<2x1024x128xf32, #tpu.memory_space<vmem>>, vector<1x1024x128xf32>
    %get3A_8 = vector.shape_cast %get3A_7 : vector<1x1024x128xf32> to vector<1024x128xf32>
    %add3A = arith.addf %get3A_3, %get3A_8 : vector<1024x128xf32>
    %get3A_9 = arith.constant 0 : index
    %get3A_10 = arith.constant 0 : index
    %get3A_11 = vector.load %arg2[%get3A_9, %get3A_10] : memref<1024x128xf32, #tpu.memory_space<vmem>>, vector<1024x128xf32>
    %get3A_12 = arith.constant 0 : index
    %get3A_13 = arith.constant 0 : index
    %get3A_14 = vector.load %arg3[%get3A_12, %get3A_13] : memref<128x384xf32, #tpu.memory_space<vmem>>, vector<128x384xf32>
    %dot_general3A = arith.constant dense<0.000000e+00> : vector<1024x384xf32>
    %dot_general3A_15 = tpu.matmul %add3A, %get3A_14, %dot_general3A {dimension_numbers = #tpu.dot_dimension_numbers<[1], [0], [0], [1], [0, 0, 1, 1], [], []>, transpose_lhs_hint = false} : vector<1024x128xf32>, vector<128x384xf32>, vector<1024x384xf32> -> vector<1024x384xf32>
    %get3A_16 = arith.constant 0 : index
    %get3A_17 = arith.constant 0 : index
    %get3A_18 = vector.load %arg5[%get3A_16, %get3A_17] : memref<1x384xf32, #tpu.memory_space<vmem>>, vector<1x384xf32>
    %get3A_19 = vector.shape_cast %get3A_18 : vector<1x384xf32> to vector<384xf32>
    %broadcast_in_dim3A = vector.shape_cast %get3A_19 : vector<384xf32> to vector<1x384xf32>
    %add3A_20 = vector.broadcast %broadcast_in_dim3A : vector<1x384xf32> to vector<1024x384xf32>
    %add3A_21 = arith.addf %dot_general3A_15, %add3A_20 : vector<1024x384xf32>
    %get3A_22 = arith.constant 0 : index
    %get3A_23 = arith.constant 0 : index
    %get3A_24 = vector.load %arg4[%get3A_22, %get3A_23] : memref<128x384xf32, #tpu.memory_space<vmem>>, vector<128x384xf32>
    %dot_general3A_25 = arith.constant dense<0.000000e+00> : vector<1024x384xf32>
    %dot_general3A_26 = tpu.matmul %get3A_11, %get3A_24, %dot_general3A_25 {dimension_numbers = #tpu.dot_dimension_numbers<[1], [0], [0], [1], [0, 0, 1, 1], [], []>, transpose_lhs_hint = false} : vector<1024x128xf32>, vector<128x384xf32>, vector<1024x384xf32> -> vector<1024x384xf32>
    %get3A_27 = arith.constant 0 : index
    %get3A_28 = arith.constant 0 : index
    %get3A_29 = vector.load %arg6[%get3A_27, %get3A_28] : memref<1x384xf32, #tpu.memory_space<vmem>>, vector<1x384xf32>
    %get3A_30 = vector.shape_cast %get3A_29 : vector<1x384xf32> to vector<384xf32>
    %broadcast_in_dim3A_31 = vector.shape_cast %get3A_30 : vector<384xf32> to vector<1x384xf32>
    %add3A_32 = vector.broadcast %broadcast_in_dim3A_31 : vector<1x384xf32> to vector<1024x384xf32>
    %add3A_33 = arith.addf %dot_general3A_26, %add3A_32 : vector<1024x384xf32>
    %slice3A = vector.extract_strided_slice %add3A_21 {offsets = [0, 0], sizes = [1024, 128], strides = [1, 1]} : vector<1024x384xf32> to vector<1024x128xf32>
    %slice3A_34 = vector.extract_strided_slice %add3A_21 {offsets = [0, 128], sizes = [1024, 128], strides = [1, 1]} : vector<1024x384xf32> to vector<1024x128xf32>
    %slice3A_35 = vector.extract_strided_slice %add3A_21 {offsets = [0, 256], sizes = [1024, 128], strides = [1, 1]} : vector<1024x384xf32> to vector<1024x128xf32>
    %slice3A_36 = vector.extract_strided_slice %add3A_33 {offsets = [0, 0], sizes = [1024, 128], strides = [1, 1]} : vector<1024x384xf32> to vector<1024x128xf32>
    %slice3A_37 = vector.extract_strided_slice %add3A_33 {offsets = [0, 128], sizes = [1024, 128], strides = [1, 1]} : vector<1024x384xf32> to vector<1024x128xf32>
    %slice3A_38 = vector.extract_strided_slice %add3A_33 {offsets = [0, 256], sizes = [1024, 128], strides = [1, 1]} : vector<1024x384xf32> to vector<1024x128xf32>
    %add3A_39 = arith.addf %slice3A, %slice3A_36 : vector<1024x128xf32>
    %logistic3A = arith.negf %add3A_39 : vector<1024x128xf32>
    %logistic3A_40 = math.exp %logistic3A : vector<1024x128xf32>
    %logistic3A_41 = arith.constant 1.000000e+00 : f32
    %logistic3A_42 = vector.broadcast %logistic3A_41 : f32 to vector<1024x128xf32>
    %logistic3A_43 = arith.addf %logistic3A_42, %logistic3A_40 : vector<1024x128xf32>
    %logistic3A_44 = arith.divf %logistic3A_42, %logistic3A_43 : vector<1024x128xf32>
    %add3A_45 = arith.addf %slice3A_34, %slice3A_37 : vector<1024x128xf32>
    %logistic3A_46 = arith.negf %add3A_45 : vector<1024x128xf32>
    %logistic3A_47 = math.exp %logistic3A_46 : vector<1024x128xf32>
    %logistic3A_48 = arith.constant 1.000000e+00 : f32
    %logistic3A_49 = vector.broadcast %logistic3A_48 : f32 to vector<1024x128xf32>
    %logistic3A_50 = arith.addf %logistic3A_49, %logistic3A_47 : vector<1024x128xf32>
    %logistic3A_51 = arith.divf %logistic3A_49, %logistic3A_50 : vector<1024x128xf32>
    %mul3A = arith.mulf %logistic3A_44, %slice3A_38 : vector<1024x128xf32>
    %add3A_52 = arith.addf %slice3A_35, %mul3A : vector<1024x128xf32>
    %tanh3A = math.tanh %add3A_52 : vector<1024x128xf32>
    %sub3A = arith.constant 1.000000e+00 : f32
    %sub3A_53 = vector.broadcast %sub3A : f32 to vector<1024x128xf32>
    %sub3A_54 = arith.subf %sub3A_53, %logistic3A_51 : vector<1024x128xf32>
    %mul3A_55 = arith.mulf %sub3A_54, %tanh3A : vector<1024x128xf32>
    %mul3A_56 = arith.mulf %logistic3A_51, %get3A_11 : vector<1024x128xf32>
    %add3A_57 = arith.addf %mul3A_55, %mul3A_56 : vector<1024x128xf32>
    %swap3A = arith.constant 0 : index
    %swap3A_58 = arith.constant 0 : index
    %swap3A_59 = vector.load %arg7[%swap3A, %swap3A_58] : memref<1024x128xf32, #tpu.memory_space<vmem>>, vector<1024x128xf32>
    tpu.vector_store %arg7[%swap3A, %swap3A_58], %add3A_57 {strides = array<i32>} : memref<1024x128xf32, #tpu.memory_space<vmem>>, vector<1024x128xf32>,
    return
  }
  func.func @transform_0(%arg0: i32) -> (i32, i32, i32) {
    %c0_i32 = arith.constant 0 : i32
    %c0_i32_0 = arith.constant 0 : i32
    %c0_i32_1 = arith.constant 0 : i32
    return %c0_i32, %arg0, %c0_i32_0 : i32, i32, i32
  }
  func.func @transform_1(%arg0: i32) -> (i32, i32) {
    %c0_i32 = arith.constant 0 : i32
    %c0_i32_0 = arith.constant 0 : i32
    return %arg0, %c0_i32 : i32, i32
  }
  func.func @transform_2(%arg0: i32) -> (i32, i32) {
    %c0_i32 = arith.constant 0 : i32
    %c0_i32_0 = arith.constant 0 : i32
    %c0_i32_1 = arith.constant 0 : i32
    return %c0_i32, %c0_i32_0 : i32, i32
  }
  func.func @transform_3(%arg0: i32) -> (i32, i32) {
    %c0_i32 = arith.constant 0 : i32
    %c0_i32_0 = arith.constant 0 : i32
    %c0_i32_1 = arith.constant 0 : i32
    return %c0_i32, %c0_i32_0 : i32, i32
  }
  func.func @transform_4(%arg0: i32) -> (i32, i32) {
    %c0_i32 = arith.constant 0 : i32
    %c0_i32_0 = arith.constant 0 : i32
    %c0_i32_1 = arith.constant 0 : i32
    return %c0_i32, %c0_i32_0 : i32, i32
  }
  func.func @transform_5(%arg0: i32) -> (i32, i32) {
    %c0_i32 = arith.constant 0 : i32
    %c0_i32_0 = arith.constant 0 : i32
    %c0_i32_1 = arith.constant 0 : i32
    return %c0_i32, %c0_i32_0 : i32, i32
  }
  func.func @transform_6(%arg0: i32) -> (i32, i32) {
    %c0_i32 = arith.constant 0 : i32
    %c0_i32_0 = arith.constant 0 : i32
    return %arg0, %c0_i32 : i32, i32
  }
}

module attributes {stable_mosaic.version = 14 : i64} {
  func.func @body(%arg0: i32, %arg1: memref<50x1024xi32, #tpu.memory_space<vmem>>, %arg2: memref<104x128xf32, #tpu.memory_space<vmem>>, %arg3: memref<128x384xf32, #tpu.memory_space<vmem>>, %arg4: memref<128x384xf32, #tpu.memory_space<vmem>>, %arg5: memref<1x384xf32, #tpu.memory_space<vmem>>, %arg6: memref<1x384xf32, #tpu.memory_space<vmem>>, %arg7: memref<50x1024x128xbf16, #tpu.memory_space<vmem>>) attributes {dimension_semantics = [#tpu.dimension_semantics<arbitrary>], iteration_bounds = array<i64: 1>, scalar_prefetch = 0 : i64, scratch_operands = 0 : i64, tpu.core_type = #tpu.core_type<tc>, window_params = [{transform_indices = @transform_0, window_bounds = array<i64: 50, 1024>}, {pipeline_mode = #tpu.pipeline_mode<synchronous>, transform_indices = @transform_1, window_bounds = array<i64: 104, 128>}, {pipeline_mode = #tpu.pipeline_mode<synchronous>, transform_indices = @transform_2, window_bounds = array<i64: 128, 384>}, {pipeline_mode = #tpu.pipeline_mode<synchronous>, transform_indices = @transform_3, window_bounds = array<i64: 128, 384>}, {pipeline_mode = #tpu.pipeline_mode<synchronous>, transform_indices = @transform_4, window_bounds = array<i64: 1, 384>}, {pipeline_mode = #tpu.pipeline_mode<synchronous>, transform_indices = @transform_5, window_bounds = array<i64: 1, 384>}, {transform_indices = @transform_6, window_bounds = array<i64: 50, 1024, 128>}]} {
    %get3A = arith.constant 0 : index
    %get3A_0 = arith.constant 0 : index
    %get3A_1 = vector.load %arg2[%get3A, %get3A_0] : memref<104x128xf32, #tpu.memory_space<vmem>>, vector<104x128xf32>
    %get3A_2 = arith.constant 0 : index
    %get3A_3 = arith.constant 0 : index
    %get3A_4 = vector.load %arg3[%get3A_2, %get3A_3] : memref<128x384xf32, #tpu.memory_space<vmem>>, vector<128x384xf32>
    %dot_general3A = arith.constant dense<0.000000e+00> : vector<104x384xf32>
    %dot_general3A_5 = tpu.matmul %get3A_1, %get3A_4, %dot_general3A {dimension_numbers = #tpu.dot_dimension_numbers<[1], [0], [0], [1], [0, 0, 1, 1], [], []>, transpose_lhs_hint = false} : vector<104x128xf32>, vector<128x384xf32>, vector<104x384xf32> -> vector<104x384xf32>
    %get3A_6 = arith.constant 0 : index
    %get3A_7 = arith.constant 0 : index
    %get3A_8 = vector.load %arg4[%get3A_6, %get3A_7] : memref<128x384xf32, #tpu.memory_space<vmem>>, vector<128x384xf32>
    %get3A_9 = arith.constant 0 : index
    %get3A_10 = arith.constant 0 : index
    %get3A_11 = vector.load %arg5[%get3A_9, %get3A_10] : memref<1x384xf32, #tpu.memory_space<vmem>>, vector<1x384xf32>
    %get3A_12 = vector.shape_cast %get3A_11 : vector<1x384xf32> to vector<384xf32>
    %get3A_13 = arith.constant 0 : index
    %get3A_14 = arith.constant 0 : index
    %get3A_15 = vector.load %arg6[%get3A_13, %get3A_14] : memref<1x384xf32, #tpu.memory_space<vmem>>, vector<1x384xf32>
    %get3A_16 = vector.shape_cast %get3A_15 : vector<1x384xf32> to vector<384xf32>
    %broadcast_in_dim3A = arith.constant 0.000000e+00 : f32
    %broadcast_in_dim3A_17 = vector.broadcast %broadcast_in_dim3A : f32 to vector<1024x128xf32>
    %scan3A = arith.constant 0 : i32
    %scan3A_18 = arith.constant 50 : i32
    %scan3A_19 = arith.addi %scan3A, %scan3A_18 : i32
    %scan3A_20 = arith.constant 1 : i32
    %scan3A_21 = scf.for %scan3A_23 = %scan3A to %scan3A_19 step %scan3A_20 iter_args(%scan3A_24 = %broadcast_in_dim3A_17) -> (vector<1024x128xf32>)  : i32 {
      %get3A_25 = arith.index_cast %scan3A_23 : i32 to index
      %get3A_26 = arith.constant 0 : index
      %get3A_27 = vector.load %arg1[%get3A_25, %get3A_26] : memref<50x1024xi32, #tpu.memory_space<vmem>>, vector<1x1024xi32>
      %get3A_28 = vector.shape_cast %get3A_27 : vector<1x1024xi32> to vector<1024xi32>
      %broadcast_in_dim3A_29 = vector.shape_cast %get3A_28 : vector<1024xi32> to vector<1024x1xi32>
      %iota3A = tpu.iota {dimensions = array<i32: 1>} : vector<1x104xi32>
      %eq3A = vector.broadcast %broadcast_in_dim3A_29 : vector<1024x1xi32> to vector<1024x104xi32>
      %eq3A_30 = vector.broadcast %iota3A : vector<1x104xi32> to vector<1024x104xi32>
      %eq3A_31 = arith.cmpi eq, %eq3A, %eq3A_30 : vector<1024x104xi32>
      %convert_element_type3A = arith.extui %eq3A_31 : vector<1024x104xi1> to vector<1024x104xi32>
      %convert_element_type3A_32 = arith.sitofp %convert_element_type3A : vector<1024x104xi32> to vector<1024x104xf32>
      %dot_general3A_33 = arith.constant dense<0.000000e+00> : vector<1024x384xf32>
      %dot_general3A_34 = tpu.matmul %convert_element_type3A_32, %dot_general3A_5, %dot_general3A_33 {dimension_numbers = #tpu.dot_dimension_numbers<[1], [0], [0], [1], [0, 0, 1, 1], [], []>, transpose_lhs_hint = false} : vector<1024x104xf32>, vector<104x384xf32>, vector<1024x384xf32> -> vector<1024x384xf32>
      %broadcast_in_dim3A_35 = vector.shape_cast %get3A_12 : vector<384xf32> to vector<1x384xf32>
      %add3A = vector.broadcast %broadcast_in_dim3A_35 : vector<1x384xf32> to vector<1024x384xf32>
      %add3A_36 = arith.addf %dot_general3A_34, %add3A : vector<1024x384xf32>
      %dot_general3A_37 = arith.constant dense<0.000000e+00> : vector<1024x384xf32>
      %dot_general3A_38 = tpu.matmul %scan3A_24, %get3A_8, %dot_general3A_37 {dimension_numbers = #tpu.dot_dimension_numbers<[1], [0], [0], [1], [0, 0, 1, 1], [], []>, transpose_lhs_hint = false} : vector<1024x128xf32>, vector<128x384xf32>, vector<1024x384xf32> -> vector<1024x384xf32>
      %broadcast_in_dim3A_39 = vector.shape_cast %get3A_16 : vector<384xf32> to vector<1x384xf32>
      %add3A_40 = vector.broadcast %broadcast_in_dim3A_39 : vector<1x384xf32> to vector<1024x384xf32>
      %add3A_41 = arith.addf %dot_general3A_38, %add3A_40 : vector<1024x384xf32>
      %slice3A = vector.extract_strided_slice %add3A_36 {offsets = [0, 0], sizes = [1024, 128], strides = [1, 1]} : vector<1024x384xf32> to vector<1024x128xf32>
      %slice3A_42 = vector.extract_strided_slice %add3A_36 {offsets = [0, 128], sizes = [1024, 128], strides = [1, 1]} : vector<1024x384xf32> to vector<1024x128xf32>
      %slice3A_43 = vector.extract_strided_slice %add3A_36 {offsets = [0, 256], sizes = [1024, 128], strides = [1, 1]} : vector<1024x384xf32> to vector<1024x128xf32>
      %slice3A_44 = vector.extract_strided_slice %add3A_41 {offsets = [0, 0], sizes = [1024, 128], strides = [1, 1]} : vector<1024x384xf32> to vector<1024x128xf32>
      %slice3A_45 = vector.extract_strided_slice %add3A_41 {offsets = [0, 128], sizes = [1024, 128], strides = [1, 1]} : vector<1024x384xf32> to vector<1024x128xf32>
      %slice3A_46 = vector.extract_strided_slice %add3A_41 {offsets = [0, 256], sizes = [1024, 128], strides = [1, 1]} : vector<1024x384xf32> to vector<1024x128xf32>
      %add3A_47 = arith.addf %slice3A, %slice3A_44 : vector<1024x128xf32>
      %logistic3A = arith.negf %add3A_47 : vector<1024x128xf32>
      %logistic3A_48 = math.exp %logistic3A : vector<1024x128xf32>
      %logistic3A_49 = arith.constant 1.000000e+00 : f32
      %logistic3A_50 = vector.broadcast %logistic3A_49 : f32 to vector<1024x128xf32>
      %logistic3A_51 = arith.addf %logistic3A_50, %logistic3A_48 : vector<1024x128xf32>
      %logistic3A_52 = arith.divf %logistic3A_50, %logistic3A_51 : vector<1024x128xf32>
      %add3A_53 = arith.addf %slice3A_42, %slice3A_45 : vector<1024x128xf32>
      %logistic3A_54 = arith.negf %add3A_53 : vector<1024x128xf32>
      %logistic3A_55 = math.exp %logistic3A_54 : vector<1024x128xf32>
      %logistic3A_56 = arith.constant 1.000000e+00 : f32
      %logistic3A_57 = vector.broadcast %logistic3A_56 : f32 to vector<1024x128xf32>
      %logistic3A_58 = arith.addf %logistic3A_57, %logistic3A_55 : vector<1024x128xf32>
      %logistic3A_59 = arith.divf %logistic3A_57, %logistic3A_58 : vector<1024x128xf32>
      %mul3A = arith.mulf %logistic3A_52, %slice3A_46 : vector<1024x128xf32>
      %add3A_60 = arith.addf %slice3A_43, %mul3A : vector<1024x128xf32>
      %tanh3A = math.tanh %add3A_60 : vector<1024x128xf32>
      %sub3A = arith.constant 1.000000e+00 : f32
      %sub3A_61 = vector.broadcast %sub3A : f32 to vector<1024x128xf32>
      %sub3A_62 = arith.subf %sub3A_61, %logistic3A_59 : vector<1024x128xf32>
      %mul3A_63 = arith.mulf %sub3A_62, %tanh3A : vector<1024x128xf32>
      %mul3A_64 = arith.mulf %logistic3A_59, %scan3A_24 : vector<1024x128xf32>
      %add3A_65 = arith.addf %mul3A_63, %mul3A_64 : vector<1024x128xf32>
      %convert_element_type3A_66 = arith.truncf %add3A_65 : vector<1024x128xf32> to vector<1024x128xbf16>
      %swap3A = arith.index_cast %scan3A_23 : i32 to index
      %swap3A_67 = arith.constant 0 : index
      %swap3A_68 = arith.constant 0 : index
      %swap3A_69 = vector.load %arg7[%swap3A, %swap3A_67, %swap3A_68] : memref<50x1024x128xbf16, #tpu.memory_space<vmem>>, vector<1x1024x128xbf16>
      %swap3A_70 = vector.shape_cast %swap3A_69 : vector<1x1024x128xbf16> to vector<1024x128xbf16>
      %swap3A_71 = vector.shape_cast %convert_element_type3A_66 : vector<1024x128xbf16> to vector<1x1024x128xbf16>
      tpu.vector_store %arg7[%swap3A, %swap3A_67, %swap3A_68], %swap3A_71 {strides = array<i32>} : memref<50x1024x128xbf16, #tpu.memory_space<vmem>>, vector<1x1024x128xbf16>,
      scf.yield %add3A_65 : vector<1024x128xf32>
    }
    %scan3A_22 = arith.constant 50 : i32
    return
  }
  func.func @transform_0(%arg0: i32) -> (i32, i32) {
    %c0_i32 = arith.constant 0 : i32
    %c0_i32_0 = arith.constant 0 : i32
    return %c0_i32, %arg0 : i32, i32
  }
  func.func @transform_1(%arg0: i32) -> (i32, i32) {
    %c0_i32 = arith.constant 0 : i32
    %c0_i32_0 = arith.constant 0 : i32
    %c0_i32_1 = arith.constant 0 : i32
    return %c0_i32, %c0_i32_0 : i32, i32
  }
  func.func @transform_2(%arg0: i32) -> (i32, i32) {
    %c0_i32 = arith.constant 0 : i32
    %c0_i32_0 = arith.constant 0 : i32
    %c0_i32_1 = arith.constant 0 : i32
    return %c0_i32, %c0_i32_0 : i32, i32
  }
  func.func @transform_3(%arg0: i32) -> (i32, i32) {
    %c0_i32 = arith.constant 0 : i32
    %c0_i32_0 = arith.constant 0 : i32
    %c0_i32_1 = arith.constant 0 : i32
    return %c0_i32, %c0_i32_0 : i32, i32
  }
  func.func @transform_4(%arg0: i32) -> (i32, i32) {
    %c0_i32 = arith.constant 0 : i32
    %c0_i32_0 = arith.constant 0 : i32
    %c0_i32_1 = arith.constant 0 : i32
    return %c0_i32, %c0_i32_0 : i32, i32
  }
  func.func @transform_5(%arg0: i32) -> (i32, i32) {
    %c0_i32 = arith.constant 0 : i32
    %c0_i32_0 = arith.constant 0 : i32
    %c0_i32_1 = arith.constant 0 : i32
    return %c0_i32, %c0_i32_0 : i32, i32
  }
  func.func @transform_6(%arg0: i32) -> (i32, i32, i32) {
    %c0_i32 = arith.constant 0 : i32
    %c0_i32_0 = arith.constant 0 : i32
    %c0_i32_1 = arith.constant 0 : i32
    return %c0_i32, %arg0, %c0_i32_0 : i32, i32, i32
  }
}

module attributes {stable_mosaic.version = 14 : i64} {
  func.func @body(%arg0: i32, %arg1: memref<50x128x128xf32, #tpu.memory_space<vmem>>, %arg2: memref<50x128x128xbf16, #tpu.memory_space<vmem>>, %arg3: memref<50x128xf32, #tpu.memory_space<vmem>>, %arg4: memref<2x128x256xf32, #tpu.memory_space<vmem>>, %arg5: memref<1x256xf32, #tpu.memory_space<vmem>>, %arg6: memref<2x128x256xf32, #tpu.memory_space<vmem>>, %arg7: memref<1x256xf32, #tpu.memory_space<vmem>>, %arg8: memref<1x256xf32, #tpu.memory_space<vmem>>, %arg9: memref<1x1xf32, #tpu.memory_space<vmem>>, %arg10: memref<4x128x128xf32, #tpu.memory_space<vmem>>, %arg11: memref<1x128xf32, #tpu.memory_space<vmem>>, %arg12: memref<128x10000xf32, #tpu.memory_space<vmem>>, %arg13: memref<128x10000xf32, #tpu.memory_space<vmem>>) attributes {dimension_semantics = [#tpu.dimension_semantics<arbitrary>], iteration_bounds = array<i64: 8>, scalar_prefetch = 0 : i64, scratch_operands = 0 : i64, tpu.core_type = #tpu.core_type<tc>, window_params = [{transform_indices = @transform_0, window_bounds = array<i64: 50, 128, 128>}, {transform_indices = @transform_1, window_bounds = array<i64: 50, 128, 128>}, {transform_indices = @transform_2, window_bounds = array<i64: 50, 128>}, {pipeline_mode = #tpu.pipeline_mode<synchronous>, transform_indices = @transform_3, window_bounds = array<i64: 2, 128, 256>}, {pipeline_mode = #tpu.pipeline_mode<synchronous>, transform_indices = @transform_4, window_bounds = array<i64: 1, 256>}, {pipeline_mode = #tpu.pipeline_mode<synchronous>, transform_indices = @transform_5, window_bounds = array<i64: 2, 128, 256>}, {pipeline_mode = #tpu.pipeline_mode<synchronous>, transform_indices = @transform_6, window_bounds = array<i64: 1, 256>}, {pipeline_mode = #tpu.pipeline_mode<synchronous>, transform_indices = @transform_7, window_bounds = array<i64: 1, 256>}, {pipeline_mode = #tpu.pipeline_mode<synchronous>, transform_indices = @transform_8, window_bounds = array<i64: 1, 1>}, {pipeline_mode = #tpu.pipeline_mode<synchronous>, transform_indices = @transform_9, window_bounds = array<i64: 4, 128, 128>}, {pipeline_mode = #tpu.pipeline_mode<synchronous>, transform_indices = @transform_10, window_bounds = array<i64: 1, 128>}, {pipeline_mode = #tpu.pipeline_mode<synchronous>, transform_indices = @transform_11, window_bounds = array<i64: 128, 10000>}, {transform_indices = @transform_12, window_bounds = array<i64: 128, 10000>}]} {
    %get3A = arith.constant 0 : index
    %get3A_0 = arith.constant 0 : index
    %get3A_1 = arith.constant 0 : index
    %get3A_2 = vector.load %arg1[%get3A, %get3A_0, %get3A_1] : memref<50x128x128xf32, #tpu.memory_space<vmem>>, vector<50x128x128xf32>
    %get3A_3 = arith.constant 0 : index
    %get3A_4 = arith.constant 0 : index
    %get3A_5 = arith.constant 0 : index
    %get3A_6 = vector.load %arg2[%get3A_3, %get3A_4, %get3A_5] : memref<50x128x128xbf16, #tpu.memory_space<vmem>>, vector<50x128x128xbf16>
    %slice3A = vector.extract_strided_slice %get3A_2 {offsets = [49, 0, 0], sizes = [1, 128, 128], strides = [1, 1, 1]} : vector<50x128x128xf32> to vector<1x128x128xf32>
    %squeeze3A = vector.shape_cast %slice3A : vector<1x128x128xf32> to vector<128x128xf32>
    %slice3A_7 = vector.extract_strided_slice %get3A_6 {offsets = [49, 0, 0], sizes = [1, 128, 128], strides = [1, 1, 1]} : vector<50x128x128xbf16> to vector<1x128x128xbf16>
    %squeeze3A_8 = vector.shape_cast %slice3A_7 : vector<1x128x128xbf16> to vector<128x128xbf16>
    %convert_element_type3A = arith.extf %squeeze3A_8 : vector<128x128xbf16> to vector<128x128xf32>
    %get3A_9 = arith.constant 0 : index
    %get3A_10 = arith.constant 0 : index
    %get3A_11 = arith.constant 0 : index
    %get3A_12 = vector.load %arg4[%get3A_9, %get3A_10, %get3A_11] : memref<2x128x256xf32, #tpu.memory_space<vmem>>, vector<1x128x256xf32>
    %get3A_13 = vector.shape_cast %get3A_12 : vector<1x128x256xf32> to vector<128x256xf32>
    %dot_general3A = arith.constant dense<0.000000e+00> : vector<128x256xf32>
    %dot_general3A_14 = tpu.matmul %squeeze3A, %get3A_13, %dot_general3A {dimension_numbers = #tpu.dot_dimension_numbers<[1], [0], [0], [1], [0, 0, 1, 1], [], []>, transpose_lhs_hint = false} : vector<128x128xf32>, vector<128x256xf32>, vector<128x256xf32> -> vector<128x256xf32>
    %get3A_15 = arith.constant 1 : index
    %get3A_16 = arith.constant 0 : index
    %get3A_17 = arith.constant 0 : index
    %get3A_18 = vector.load %arg4[%get3A_15, %get3A_16, %get3A_17] : memref<2x128x256xf32, #tpu.memory_space<vmem>>, vector<1x128x256xf32>
    %get3A_19 = vector.shape_cast %get3A_18 : vector<1x128x256xf32> to vector<128x256xf32>
    %dot_general3A_20 = arith.constant dense<0.000000e+00> : vector<128x256xf32>
    %dot_general3A_21 = tpu.matmul %convert_element_type3A, %get3A_19, %dot_general3A_20 {dimension_numbers = #tpu.dot_dimension_numbers<[1], [0], [0], [1], [0, 0, 1, 1], [], []>, transpose_lhs_hint = false} : vector<128x128xf32>, vector<128x256xf32>, vector<128x256xf32> -> vector<128x256xf32>
    %add3A = arith.addf %dot_general3A_14, %dot_general3A_21 : vector<128x256xf32>
    %get3A_22 = arith.constant 0 : index
    %get3A_23 = arith.constant 0 : index
    %get3A_24 = vector.load %arg5[%get3A_22, %get3A_23] : memref<1x256xf32, #tpu.memory_space<vmem>>, vector<1x256xf32>
    %get3A_25 = vector.shape_cast %get3A_24 : vector<1x256xf32> to vector<256xf32>
    %broadcast_in_dim3A = vector.shape_cast %get3A_25 : vector<256xf32> to vector<1x256xf32>
    %add3A_26 = vector.broadcast %broadcast_in_dim3A : vector<1x256xf32> to vector<128x256xf32>
    %add3A_27 = arith.addf %add3A, %add3A_26 : vector<128x256xf32>
    %reshape3A = vector.shape_cast %get3A_2 : vector<50x128x128xf32> to vector<6400x128xf32>
    %reshape3A_28 = vector.shape_cast %get3A_6 : vector<50x128x128xbf16> to vector<6400x128xbf16>
    %convert_element_type3A_29 = arith.truncf %reshape3A : vector<6400x128xf32> to vector<6400x128xbf16>
    %get3A_30 = arith.constant 0 : index
    %get3A_31 = arith.constant 0 : index
    %get3A_32 = arith.constant 0 : index
    %get3A_33 = vector.load %arg6[%get3A_30, %get3A_31, %get3A_32] : memref<2x128x256xf32, #tpu.memory_space<vmem>>, vector<1x128x256xf32>
    %get3A_34 = vector.shape_cast %get3A_33 : vector<1x128x256xf32> to vector<128x256xf32>
    %convert_element_type3A_35 = arith.truncf %get3A_34 : vector<128x256xf32> to vector<128x256xbf16>
    %dot_general3A_36 = arith.constant dense<0.000000e+00> : vector<6400x256xf32>
    %dot_general3A_37 = tpu.matmul %convert_element_type3A_29, %convert_element_type3A_35, %dot_general3A_36 {dimension_numbers = #tpu.dot_dimension_numbers<[1], [0], [0], [1], [0, 0, 1, 1], [], []>, transpose_lhs_hint = false} : vector<6400x128xbf16>, vector<128x256xbf16>, vector<6400x256xf32> -> vector<6400x256xf32>
    %get3A_38 = arith.constant 1 : index
    %get3A_39 = arith.constant 0 : index
    %get3A_40 = arith.constant 0 : index
    %get3A_41 = vector.load %arg6[%get3A_38, %get3A_39, %get3A_40] : memref<2x128x256xf32, #tpu.memory_space<vmem>>, vector<1x128x256xf32>
    %get3A_42 = vector.shape_cast %get3A_41 : vector<1x128x256xf32> to vector<128x256xf32>
    %convert_element_type3A_43 = arith.truncf %get3A_42 : vector<128x256xf32> to vector<128x256xbf16>
    %dot_general3A_44 = arith.constant dense<0.000000e+00> : vector<6400x256xf32>
    %dot_general3A_45 = tpu.matmul %reshape3A_28, %convert_element_type3A_43, %dot_general3A_44 {dimension_numbers = #tpu.dot_dimension_numbers<[1], [0], [0], [1], [0, 0, 1, 1], [], []>, transpose_lhs_hint = false} : vector<6400x128xbf16>, vector<128x256xbf16>, vector<6400x256xf32> -> vector<6400x256xf32>
    %add3A_46 = arith.addf %dot_general3A_37, %dot_general3A_45 : vector<6400x256xf32>
    %get3A_47 = arith.constant 0 : index
    %get3A_48 = arith.constant 0 : index
    %get3A_49 = vector.load %arg7[%get3A_47, %get3A_48] : memref<1x256xf32, #tpu.memory_space<vmem>>, vector<1x256xf32>
    %get3A_50 = vector.shape_cast %get3A_49 : vector<1x256xf32> to vector<256xf32>
    %broadcast_in_dim3A_51 = vector.shape_cast %get3A_50 : vector<256xf32> to vector<1x256xf32>
    %add3A_52 = vector.broadcast %broadcast_in_dim3A_51 : vector<1x256xf32> to vector<6400x256xf32>
    %add3A_53 = arith.addf %add3A_46, %add3A_52 : vector<6400x256xf32>
    %reshape3A_54 = vector.shape_cast %add3A_53 : vector<6400x256xf32> to vector<50x128x256xf32>
    %broadcast_in_dim3A_55 = vector.shape_cast %add3A_27 : vector<128x256xf32> to vector<1x128x256xf32>
    %add3A_56 = vector.broadcast %broadcast_in_dim3A_55 : vector<1x128x256xf32> to vector<50x128x256xf32>
    %add3A_57 = arith.addf %reshape3A_54, %add3A_56 : vector<50x128x256xf32>
    %logistic3A = arith.negf %add3A_57 : vector<50x128x256xf32>
    %logistic3A_58 = math.exp %logistic3A : vector<50x128x256xf32>
    %logistic3A_59 = arith.constant 1.000000e+00 : f32
    %logistic3A_60 = vector.broadcast %logistic3A_59 : f32 to vector<50x128x256xf32>
    %logistic3A_61 = arith.addf %logistic3A_60, %logistic3A_58 : vector<50x128x256xf32>
    %logistic3A_62 = arith.divf %logistic3A_60, %logistic3A_61 : vector<50x128x256xf32>
    %get3A_63 = arith.constant 0 : index
    %get3A_64 = arith.constant 0 : index
    %get3A_65 = vector.load %arg8[%get3A_63, %get3A_64] : memref<1x256xf32, #tpu.memory_space<vmem>>, vector<1x256xf32>
    %get3A_66 = vector.shape_cast %get3A_65 : vector<1x256xf32> to vector<256xf32>
    %broadcast_in_dim3A_67 = vector.shape_cast %get3A_66 : vector<256xf32> to vector<1x1x256xf32>
    %mul3A = vector.broadcast %broadcast_in_dim3A_67 : vector<1x1x256xf32> to vector<50x128x256xf32>
    %mul3A_68 = arith.mulf %logistic3A_62, %mul3A : vector<50x128x256xf32>
    %reduce_sum3A = arith.constant dense<0.000000e+00> : vector<50x128xf32>
    %reduce_sum3A_69 = vector.multi_reduction <add>, %mul3A_68, %reduce_sum3A [2] : vector<50x128x256xf32> to vector<50x128xf32>
    %get3A_70 = arith.constant 0 : index
    %get3A_71 = arith.constant 0 : index
    %get3A_72 = vector.load %arg9[%get3A_70, %get3A_71] : memref<1x1xf32, #tpu.memory_space<vmem>>, vector<1x1xf32>
    %get3A_73 = vector.extract %get3A_72[0, 0] : f32 from vector<1x1xf32>
    %add3A_74 = vector.broadcast %get3A_73 : f32 to vector<50x128xf32>
    %add3A_75 = arith.addf %reduce_sum3A_69, %add3A_74 : vector<50x128xf32>
    %get3A_76 = arith.constant 0 : index
    %get3A_77 = arith.constant 0 : index
    %get3A_78 = vector.load %arg3[%get3A_76, %get3A_77] : memref<50x128xf32, #tpu.memory_space<vmem>>, vector<50x128xf32>
    %sub3A = arith.constant 1.000000e+00 : f32
    %sub3A_79 = vector.broadcast %sub3A : f32 to vector<50x128xf32>
    %sub3A_80 = arith.subf %sub3A_79, %get3A_78 : vector<50x128xf32>
    %mul3A_81 = arith.mulf %add3A_75, %sub3A_80 : vector<50x128xf32>
    %broadcast_in_dim3A_82 = vector.shape_cast %mul3A_81 : vector<50x128xf32> to vector<50x128x1xf32>
    %mul3A_83 = vector.broadcast %broadcast_in_dim3A_82 : vector<50x128x1xf32> to vector<50x128x128xf32>
    %mul3A_84 = arith.mulf %get3A_2, %mul3A_83 : vector<50x128x128xf32>
    %reduce_sum3A_85 = arith.constant dense<0.000000e+00> : vector<128x128xf32>
    %reduce_sum3A_86 = vector.multi_reduction <add>, %mul3A_84, %reduce_sum3A_85 [0] : vector<50x128x128xf32> to vector<128x128xf32>
    %convert_element_type3A_87 = arith.extf %get3A_6 : vector<50x128x128xbf16> to vector<50x128x128xf32>
    %mul3A_88 = vector.broadcast %broadcast_in_dim3A_82 : vector<50x128x1xf32> to vector<50x128x128xf32>
    %mul3A_89 = arith.mulf %convert_element_type3A_87, %mul3A_88 : vector<50x128x128xf32>
    %reduce_sum3A_90 = arith.constant dense<0.000000e+00> : vector<128x128xf32>
    %reduce_sum3A_91 = vector.multi_reduction <add>, %mul3A_89, %reduce_sum3A_90 [0] : vector<50x128x128xf32> to vector<128x128xf32>
    %get3A_92 = arith.constant 0 : index
    %get3A_93 = arith.constant 0 : index
    %get3A_94 = arith.constant 0 : index
    %get3A_95 = vector.load %arg10[%get3A_92, %get3A_93, %get3A_94] : memref<4x128x128xf32, #tpu.memory_space<vmem>>, vector<1x128x128xf32>
    %get3A_96 = vector.shape_cast %get3A_95 : vector<1x128x128xf32> to vector<128x128xf32>
    %dot_general3A_97 = arith.constant dense<0.000000e+00> : vector<128x128xf32>
    %dot_general3A_98 = tpu.matmul %squeeze3A, %get3A_96, %dot_general3A_97 {dimension_numbers = #tpu.dot_dimension_numbers<[1], [0], [0], [1], [0, 0, 1, 1], [], []>, transpose_lhs_hint = false} : vector<128x128xf32>, vector<128x128xf32>, vector<128x128xf32> -> vector<128x128xf32>
    %get3A_99 = arith.constant 1 : index
    %get3A_100 = arith.constant 0 : index
    %get3A_101 = arith.constant 0 : index
    %get3A_102 = vector.load %arg10[%get3A_99, %get3A_100, %get3A_101] : memref<4x128x128xf32, #tpu.memory_space<vmem>>, vector<1x128x128xf32>
    %get3A_103 = vector.shape_cast %get3A_102 : vector<1x128x128xf32> to vector<128x128xf32>
    %dot_general3A_104 = arith.constant dense<0.000000e+00> : vector<128x128xf32>
    %dot_general3A_105 = tpu.matmul %convert_element_type3A, %get3A_103, %dot_general3A_104 {dimension_numbers = #tpu.dot_dimension_numbers<[1], [0], [0], [1], [0, 0, 1, 1], [], []>, transpose_lhs_hint = false} : vector<128x128xf32>, vector<128x128xf32>, vector<128x128xf32> -> vector<128x128xf32>
    %add3A_106 = arith.addf %dot_general3A_98, %dot_general3A_105 : vector<128x128xf32>
    %get3A_107 = arith.constant 2 : index
    %get3A_108 = arith.constant 0 : index
    %get3A_109 = arith.constant 0 : index
    %get3A_110 = vector.load %arg10[%get3A_107, %get3A_108, %get3A_109] : memref<4x128x128xf32, #tpu.memory_space<vmem>>, vector<1x128x128xf32>
    %get3A_111 = vector.shape_cast %get3A_110 : vector<1x128x128xf32> to vector<128x128xf32>
    %dot_general3A_112 = arith.constant dense<0.000000e+00> : vector<128x128xf32>
    %dot_general3A_113 = tpu.matmul %reduce_sum3A_86, %get3A_111, %dot_general3A_112 {dimension_numbers = #tpu.dot_dimension_numbers<[1], [0], [0], [1], [0, 0, 1, 1], [], []>, transpose_lhs_hint = false} : vector<128x128xf32>, vector<128x128xf32>, vector<128x128xf32> -> vector<128x128xf32>
    %add3A_114 = arith.addf %add3A_106, %dot_general3A_113 : vector<128x128xf32>
    %get3A_115 = arith.constant 3 : index
    %get3A_116 = arith.constant 0 : index
    %get3A_117 = arith.constant 0 : index
    %get3A_118 = vector.load %arg10[%get3A_115, %get3A_116, %get3A_117] : memref<4x128x128xf32, #tpu.memory_space<vmem>>, vector<1x128x128xf32>
    %get3A_119 = vector.shape_cast %get3A_118 : vector<1x128x128xf32> to vector<128x128xf32>
    %dot_general3A_120 = arith.constant dense<0.000000e+00> : vector<128x128xf32>
    %dot_general3A_121 = tpu.matmul %reduce_sum3A_91, %get3A_119, %dot_general3A_120 {dimension_numbers = #tpu.dot_dimension_numbers<[1], [0], [0], [1], [0, 0, 1, 1], [], []>, transpose_lhs_hint = false} : vector<128x128xf32>, vector<128x128xf32>, vector<128x128xf32> -> vector<128x128xf32>
    %add3A_122 = arith.addf %add3A_114, %dot_general3A_121 : vector<128x128xf32>
    %get3A_123 = arith.constant 0 : index
    %get3A_124 = arith.constant 0 : index
    %get3A_125 = vector.load %arg11[%get3A_123, %get3A_124] : memref<1x128xf32, #tpu.memory_space<vmem>>, vector<1x128xf32>
    %get3A_126 = vector.shape_cast %get3A_125 : vector<1x128xf32> to vector<128xf32>
    %broadcast_in_dim3A_127 = vector.shape_cast %get3A_126 : vector<128xf32> to vector<1x128xf32>
    %add3A_128 = vector.broadcast %broadcast_in_dim3A_127 : vector<1x128xf32> to vector<128x128xf32>
    %add3A_129 = arith.addf %add3A_122, %add3A_128 : vector<128x128xf32>
    %get3A_130 = arith.constant 0 : index
    %get3A_131 = arith.constant 0 : index
    %get3A_132 = vector.load %arg12[%get3A_130, %get3A_131] : memref<128x10000xf32, #tpu.memory_space<vmem>>, vector<128x10000xf32>
    %dot_general3A_133 = arith.constant dense<0.000000e+00> : vector<128x10000xf32>
    %dot_general3A_134 = tpu.matmul %add3A_129, %get3A_132, %dot_general3A_133 {dimension_numbers = #tpu.dot_dimension_numbers<[1], [0], [0], [1], [0, 0, 1, 1], [], []>, transpose_lhs_hint = false} : vector<128x128xf32>, vector<128x10000xf32>, vector<128x10000xf32> -> vector<128x10000xf32>
    %swap3A = arith.constant 0 : index
    %swap3A_135 = arith.constant 0 : index
    %swap3A_136 = vector.load %arg13[%swap3A, %swap3A_135] : memref<128x10000xf32, #tpu.memory_space<vmem>>, vector<128x10000xf32>
    tpu.vector_store %arg13[%swap3A, %swap3A_135], %dot_general3A_134 {strides = array<i32>} : memref<128x10000xf32, #tpu.memory_space<vmem>>, vector<128x10000xf32>,
    return
  }
  func.func @transform_0(%arg0: i32) -> (i32, i32, i32) {
    %c0_i32 = arith.constant 0 : i32
    %c0_i32_0 = arith.constant 0 : i32
    %c0_i32_1 = arith.constant 0 : i32
    return %c0_i32, %arg0, %c0_i32_0 : i32, i32, i32
  }
  func.func @transform_1(%arg0: i32) -> (i32, i32, i32) {
    %c0_i32 = arith.constant 0 : i32
    %c0_i32_0 = arith.constant 0 : i32
    %c0_i32_1 = arith.constant 0 : i32
    return %c0_i32, %arg0, %c0_i32_0 : i32, i32, i32
  }
  func.func @transform_2(%arg0: i32) -> (i32, i32) {
    %c0_i32 = arith.constant 0 : i32
    %c0_i32_0 = arith.constant 0 : i32
    return %c0_i32, %arg0 : i32, i32
  }
  func.func @transform_3(%arg0: i32) -> (i32, i32, i32) {
    %c0_i32 = arith.constant 0 : i32
    %c0_i32_0 = arith.constant 0 : i32
    %c0_i32_1 = arith.constant 0 : i32
    %c0_i32_2 = arith.constant 0 : i32
    return %c0_i32, %c0_i32_0, %c0_i32_1 : i32, i32, i32
  }
  func.func @transform_4(%arg0: i32) -> (i32, i32) {
    %c0_i32 = arith.constant 0 : i32
    %c0_i32_0 = arith.constant 0 : i32
    %c0_i32_1 = arith.constant 0 : i32
    return %c0_i32, %c0_i32_0 : i32, i32
  }
  func.func @transform_5(%arg0: i32) -> (i32, i32, i32) {
    %c0_i32 = arith.constant 0 : i32
    %c0_i32_0 = arith.constant 0 : i32
    %c0_i32_1 = arith.constant 0 : i32
    %c0_i32_2 = arith.constant 0 : i32
    return %c0_i32, %c0_i32_0, %c0_i32_1 : i32, i32, i32
  }
  func.func @transform_6(%arg0: i32) -> (i32, i32) {
    %c0_i32 = arith.constant 0 : i32
    %c0_i32_0 = arith.constant 0 : i32
    %c0_i32_1 = arith.constant 0 : i32
    return %c0_i32, %c0_i32_0 : i32, i32
  }
  func.func @transform_7(%arg0: i32) -> (i32, i32) {
    %c0_i32 = arith.constant 0 : i32
    %c0_i32_0 = arith.constant 0 : i32
    %c0_i32_1 = arith.constant 0 : i32
    return %c0_i32, %c0_i32_0 : i32, i32
  }
  func.func @transform_8(%arg0: i32) -> (i32, i32) {
    %c0_i32 = arith.constant 0 : i32
    %c0_i32_0 = arith.constant 0 : i32
    %c0_i32_1 = arith.constant 0 : i32
    return %c0_i32, %c0_i32_0 : i32, i32
  }
  func.func @transform_9(%arg0: i32) -> (i32, i32, i32) {
    %c0_i32 = arith.constant 0 : i32
    %c0_i32_0 = arith.constant 0 : i32
    %c0_i32_1 = arith.constant 0 : i32
    %c0_i32_2 = arith.constant 0 : i32
    return %c0_i32, %c0_i32_0, %c0_i32_1 : i32, i32, i32
  }
  func.func @transform_10(%arg0: i32) -> (i32, i32) {
    %c0_i32 = arith.constant 0 : i32
    %c0_i32_0 = arith.constant 0 : i32
    %c0_i32_1 = arith.constant 0 : i32
    return %c0_i32, %c0_i32_0 : i32, i32
  }
  func.func @transform_11(%arg0: i32) -> (i32, i32) {
    %c0_i32 = arith.constant 0 : i32
    %c0_i32_0 = arith.constant 0 : i32
    %c0_i32_1 = arith.constant 0 : i32
    return %c0_i32, %c0_i32_0 : i32, i32
  }
  func.func @transform_12(%arg0: i32) -> (i32, i32) {
    %c0_i32 = arith.constant 0 : i32
    %c0_i32_0 = arith.constant 0 : i32
    return %arg0, %c0_i32 : i32, i32
  }
}

</mosaic_0001>

<sc_bundles>
// kernel: kernel.11.cloned.1.call-start
scs
__scs_entry_jumppad:
0x0: {  	(pc) =	sbr.rel $0x88, $3  }
0x1: {  	(tag) =	ssettag $0x0;
	lr =	simm.s32 $0x1  }
0x2: {  	[smem:$0x3F89] =	sst lr;
	_ =	strace $0xD0000000  }
0x3: {  	_ = 	snop  }
0x4: {  	_ = 	snop  }
0x5: {  	_ = 	snop  }
0x6: {  	_ = 	snop  }
0x7: {  	_ = 	snop  }
__scs_overlays_trampoline_lowered:
0x8: {  	[smem:$0x3F98] =	sst s0  }
0x9: {  	[smem:$0x3F99] =	sst s1  }
0xa: {  	[smem:$0x3F9A] =	sst s2  }
0xb: {  	[smem:$0x3F9B] =	sst s3  }
0xc: {  	[smem:$0x3F9C] =	sst s4  }
0xd: {  	[smem:$0x3F9D] =	sst s5  }
0xe: {  	[smem:$0x3F9E] =	sst s6  }
0xf: {  	[smem:$0x3F9F] =	sst s7  }
0x10: {  	[smem:$0x3FA0] =	sst s8  }
0x11: {  	[smem:$0x3FA1] =	sst s9;
	s0 =	simm.s32 @!p0 $0x0  }
0x12: {  	s1 =	sld [smem:$0x3F87];
	s0 =	simm.s32 @p0 $0x1  }
0x13: {  	[smem:$0x3FA2] =	sst s0;
	s0 =	simm.s32 @!p1 $0x0  }
0x14: {  	s2 =	sld [smem:$0x3F86];
	s0 =	simm.s32 @p1 $0x1  }
0x15: {  	[smem:$0x3FA3] =	sst s0;
	s0 =	simm.s32 @!p2 $0x0  }
0x16: {  	s3 =	sld [smem:$0x3FDB];
	s0 =	simm.s32 @p2 $0x1  }
0x17: {  	s4 =	simm.s32 $0x1BF5;
	[smem:$0x3FA5] =	sst s0  }
0x18: {  	s0 =	sld [smem:$0x3F88];
	_ =	swait.ge [sflag:s4], $0x0  }
0x19: {  	s7 =	sld [smem:$0x3F89]  }
0x1a: {  	s8 =	sadd.s32 $0xFFFFE003, lr  }
0x1b: {  	s9 =	sadd.s32 $0xFFFFFEF7, lr;
	s5 =	simm.s32 $0xFFFFFFFF;
	p2 =	slt.u32 s8, $0xFFFFF086  }
0x1c: {  	p1 =	slt.u32 s9, $0xF7A;
	s5 =	simm.s32 @!p2 $0x0  }
0x1d: {  	s5 =	simm.s32 @p1 $0x1;
	p0 =	seq.s32 s7, s2  }
0x1e: {  	s7 =	smul.u32 @!p0 $0xF7A, s2;
	p2 =	seq.s32 @!p0 s5, $0x0  }
0x1f: {  	s9 =	smul.u32 $0xF7A, s1;
	s8 =	simm.s32 @!p0 $0x1BF5;
	p2 =	por !p2, p0  }
0x20: {  	[sflag:s8] =	ssyncset.s32 @!p0 $0xFFFFF086;
	s6 =	sadd.s32 @!p0 s3, s7;
	s7 =	simm.s32 @!p0 $0x108  }
0x21: {  	s3 =	sadd.s32 s3, s9;
	s6 =	sadd.s32 @!p0 $0x88, s6;
	s7 =	simm.s32 @p2 $0x1082  }
0x22: {  	[simem:s7], [sflag:s8] =	dma.local @!p0 [hbm:s6], $0xF7A  }
0x23: {  	s9 =	sor.u32 $0xD0000000, s2;
	s6 =	simm.s32 $0x108;
	_ =	swait.ge @!p0 [sflag:s8], $0x0  }
0x24: {  	s3 =	sadd.s32 $0x88, s3;
	s6 =	simm.s32 @!p1 $0x1082;
	[sflag:s4] =	ssyncset.s32 $0xFFFFF086  }
0x25: {  	[simem:s6], [sflag:s4] =	dma.local [hbm:s3], $0xF7A  }
0x26: {  	[smem:$0x3F89] =	sst s1;
	(tag) =	ssettag s2;
	_ =	strace s9  }
0x27: {  	s1 =	sld [smem:$0x3F99]  }
0x28: {  	s2 =	sld [smem:$0x3F9A]  }
0x29: {  	s4 =	sld [smem:$0x3F9C]  }
0x2a: {  	p0 =	seq.s32 s5, $0x0;
	s5 =	sld [smem:$0x3F9D]  }
0x2b: {  	s6 =	sld [smem:$0x3F9E]  }
0x2c: {  	s7 =	sld [smem:$0x3F9F]  }
0x2d: {  	s3 =	simm.s32 $0x108;
	s8 =	sld [smem:$0x3FA0]  }
0x2e: {  	s3 =	simm.s32 @!p0 $0x1082;
	s9 =	sld [smem:$0x3FA1]  }
0x2f: {  	lr =	sadd.s32 s0, s3;
	s0 =	sld [smem:$0x3F98]  }
0x30: {  	s3 =	sld [smem:$0x3F9B]  }
0x31: {  	[smem:$0x3FA4] =	sst s10  }
0x32: {  	s10 =	sld [smem:$0x3FA2];
	_ =	sdelay $0x3  }
0x33: {  	p0 =	seq.s32 s10, $0x1;
	s10 =	sld [smem:$0x3FA4];
	_ =	sdelay $0x3  }
0x34: {  	[smem:$0x3FA4] =	sst s10  }
0x35: {  	s10 =	sld [smem:$0x3FA3];
	_ =	sdelay $0x3  }
0x36: {  	p1 =	seq.s32 s10, $0x1;
	s10 =	sld [smem:$0x3FA4];
	_ =	sdelay $0x3  }
0x37: {  	[smem:$0x3FA4] =	sst s10  }
0x38: {  	s10 =	sld [smem:$0x3FA5]  }
0x39: {  	_ = 	snop;
	(pc) =	sbr.ind lr, $3  }
0x3a: {  	_ = 	snop  }
0x3b: {  	_ = 	snop  }
0x3c: {  	p2 =	seq.s32 s10, $0x1;
	s10 =	sld [smem:$0x3FA4]  }
0x3d: {  	_ =	shalt  }
0x3e: {  	_ =	shalt  }
0x3f: {  	_ =	shalt  }
0x40: {  	_ =	shalt  }
0x41: {  	_ =	shalt  }
0x42: {  	_ =	shalt  }
0x43: {  	_ =	shalt  }
0x44: {  	_ =	shalt  }
0x45: {  	_ =	shalt  }
0x46: {  	_ =	shalt  }
0x47: {  	_ =	shalt  }
0x48: {  	_ =	shalt  }
0x49: {  	_ =	shalt  }
0x4a: {  	_ =	shalt  }
0x4b: {  	_ =	shalt  }
0x4c: {  	_ =	shalt  }
0x4d: {  	_ =	shalt  }
0x4e: {  	_ =	shalt  }
0x4f: {  	_ =	shalt  }
0x50: {  	_ =	shalt  }
0x51: {  	_ =	shalt  }
0x52: {  	_ =	shalt  }
0x53: {  	_ =	shalt  }
0x54: {  	_ =	shalt  }
0x55: {  	_ =	shalt  }
0x56: {  	_ =	shalt  }
0x57: {  	_ =	shalt  }
0x58: {  	_ =	shalt  }
0x59: {  	_ =	shalt  }
0x5a: {  	_ =	shalt  }
0x5b: {  	_ =	shalt  }
0x5c: {  	_ =	shalt  }
0x5d: {  	_ =	shalt  }
0x5e: {  	_ =	shalt  }
0x5f: {  	_ =	shalt  }
0x60: {  	_ =	shalt  }
0x61: {  	_ =	shalt  }
0x62: {  	_ =	shalt  }
0x63: {  	_ =	shalt  }
0x64: {  	_ =	shalt  }
0x65: {  	_ =	shalt  }
0x66: {  	_ =	shalt  }
0x67: {  	_ =	shalt  }
0x68: {  	_ =	shalt  }
0x69: {  	_ =	shalt  }
0x6a: {  	_ =	shalt  }
0x6b: {  	_ =	shalt  }
0x6c: {  	_ =	shalt  }
0x6d: {  	_ =	shalt  }
0x6e: {  	_ =	shalt  }
0x6f: {  	_ =	shalt  }
0x70: {  	_ =	shalt  }
0x71: {  	_ =	shalt  }
0x72: {  	_ =	shalt  }
0x73: {  	_ =	shalt  }
0x74: {  	_ =	shalt  }
0x75: {  	_ =	shalt  }
0x76: {  	_ =	shalt  }
0x77: {  	_ =	shalt  }
0x78: {  	_ =	shalt  }
0x79: {  	_ =	shalt  }
0x7a: {  	_ =	shalt  }
0x7b: {  	_ =	shalt  }
0x7c: {  	_ =	shalt  }
0x7d: {  	_ =	shalt  }
0x7e: {  	_ =	shalt  }
0x7f: {  	_ =	shalt  }
0x80: {  	_ =	shalt  }
0x81: {  	_ =	shalt  }
0x82: {  	_ =	shalt  }
0x83: {  	_ =	shalt  }
0x84: {  	_ =	shalt  }
0x85: {  	_ =	shalt  }
0x86: {  	_ =	shalt  }
0x87: {  	_ =	shalt  }
.Lfunc_end0:
.L_simem_size_0:
called_computation_lowered:
.L_overlay_start_0:
0x88: {  	s2 =	sld [smem:$0x3FD9]  }
0x89: {  	s3 =	sld [smem:$0x3FFE];
	_ =	sdelay $0x1  }
0x8a: {  	s1 =	srdreg.scid  }
0x8b: {  	s0 =	sand.u32 $0x1, s1  }
0x8c: {  	s17 =	sshll.u32 s0, $0xA;
	s2 =	sadd.s32 s3, s2  }
0x8d: {  	s2 =	sadd.s32 s2, s17  }
0x8e: {  	[smem:$0x3FB0] =	sst s2  }
0x8f: {  	_ = 	snop  }
0x90: {  	s2 =	sld [smem:$0x3FC4]  }
0x91: {  	s18 =	sld [smem:$0x3FD0];
	(tm) =	ssettm $0x1  }
0x92: {  	s4 =	sld [smem:$0x3FFB];
	_ =	sdelay $0x3  }
0x93: {  	_ =	strace s4  }
0x94: {  	s4 =	sld [smem:$0x3FFC];
	_ =	sdelay $0x3  }
0x95: {  	_ =	strace s4  }
0x96: {  	s4 =	sld [smem:$0x3FFD];
	_ =	sdelay $0x3  }
0x97: {  	_ =	strace s4  }
0x98: {  	_ =	strace $0x8FFFFFFF  }
0x99: {  	s19 =	sld [smem:$0x3FDB];
	_ =	sdelay $0x1  }
0x9a: {  	s5 =	simm.s32 $_scs_section_size  }
0x9b: {  	s6 =	simm.s32 $_size__tile_overlayer_lowered;
	s7 =	simm.s32 $_tile_overlayer_lowered  }
0x9c: {  	s22 =	simm.s32 $0x1BFF;
	s21 =	sshll.u32 s7, $0x1;
	s4 =	sadd.s32 s5, s19  }
0x9d: {  	s8 =	simm.s32 $0x0;
	s20 =	sshll.u32 s6, $0x1;
	s6 =	sadd.s32 s21, s4  }
0x9e: {  	[timem:s8], [sflag:s22] =	dma.local [hbm:s6], s20  }
0x9f: {  	_ =	swait.ge [sflag:s22], s20  }
0xa0: {  	s5 =	ssub.s32 $0x0, s20;
	[sflag:s22] =	ssyncset.done $0x0  }
0xa1: {  	[sflag:s22] =	ssyncadd.s32 s5;
	_ =	sdelay $0x1  }
0xa2: {  	s23 =	simm.s32 $0x1B8B  }
0xa3: {  	_ =	swait.ge [sflag:s23], $0x1  }
0xa4: {  	[sflag:s23] =	ssyncset.done $0x0  }
0xa5: {  	s25 =	simm.s32 $0x1B8E;
	s24 =	sld [smem:$0x3FFE];
	[sflag:s23] =	ssyncadd.s32 $0xFFFFFFFF  }
0xa6: {  	s26 =	simm.s32 $execute0_lowered;
	[smem:$0x3FD2] =	sst s25  }
0xa7: {  	s6 =	sshll.u32 s26, $0x1;
	_ =	strace $0x80000046;
	[dreg:$0x1] =	wrdreg $0xFFFFFFFF  }
0xa8: {  	s28 =	simm.s32 $_size_execute0_lowered;
	s4 =	sadd.s32 s4, s6;
	[dreg:$0x0] =	wrdreg $0x0  }
0xa9: {  	s6 =	sshll.u32 s28, $0x1;
	[dreg:$0x2] =	wrdreg s4  }
0xaa: {  	[dreg:$0x3] =	wrdreg s6  }
0xab: {  	[dreg:$0x4] =	wrdreg $0xC0  }
0xac: {  	_ =	task [dreg:s8], $0x5FFFF  }
0xad: {  	[dreg:$0x1] =	wrdreg $0xFFFFFFFF  }
0xae: {  	[dreg:$0x0] =	wrdreg $0x60  }
0xaf: {  	[dreg:$0x2] =	wrdreg s2  }
0xb0: {  	[dreg:$0x3] =	wrdreg s24  }
0xb1: {  	[dreg:$0x4] =	wrdreg s18  }
0xb2: {  	[dreg:$0x5] =	wrdreg $0x9  }
0xb3: {  	_ =	task.clear_ibuf [dreg:s8], $0x6FFFF;
	_ =	strace $0x90000046  }
0xb4: {  	s29 =	simm.s32 $0x9;
	_ =	strace $0x80000048  }
0xb5: {  	_ =	swait.ge [sflag:s29], $0x1  }
0xb6: {  	[sflag:s29] =	ssyncadd.s32 $0xFFFFFFFF  }
0xb7: {  	_ =	strace $0x90000048  }
0xb8: {  	_ =	sfence  }
0xb9: {  	s30 =	sld [smem:$0x0];
	_ =	sdelay $0x2  }
0xba: {  	s31 =	sshll.u32 s1, $0xD;
	s1 =	sshrl.u32 s1, $0x2  }
0xbb: {  	s3 =	sand.u32 $0x4000, s31;
	s1 =	sadd.s32 s1, s30  }
0xbc: {  	s0 =	sor.u32 s3, s0;
	s1 =	sshll.u32 s1, $0x11  }
0xbd: {  	s0 =	sor.u32 s1, s0  }
0xbe: {  	s0 =	sadd.s32 $0x8F2B, s0  }
0xbf: {  	[sflag:s0] =	ssyncadd.remote.s32 $0x1  }
0xc0: {  	_ =	sfence.sel $0xFFFF  }
0xc1: {  	[dreg:$0x0] =	wrdreg $0xFFFFFFFF;
	(pc) =	sbr.abs _section_cstart, $3  }
0xc2: {  	[dreg:$0x1] =	wrdreg $0xFFFFFFFF  }
0xc3: {  	_ =	task.clear_ibuf [dreg:s8], $0x2FFFF;
	_ =	strace $0x9FFFFFFF  }
0xc4: {  	(tm) =	ssettm $0x7FFFFFFF  }
0xc5: {  	_ =	shalt  }
tec
execute0_lowered:
.L_overlay_start_1:
0x0: {  	(tag) =	ssettag $0x1  }
0x1: {  	s0 =	srdreg.scid  }
0x2: {  	s16 =	sand.u32 $0x1, s0  }
0x3: {  	s2 =	rddreg [dreg:$0x0];
	s0 =	stileid.u32;
	s1 =	sshll.u32 s16, $0x4  }
0x4: {  	s4 =	rddreg [dreg:$0x1];
	s11 =	sor.u32 s0, s1  }
0x5: {  	s13 =	rddreg [dreg:$0x2];
	s3 =	simm.s32 $0x0;
	s5 =	smul.u32 $0x28, s11  }
0x6: {  	[smem:$0x7FF] =	sst s3  }
0x7: {  	s1 =	rddreg [dreg:$0x3];
	s4 =	sadd.s32 s5, s4  }
0x8: {  	_ =	strace $0x80000047;
	s5 =	sadd.s32 $0x4000, s4;
	s4 =	simm.s32 $0x3  }
0x9: {  	[tilespmem:s3], [sflag:$0x3] =	stream.linear.gather [hbm4b:s5+s3], $0x140, $0x38;
	[tilespmem:$0x5180] =	vst v63  }
0xa: {  	_ =	swait.ge [sflag:s4], $0x140  }
0xb: {  	[sflag:s4] =	ssyncset.done $0x0  }
0xc: {  	s6 =	simm.s32 $0x50;
	s7 =	simm.s32 $0x180;
	[sflag:s4] =	ssyncadd.s32 $0xFFFFFEC0  }
0xd: {  	[tilespmem:s7], [sflag:$0x1] =	stream.indirect.gather [hbm4b:s2+s6], $0x80, s3, s6, $0xb8;
	[tilespmem:$0x5180] =	vst v63  }
0xe: {  	s8 =	simm.s32 $0x2980;
	s9 =	simm.s32 $0x1  }
0xf: {  	[tilespmem:s8], [sflag:$0x2] =	stream.indirect.gather [hbm4b:s2+s6], $0x80, s6, s6, $0xb8;
	[tilespmem:$0x5180] =	vst v63  }
0x10: {  	s10 =	smul.u32 $0x1400, s11;
	_ =	swait.ge [sflag:s9], $0x2800  }
0x11: {  	[sflag:s9] =	ssyncset.done $0x0  }
0x12: {  	s10 =	sadd.s32 s13, s10;
	[sflag:s9] =	ssyncadd.s32 $0xFFFFD800  }
0x13: {  	[hbm4b:s10+s3] =	stream.linear.scatter [tilespmem:s7], [sflag:$0x3], $0x2800, $0x38;
	[tilespmem:$0x5180] =	vst v63  }
0x14: {  	_ =	swait.ge [sflag:s4], $0x2800  }
0x15: {  	s12 =	simm.s32 $0x2;
	[sflag:s4] =	ssyncset.done $0x0  }
0x16: {  	s14 =	smul.u32 $0xA000, s11;
	s11 =	simm.s32 $0xA0;
	[sflag:s4] =	ssyncadd.s32 $0xFFFFD800  }
0x17: {  	[tilespmem:s7], [sflag:$0x1] =	stream.indirect.gather [hbm4b:s2+s6], $0x80, s11, s6, $0xb8;
	[tilespmem:$0x5180] =	vst v63  }
0x18: {  	s14 =	sshrl.u32 s14, $0x3;
	_ =	swait.ge [sflag:s12], $0x2800  }
0x19: {  	s17 =	sadd.s32 s13, s14;
	[sflag:s12] =	ssyncset.done $0x0  }
0x1a: {  	s13 =	sadd.s32 $0x500, s17;
	[sflag:s12] =	ssyncadd.s32 $0xFFFFD800  }
0x1b: {  	[hbm4b:s13+s3] =	stream.linear.scatter [tilespmem:s8], [sflag:$0x3], $0x2800, $0x38;
	[tilespmem:$0x5180] =	vst v63  }
0x1c: {  	_ =	swait.ge [sflag:s4], $0x2800  }
0x1d: {  	[sflag:s4] =	ssyncset.done $0x0  }
0x1e: {  	s14 =	simm.s32 $0xF0;
	[sflag:s4] =	ssyncadd.s32 $0xFFFFD800  }
0x1f: {  	[tilespmem:s8], [sflag:$0x2] =	stream.indirect.gather [hbm4b:s2+s6], $0x80, s14, s6, $0xb8;
	[tilespmem:$0x5180] =	vst v63  }
0x20: {  	_ =	swait.ge [sflag:s9], $0x2800  }
0x21: {  	[sflag:s9] =	ssyncset.done $0x0  }
0x22: {  	s16 =	ssub.s32 $0x2, s16;
	s15 =	sadd.s32 $0xA00, s17;
	[sflag:s9] =	ssyncadd.s32 $0xFFFFD800  }
0x23: {  	[hbm4b:s15+s3] =	stream.linear.scatter [tilespmem:s7], [sflag:$0x3], $0x2800, $0x38;
	[tilespmem:$0x5180] =	vst v63  }
0x24: {  	s18 =	sshrl.u32 s16, $0x1;
	_ =	swait.ge [sflag:s4], $0x2800  }
0x25: {  	s18 =	ssub.s32 s16, s18;
	[sflag:s4] =	ssyncset.done $0x0  }
0x26: {  	s31 =	smax.u32 s18, $0x1;
	[sflag:s4] =	ssyncadd.s32 $0xFFFFD800  }
0x27: {  	p0 =	sne.s32 s31, $0x1;
	_ =	swait.ge [sflag:s12], $0x2800  }
.Ltmp0:
0x28: {  	[sflag:s12] =	ssyncset.done $0x0;
	(pc) =	sbr.rel @!p0 .LBB2_2-.Ltmp0, $4  }
0x29: {  	s16 =	sadd.s32 $0xF00, s17;
	[sflag:s12] =	ssyncadd.s32 $0xFFFFD800  }
0x2a: {  	[hbm4b:s16+s3] =	stream.linear.scatter [tilespmem:s8], [sflag:$0x3], $0x2800, $0x38;
	[tilespmem:$0x5180] =	vst v63  }
0x2b: {  	_ =	swait.ge [sflag:s4], $0x2800  }
0x2c: {  	s17 =	sadd.s32 $0xFFFFFFFF, s31;
	[sflag:s4] =	ssyncset.done $0x0  }
.LBB2_1:
0x2d: {  	p0 =	sne.s32 s17, $0x1;
	s17 =	sadd.s32 $0xFFFFFFFF, s17;
	[sflag:s4] =	ssyncadd.s32 $0xFFFFD800  }
0x2e: {  	[tilespmem:s3], [sflag:$0x3] =	stream.linear.gather [hbm4b:s5+s3], $0x140, $0x38;
	[tilespmem:$0x5180] =	vst v63  }
0x2f: {  	_ =	swait.ge [sflag:s4], $0x140  }
0x30: {  	[sflag:s4] =	ssyncset.done $0x0  }
0x31: {  	[sflag:s4] =	ssyncadd.s32 $0xFFFFFEC0  }
0x32: {  	[tilespmem:s7], [sflag:$0x1] =	stream.indirect.gather [hbm4b:s2+s6], $0x80, s3, s6, $0xb8;
	[tilespmem:$0x5180] =	vst v63  }
0x33: {  	_ = 	snop  }
0x34: {  	[tilespmem:s8], [sflag:$0x2] =	stream.indirect.gather [hbm4b:s2+s6], $0x80, s6, s6, $0xb8;
	[tilespmem:$0x5180] =	vst v63  }
0x35: {  	_ =	swait.ge [sflag:s9], $0x2800  }
0x36: {  	[sflag:s9] =	ssyncset.done $0x0  }
0x37: {  	[sflag:s9] =	ssyncadd.s32 $0xFFFFD800  }
0x38: {  	[hbm4b:s10+s3] =	stream.linear.scatter [tilespmem:s7], [sflag:$0x3], $0x2800, $0x38;
	[tilespmem:$0x5180] =	vst v63  }
0x39: {  	_ =	swait.ge [sflag:s4], $0x2800  }
0x3a: {  	[sflag:s4] =	ssyncset.done $0x0  }
0x3b: {  	[sflag:s4] =	ssyncadd.s32 $0xFFFFD800  }
0x3c: {  	[tilespmem:s7], [sflag:$0x1] =	stream.indirect.gather [hbm4b:s2+s6], $0x80, s11, s6, $0xb8;
	[tilespmem:$0x5180] =	vst v63  }
0x3d: {  	_ =	swait.ge [sflag:s12], $0x2800  }
0x3e: {  	[sflag:s12] =	ssyncset.done $0x0  }
0x3f: {  	[sflag:s12] =	ssyncadd.s32 $0xFFFFD800  }
0x40: {  	[hbm4b:s13+s3] =	stream.linear.scatter [tilespmem:s8], [sflag:$0x3], $0x2800, $0x38;
	[tilespmem:$0x5180] =	vst v63  }
0x41: {  	_ =	swait.ge [sflag:s4], $0x2800  }
0x42: {  	[sflag:s4] =	ssyncset.done $0x0  }
0x43: {  	[sflag:s4] =	ssyncadd.s32 $0xFFFFD800  }
0x44: {  	[tilespmem:s8], [sflag:$0x2] =	stream.indirect.gather [hbm4b:s2+s6], $0x80, s14, s6, $0xb8;
	[tilespmem:$0x5180] =	vst v63  }
0x45: {  	_ =	swait.ge [sflag:s9], $0x2800  }
0x46: {  	[sflag:s9] =	ssyncset.done $0x0  }
0x47: {  	[sflag:s9] =	ssyncadd.s32 $0xFFFFD800  }
0x48: {  	[hbm4b:s15+s3] =	stream.linear.scatter [tilespmem:s7], [sflag:$0x3], $0x2800, $0x38;
	[tilespmem:$0x5180] =	vst v63  }
0x49: {  	_ =	swait.ge [sflag:s4], $0x2800  }
0x4a: {  	[sflag:s4] =	ssyncset.done $0x0  }
0x4b: {  	[sflag:s4] =	ssyncadd.s32 $0xFFFFD800  }
0x4c: {  	_ =	swait.ge [sflag:s12], $0x2800  }
.Ltmp1:
0x4d: {  	[sflag:s12] =	ssyncset.done $0x0;
	(pc) =	sbr.rel @p0 .LBB2_1-.Ltmp1, $4  }
0x4e: {  	[sflag:s12] =	ssyncadd.s32 $0xFFFFD800  }
0x4f: {  	[hbm4b:s16+s3] =	stream.linear.scatter [tilespmem:s8], [sflag:$0x3], $0x2800, $0x38;
	[tilespmem:$0x5180] =	vst v63  }
0x50: {  	_ =	swait.ge [sflag:s4], $0x2800  }
0x51: {  	[sflag:s4] =	ssyncset.done $0x0  }
.LBB2_2:
0x52: {  	[sflag:s4] =	ssyncadd.s32 $0xFFFFD800  }
0x53: {  	_ =	sfence.sel $0x180000  }
0x54: {  	[bflag:$0x0] =	sbarrier.arrive $0xFFFF  }
0x55: {  	p0 =	sne.s32 s0, $0x0;
	_ =	strace $0x90000047  }
0x56: {  	s0 =	sadd.s32 @!p0 $0x100000, s1;
	[bflag:$0x2] =	sbarrier.arrive $0xFFFF  }
0x57: {  	[sflag:s0] =	ssyncadd.tile.s32 @!p0 $0x1;
	_ =	shalt  }
.Lfunc_end2:
_tile_overlayer_lowered:
.L_overlay_start_2:
0x58: {  	(tag) =	ssettag $0x2  }
0x59: {  	s0 =	rddreg [dreg:$0x0];
	s2 =	stileid.u32  }
0x5a: {  	s1 =	rddreg [dreg:$0x1];
	p0 =	sne.s32 s2, $0x0  }
0x5b: {  	s3 =	rddreg [dreg:$0x2];
	[bflag:$0x3] =	sbarrier.arrive $0xFFFF;
	s2 =	simm.s32 @!p0 $0x1C03  }
0x5c: {  	[timem:s3], [sflag:s2] =	dma.local @!p0 [hbm:s0], s1  }
0x5d: {  	s0 =	simm.s32 @!p0 $0x3  }
0x5e: {  	_ =	swait.ge @!p0 [sflag:s0], s1  }
0x5f: {  	s1 =	ssub.s32 @!p0 $0x0, s1;
	[sflag:s0] =	ssyncset.done @!p0 $0x0  }
0x60: {  	[sflag:s0] =	ssyncadd.s32 @!p0 s1  }
0x61: {  	[bflag:$0x3] =	sbarrier.arrive $0xFFFF  }
0x62: {  	_ =	shalt  }

// kernel: kernel.14.cloned.1.call-start
scs
__scs_entry_jumppad:
0x0: {  	(pc) =	sbr.rel $0x88, $3  }
0x1: {  	(tag) =	ssettag $0x0;
	lr =	simm.s32 $0x1  }
0x2: {  	[smem:$0x3F89] =	sst lr;
	_ =	strace $0xD0000000  }
0x3: {  	_ = 	snop  }
0x4: {  	_ = 	snop  }
0x5: {  	_ = 	snop  }
0x6: {  	_ = 	snop  }
0x7: {  	_ = 	snop  }
__scs_overlays_trampoline_lowered:
0x8: {  	[smem:$0x3F98] =	sst s0  }
0x9: {  	[smem:$0x3F99] =	sst s1  }
0xa: {  	[smem:$0x3F9A] =	sst s2  }
0xb: {  	[smem:$0x3F9B] =	sst s3  }
0xc: {  	[smem:$0x3F9C] =	sst s4  }
0xd: {  	[smem:$0x3F9D] =	sst s5  }
0xe: {  	[smem:$0x3F9E] =	sst s6  }
0xf: {  	[smem:$0x3F9F] =	sst s7  }
0x10: {  	[smem:$0x3FA0] =	sst s8  }
0x11: {  	[smem:$0x3FA1] =	sst s9;
	s0 =	simm.s32 @!p0 $0x0  }
0x12: {  	s1 =	sld [smem:$0x3F87];
	s0 =	simm.s32 @p0 $0x1  }
0x13: {  	[smem:$0x3FA2] =	sst s0;
	s0 =	simm.s32 @!p1 $0x0  }
0x14: {  	s2 =	sld [smem:$0x3F86];
	s0 =	simm.s32 @p1 $0x1  }
0x15: {  	[smem:$0x3FA3] =	sst s0;
	s0 =	simm.s32 @!p2 $0x0  }
0x16: {  	s3 =	sld [smem:$0x3FDB];
	s0 =	simm.s32 @p2 $0x1  }
0x17: {  	s4 =	simm.s32 $0x1BF5;
	[smem:$0x3FA5] =	sst s0  }
0x18: {  	s0 =	sld [smem:$0x3F88];
	_ =	swait.ge [sflag:s4], $0x0  }
0x19: {  	s7 =	sld [smem:$0x3F89]  }
0x1a: {  	s8 =	sadd.s32 $0xFFFFE003, lr  }
0x1b: {  	s9 =	sadd.s32 $0xFFFFFEF7, lr;
	s5 =	simm.s32 $0xFFFFFFFF;
	p2 =	slt.u32 s8, $0xFFFFF086  }
0x1c: {  	p1 =	slt.u32 s9, $0xF7A;
	s5 =	simm.s32 @!p2 $0x0  }
0x1d: {  	s5 =	simm.s32 @p1 $0x1;
	p0 =	seq.s32 s7, s2  }
0x1e: {  	s7 =	smul.u32 @!p0 $0xF7A, s2;
	p2 =	seq.s32 @!p0 s5, $0x0  }
0x1f: {  	s9 =	smul.u32 $0xF7A, s1;
	s8 =	simm.s32 @!p0 $0x1BF5;
	p2 =	por !p2, p0  }
0x20: {  	[sflag:s8] =	ssyncset.s32 @!p0 $0xFFFFF086;
	s6 =	sadd.s32 @!p0 s3, s7;
	s7 =	simm.s32 @!p0 $0x108  }
0x21: {  	s3 =	sadd.s32 s3, s9;
	s6 =	sadd.s32 @!p0 $0x88, s6;
	s7 =	simm.s32 @p2 $0x1082  }
0x22: {  	[simem:s7], [sflag:s8] =	dma.local @!p0 [hbm:s6], $0xF7A  }
0x23: {  	s9 =	sor.u32 $0xD0000000, s2;
	s6 =	simm.s32 $0x108;
	_ =	swait.ge @!p0 [sflag:s8], $0x0  }
0x24: {  	s3 =	sadd.s32 $0x88, s3;
	s6 =	simm.s32 @!p1 $0x1082;
	[sflag:s4] =	ssyncset.s32 $0xFFFFF086  }
0x25: {  	[simem:s6], [sflag:s4] =	dma.local [hbm:s3], $0xF7A  }
0x26: {  	[smem:$0x3F89] =	sst s1;
	(tag) =	ssettag s2;
	_ =	strace s9  }
0x27: {  	s1 =	sld [smem:$0x3F99]  }
0x28: {  	s2 =	sld [smem:$0x3F9A]  }
0x29: {  	s4 =	sld [smem:$0x3F9C]  }
0x2a: {  	p0 =	seq.s32 s5, $0x0;
	s5 =	sld [smem:$0x3F9D]  }
0x2b: {  	s6 =	sld [smem:$0x3F9E]  }
0x2c: {  	s7 =	sld [smem:$0x3F9F]  }
0x2d: {  	s3 =	simm.s32 $0x108;
	s8 =	sld [smem:$0x3FA0]  }
0x2e: {  	s3 =	simm.s32 @!p0 $0x1082;
	s9 =	sld [smem:$0x3FA1]  }
0x2f: {  	lr =	sadd.s32 s0, s3;
	s0 =	sld [smem:$0x3F98]  }
0x30: {  	s3 =	sld [smem:$0x3F9B]  }
0x31: {  	[smem:$0x3FA4] =	sst s10  }
0x32: {  	s10 =	sld [smem:$0x3FA2];
	_ =	sdelay $0x3  }
0x33: {  	p0 =	seq.s32 s10, $0x1;
	s10 =	sld [smem:$0x3FA4];
	_ =	sdelay $0x3  }
0x34: {  	[smem:$0x3FA4] =	sst s10  }
0x35: {  	s10 =	sld [smem:$0x3FA3];
	_ =	sdelay $0x3  }
0x36: {  	p1 =	seq.s32 s10, $0x1;
	s10 =	sld [smem:$0x3FA4];
	_ =	sdelay $0x3  }
0x37: {  	[smem:$0x3FA4] =	sst s10  }
0x38: {  	s10 =	sld [smem:$0x3FA5]  }
0x39: {  	_ = 	snop;
	(pc) =	sbr.ind lr, $3  }
0x3a: {  	_ = 	snop  }
0x3b: {  	_ = 	snop  }
0x3c: {  	p2 =	seq.s32 s10, $0x1;
	s10 =	sld [smem:$0x3FA4]  }
0x3d: {  	_ =	shalt  }
0x3e: {  	_ =	shalt  }
0x3f: {  	_ =	shalt  }
0x40: {  	_ =	shalt  }
0x41: {  	_ =	shalt  }
0x42: {  	_ =	shalt  }
0x43: {  	_ =	shalt  }
0x44: {  	_ =	shalt  }
0x45: {  	_ =	shalt  }
0x46: {  	_ =	shalt  }
0x47: {  	_ =	shalt  }
0x48: {  	_ =	shalt  }
0x49: {  	_ =	shalt  }
0x4a: {  	_ =	shalt  }
0x4b: {  	_ =	shalt  }
0x4c: {  	_ =	shalt  }
0x4d: {  	_ =	shalt  }
0x4e: {  	_ =	shalt  }
0x4f: {  	_ =	shalt  }
0x50: {  	_ =	shalt  }
0x51: {  	_ =	shalt  }
0x52: {  	_ =	shalt  }
0x53: {  	_ =	shalt  }
0x54: {  	_ =	shalt  }
0x55: {  	_ =	shalt  }
0x56: {  	_ =	shalt  }
0x57: {  	_ =	shalt  }
0x58: {  	_ =	shalt  }
0x59: {  	_ =	shalt  }
0x5a: {  	_ =	shalt  }
0x5b: {  	_ =	shalt  }
0x5c: {  	_ =	shalt  }
0x5d: {  	_ =	shalt  }
0x5e: {  	_ =	shalt  }
0x5f: {  	_ =	shalt  }
0x60: {  	_ =	shalt  }
0x61: {  	_ =	shalt  }
0x62: {  	_ =	shalt  }
0x63: {  	_ =	shalt  }
0x64: {  	_ =	shalt  }
0x65: {  	_ =	shalt  }
0x66: {  	_ =	shalt  }
0x67: {  	_ =	shalt  }
0x68: {  	_ =	shalt  }
0x69: {  	_ =	shalt  }
0x6a: {  	_ =	shalt  }
0x6b: {  	_ =	shalt  }
0x6c: {  	_ =	shalt  }
0x6d: {  	_ =	shalt  }
0x6e: {  	_ =	shalt  }
0x6f: {  	_ =	shalt  }
0x70: {  	_ =	shalt  }
0x71: {  	_ =	shalt  }
0x72: {  	_ =	shalt  }
0x73: {  	_ =	shalt  }
0x74: {  	_ =	shalt  }
0x75: {  	_ =	shalt  }
0x76: {  	_ =	shalt  }
0x77: {  	_ =	shalt  }
0x78: {  	_ =	shalt  }
0x79: {  	_ =	shalt  }
0x7a: {  	_ =	shalt  }
0x7b: {  	_ =	shalt  }
0x7c: {  	_ =	shalt  }
0x7d: {  	_ =	shalt  }
0x7e: {  	_ =	shalt  }
0x7f: {  	_ =	shalt  }
0x80: {  	_ =	shalt  }
0x81: {  	_ =	shalt  }
0x82: {  	_ =	shalt  }
0x83: {  	_ =	shalt  }
0x84: {  	_ =	shalt  }
0x85: {  	_ =	shalt  }
0x86: {  	_ =	shalt  }
0x87: {  	_ =	shalt  }
.Lfunc_end0:
.L_simem_size_0:
called_computation.1_lowered:
.L_overlay_start_0:
0x88: {  	s2 =	sld [smem:$0x3FD9]  }
0x89: {  	s3 =	sld [smem:$0x3FFE];
	_ =	sdelay $0x1  }
0x8a: {  	s1 =	srdreg.scid  }
0x8b: {  	s0 =	sand.u32 $0x1, s1  }
0x8c: {  	s17 =	sshll.u32 s0, $0xA;
	s2 =	sadd.s32 s3, s2  }
0x8d: {  	s2 =	sadd.s32 s2, s17  }
0x8e: {  	[smem:$0x3FB0] =	sst s2  }
0x8f: {  	_ = 	snop  }
0x90: {  	s2 =	sld [smem:$0x3FD0];
	(tm) =	ssettm $0x1  }
0x91: {  	s18 =	sld [smem:$0x3FFB];
	_ =	sdelay $0x3  }
0x92: {  	_ =	strace s18  }
0x93: {  	s3 =	sld [smem:$0x3FFC];
	_ =	sdelay $0x3  }
0x94: {  	_ =	strace s3  }
0x95: {  	s3 =	sld [smem:$0x3FFD];
	_ =	sdelay $0x3  }
0x96: {  	_ =	strace s3  }
0x97: {  	_ =	strace $0x8FFFFFFF  }
0x98: {  	s19 =	sld [smem:$0x3FDB];
	_ =	sdelay $0x1  }
0x99: {  	s4 =	simm.s32 $_scs_section_size  }
0x9a: {  	s5 =	simm.s32 $_size__tile_overlayer_lowered;
	s6 =	simm.s32 $_tile_overlayer_lowered  }
0x9b: {  	s22 =	simm.s32 $0x1BFF;
	s21 =	sshll.u32 s6, $0x1;
	s3 =	sadd.s32 s4, s19  }
0x9c: {  	s7 =	simm.s32 $0x0;
	s20 =	sshll.u32 s5, $0x1;
	s5 =	sadd.s32 s21, s3  }
0x9d: {  	[timem:s7], [sflag:s22] =	dma.local [hbm:s5], s20  }
0x9e: {  	_ =	swait.ge [sflag:s22], s20  }
0x9f: {  	s4 =	ssub.s32 $0x0, s20;
	[sflag:s22] =	ssyncset.done $0x0  }
0xa0: {  	[sflag:s22] =	ssyncadd.s32 s4;
	_ =	sdelay $0x1  }
0xa1: {  	s23 =	simm.s32 $0x1B8B  }
0xa2: {  	_ =	swait.ge [sflag:s23], $0x1  }
0xa3: {  	[sflag:s23] =	ssyncset.done $0x0  }
0xa4: {  	s25 =	simm.s32 $0x1B8E;
	s24 =	sld [smem:$0x3FFE];
	[sflag:s23] =	ssyncadd.s32 $0xFFFFFFFF  }
0xa5: {  	s26 =	simm.s32 $execute0_lowered;
	[smem:$0x3FD2] =	sst s25  }
0xa6: {  	s5 =	sshll.u32 s26, $0x1;
	_ =	strace $0x80000049;
	[dreg:$0x1] =	wrdreg $0xFFFFFFFF  }
0xa7: {  	s28 =	simm.s32 $_size_execute0_lowered;
	s3 =	sadd.s32 s3, s5;
	[dreg:$0x0] =	wrdreg $0x0  }
0xa8: {  	s5 =	sshll.u32 s28, $0x1;
	[dreg:$0x2] =	wrdreg s3  }
0xa9: {  	[dreg:$0x3] =	wrdreg s5  }
0xaa: {  	[dreg:$0x4] =	wrdreg $0xC0  }
0xab: {  	_ =	task [dreg:s7], $0x5FFFF  }
0xac: {  	[dreg:$0x1] =	wrdreg $0xFFFFFFFF  }
0xad: {  	[dreg:$0x0] =	wrdreg $0x60  }
0xae: {  	[dreg:$0x2] =	wrdreg s24  }
0xaf: {  	[dreg:$0x3] =	wrdreg s2  }
0xb0: {  	[dreg:$0x4] =	wrdreg $0xB7800  }
0xb1: {  	[dreg:$0x5] =	wrdreg $0x9  }
0xb2: {  	_ =	task.clear_ibuf [dreg:s7], $0x6FFFF;
	_ =	strace $0x90000049  }
0xb3: {  	s29 =	simm.s32 $0x9;
	_ =	strace $0x8000004B  }
0xb4: {  	_ =	swait.ge [sflag:s29], $0x1  }
0xb5: {  	[sflag:s29] =	ssyncadd.s32 $0xFFFFFFFF  }
0xb6: {  	_ =	strace $0x9000004B  }
0xb7: {  	_ =	sfence  }
0xb8: {  	s30 =	sld [smem:$0x0];
	_ =	sdelay $0x2  }
0xb9: {  	s31 =	sshll.u32 s1, $0xD;
	s1 =	sshrl.u32 s1, $0x2  }
0xba: {  	s3 =	sand.u32 $0x4000, s31;
	s1 =	sadd.s32 s1, s30  }
0xbb: {  	s0 =	sor.u32 s3, s0;
	s1 =	sshll.u32 s1, $0x11  }
0xbc: {  	s0 =	sor.u32 s1, s0  }
0xbd: {  	s0 =	sadd.s32 $0x8F2B, s0  }
0xbe: {  	[sflag:s0] =	ssyncadd.remote.s32 $0x1  }
0xbf: {  	_ =	sfence.sel $0xFFFF  }
0xc0: {  	[dreg:$0x0] =	wrdreg $0xFFFFFFFF;
	(pc) =	sbr.abs _section_cstart, $3  }
0xc1: {  	[dreg:$0x1] =	wrdreg $0xFFFFFFFF  }
0xc2: {  	_ =	task.clear_ibuf [dreg:s7], $0x2FFFF;
	_ =	strace $0x9FFFFFFF  }
0xc3: {  	(tm) =	ssettm $0x7FFFFFFF  }
tec
execute0_lowered:
.L_overlay_start_1:
0x0: {  	(tag) =	ssettag $0x1  }
0x1: {  	s5 =	rddreg [dreg:$0x0]  }
0x2: {  	s8 =	rddreg [dreg:$0x1]  }
0x3: {  	s0 =	srdreg.scid;
	s2 =	rddreg [dreg:$0x2]  }
0x4: {  	s1 =	stileid.u32;
	s3 =	simm.s32 $0x0;
	s15 =	simm.s32 $0x6780  }
0x5: {  	s16 =	simm.s32 $0x8F80;
	s17 =	simm.s32 $0x1;
	s18 =	simm.s32 $0x2  }
0x6: {  	s19 =	simm.s32 $0x6580;
	s6 =	sand.u32 $0x1, s0;
	s0 =	rddreg [dreg:$0x3]  }
0x7: {  	s20 =	simm.s32 $0x0;
	[smem:$0x7FF] =	sst s3;
	s10 =	smul.u32 $0x14000, s1  }
0x8: {  	s12 =	smul.u32 $0x50000, s1;
	s31 =	sshll.u32 s1, $0x6;
	s4 =	sshll.u32 s6, $0x4  }
0x9: {  	_ =	strace $0x8000004A;
	s11 =	ssub.s32 $0x2, s6;
	s6 =	smul.u32 $0x140000, s6  }
0xa: {  	s7 =	sor.u32 s1, s4;
	s4 =	sadd.s32 $0x1E400, s5;
	s13 =	sshrl.u32 s10, $0x3  }
0xb: {  	s14 =	sshrl.u32 s11, $0x1;
	s28 =	sshrl.u32 s12, $0x2;
	s12 =	sor.u32 $0x1C03, s31  }
0xc: {  	s9 =	smul.u32 $0x4E2, s7;
	s7 =	sshll.u32 s7, $0xB;
	s13 =	sadd.s32 s13, s5  }
0xd: {  	s11 =	ssub.s32 s11, s14;
	s10 =	sadd.s32 s10, s6;
	s29 =	sadd.s32 s28, s2  }
0xe: {  	s14 =	simm.s32 $0x50;
	s7 =	sadd.s32 s7, s5;
	s30 =	sshrl.u32 s10, $0x3  }
0xf: {  	s10 =	simm.s32 $0x3;
	s9 =	sadd.s32 s9, s5;
	s6 =	sadd.s32 $0xE400, s7  }
0x10: {  	s7 =	sadd.s32 $0x46400, s13;
	s8 =	sadd.s32 s8, s30;
	s13 =	sshrl.u32 s29, $0x3  }
0x11: {  	s5 =	sadd.s32 $0x4600, s9;
	s9 =	smax.u32 s11, $0x1;
	s11 =	simm.s32 $0x2780  }
.LBB2_1:
0x12: {  	[tilespmem:s3], [sflag:$0x3] =	stream.linear.gather [hbm4b:s5+s3], $0x2710, $0x38;
	[tilespmem:$0x1F780] =	vst v63  }
0x13: {  	_ =	swait.ge [sflag:s10], $0x2710  }
0x14: {  	[sflag:s10] =	ssyncset.done $0x0  }
0x15: {  	[sflag:s10] =	ssyncadd.s32 $0xFFFFD8F0  }
0x16: {  	[tilespmem:s11], [sflag:$0x3] =	stream.linear.gather [hbm4b:s6+s3], $0x3E80, $0x38;
	[tilespmem:$0x1F780] =	vst v63  }
0x17: {  	_ =	swait.ge [sflag:s10], $0x3E80  }
0x18: {  	[sflag:s10] =	ssyncset.done $0x0  }
0x19: {  	[sflag:s10] =	ssyncadd.s32 $0xFFFFC180  }
0x1a: {  	[spmem:s13], [sflag:s12] =	dma.local [hbm:s7], $0x2800  }
0x1b: {  	_ =	swait.ge [sflag:s10], $0x2800  }
0x1c: {  	[sflag:s10] =	ssyncset.done $0x0  }
0x1d: {  	[sflag:s10] =	ssyncadd.s32 $0xFFFFD800  }
0x1e: {  	[bflag:$0x0] =	sbarrier.arrive $0xFFFF  }
0x1f: {  	[tilespmem:s15], [sflag:$0x1] =	stream.indirect.gather [hbm4b:s4+s14], $0x80, s3, s14, $0xb8;
	[tilespmem:$0x1F780] =	vst v63  }
0x20: {  	s21 =	simm.s32 $0x50  }
0x21: {  	[tilespmem:s16], [sflag:$0x2] =	stream.indirect.gather [hbm4b:s4+s14], $0x80, s21, s14, $0xb8;
	[tilespmem:$0x1F780] =	vst v63  }
0x22: {  	_ =	swait.ge [sflag:s17], $0x2800  }
0x23: {  	[sflag:s17] =	ssyncset.done $0x0  }
0x24: {  	s29 =	simm.s32 $0x2780;
	[sflag:s17] =	ssyncadd.s32 $0xFFFFD800  }
0x25: {  	[spmem:s2] =	stream.indirect.scatter.add.f32 [tilespmem:s15], [sflag:$0x3], $0x80, s29, s14, $0xb8;
	[tilespmem:$0x1F780] =	vst v63  }
0x26: {  	_ =	swait.ge [sflag:s10], $0x2800  }
0x27: {  	[sflag:s10] =	ssyncset.done $0x0  }
0x28: {  	s30 =	simm.s32 $0xA0;
	[sflag:s10] =	ssyncadd.s32 $0xFFFFD800  }
0x29: {  	[tilespmem:s15], [sflag:$0x1] =	stream.indirect.gather [hbm4b:s4+s14], $0x80, s30, s14, $0xb8;
	[tilespmem:$0x1F780] =	vst v63  }
0x2a: {  	_ =	swait.ge [sflag:s18], $0x2800  }
0x2b: {  	[sflag:s18] =	ssyncset.done $0x0  }
0x2c: {  	s31 =	simm.s32 $0x2800;
	[sflag:s18] =	ssyncadd.s32 $0xFFFFD800  }
0x2d: {  	[spmem:s2] =	stream.indirect.scatter.add.f32 [tilespmem:s16], [sflag:$0x3], $0x80, s31, s14, $0xb8;
	[tilespmem:$0x1F780] =	vst v63  }
0x2e: {  	s22 =	simm.s32 $0x400;
	_ =	swait.ge [sflag:s10], $0x2800  }
0x2f: {  	s23 =	simm.s32 $0x800;
	s21 =	simm.s32 $0x140;
	[sflag:s10] =	ssyncset.done $0x0  }
.LBB2_2:
0x30: {  	p0 =	sne.s32 s23, $0xF400;
	s24 =	sadd.s32 $0xFFFFFFB0, s21;
	[sflag:s10] =	ssyncadd.s32 $0xFFFFD800  }
0x31: {  	[tilespmem:s16], [sflag:$0x2] =	stream.indirect.gather [hbm4b:s4+s14], $0x80, s24, s14, $0xb8;
	[tilespmem:$0x1F780] =	vst v63  }
0x32: {  	s24 =	smov.u32 s23;
	s23 =	sadd.s32 $0x400, s23;
	_ =	swait.ge [sflag:s17], $0x2800  }
0x33: {  	s25 =	sshra.s32 s22, $0x2;
	s22 =	smov.u32 s24;
	[sflag:s17] =	ssyncset.done $0x0  }
0x34: {  	s24 =	sadd.s32 $0x2780, s25;
	[sflag:s17] =	ssyncadd.s32 $0xFFFFD800  }
0x35: {  	[spmem:s2] =	stream.indirect.scatter.add.f32 [tilespmem:s15], [sflag:$0x3], $0x80, s24, s14, $0xb8;
	[tilespmem:$0x1F780] =	vst v63  }
0x36: {  	_ =	swait.ge [sflag:s10], $0x2800  }
0x37: {  	[sflag:s10] =	ssyncset.done $0x0  }
0x38: {  	[sflag:s10] =	ssyncadd.s32 $0xFFFFD800  }
0x39: {  	[tilespmem:s15], [sflag:$0x1] =	stream.indirect.gather [hbm4b:s4+s14], $0x80, s21, s14, $0xb8;
	[tilespmem:$0x1F780] =	vst v63  }
0x3a: {  	_ =	swait.ge [sflag:s18], $0x2800  }
.Ltmp0:
0x3b: {  	[sflag:s18] =	ssyncset.done $0x0;
	(pc) =	sbr.rel @p0 .LBB2_2-.Ltmp0, $4  }
0x3c: {  	s24 =	sadd.s32 $0x2800, s25;
	[sflag:s18] =	ssyncadd.s32 $0xFFFFD800  }
0x3d: {  	[spmem:s2] =	stream.indirect.scatter.add.f32 [tilespmem:s16], [sflag:$0x3], $0x80, s24, s14, $0xb8;
	[tilespmem:$0x1F780] =	vst v63  }
0x3e: {  	_ =	swait.ge [sflag:s10], $0x2800  }
0x3f: {  	s21 =	sadd.s32 $0xA0, s21;
	[sflag:s10] =	ssyncset.done $0x0  }
0x40: {  	s23 =	sadd.s32 $0xFFFFFFB0, s21;
	[sflag:s10] =	ssyncadd.s32 $0xFFFFD800  }
0x41: {  	[tilespmem:s16], [sflag:$0x2] =	stream.indirect.gather [hbm4b:s4+s14], $0x80, s23, s14, $0xb8;
	[tilespmem:$0x1F780] =	vst v63  }
0x42: {  	_ =	swait.ge [sflag:s17], $0x2800  }
0x43: {  	s22 =	sshra.s32 s22, $0x2;
	[sflag:s17] =	ssyncset.done $0x0  }
0x44: {  	s30 =	sadd.s32 $0x2780, s22;
	[sflag:s17] =	ssyncadd.s32 $0xFFFFD800  }
0x45: {  	[spmem:s2] =	stream.indirect.scatter.add.f32 [tilespmem:s15], [sflag:$0x3], $0x80, s30, s14, $0xb8;
	[tilespmem:$0x1F780] =	vst v63  }
0x46: {  	_ =	swait.ge [sflag:s10], $0x2800  }
0x47: {  	[sflag:s10] =	ssyncset.done $0x0  }
0x48: {  	[sflag:s10] =	ssyncadd.s32 $0xFFFFD800  }
0x49: {  	[tilespmem:s15], [sflag:$0x1] =	stream.indirect.gather [hbm4b:s4+s14], $0x80, s21, s14, $0xb8;
	[tilespmem:$0x1F780] =	vst v63  }
0x4a: {  	_ =	swait.ge [sflag:s18], $0x2800  }
0x4b: {  	[sflag:s18] =	ssyncset.done $0x0  }
0x4c: {  	s31 =	sadd.s32 $0x2800, s22;
	[sflag:s18] =	ssyncadd.s32 $0xFFFFD800  }
0x4d: {  	[spmem:s2] =	stream.indirect.scatter.add.f32 [tilespmem:s16], [sflag:$0x3], $0x80, s31, s14, $0xb8;
	[tilespmem:$0x1F780] =	vst v63  }
0x4e: {  	_ =	swait.ge [sflag:s10], $0x2800  }
0x4f: {  	[sflag:s10] =	ssyncset.done $0x0  }
0x50: {  	[sflag:s10] =	ssyncadd.s32 $0xFFFFD800  }
0x51: {  	_ =	swait.ge [sflag:s17], $0x2800  }
0x52: {  	[sflag:s17] =	ssyncset.done $0x0  }
0x53: {  	[sflag:s17] =	ssyncadd.s32 $0xFFFFD800  }
0x54: {  	[spmem:s2] =	stream.indirect.scatter.add.f32 [tilespmem:s15], [sflag:$0x3], $0x80, s19, s14, $0xb8;
	[tilespmem:$0x1F780] =	vst v63  }
0x55: {  	_ =	swait.ge [sflag:s10], $0x2800  }
0x56: {  	s20 =	sadd.s32 $0x1, s20;
	[sflag:s10] =	ssyncset.done $0x0  }
0x57: {  	p0 =	sne.s32 s20, s9;
	[sflag:s10] =	ssyncadd.s32 $0xFFFFD800  }
.Ltmp1:
0x58: {  	[bflag:$0x0] =	sbarrier.arrive $0xFFFF;
	(pc) =	sbr.rel @p0 .LBB2_1-.Ltmp1, $4  }
0x59: {  	[hbm:s8], [sflag:s12] =	dma.local [spmem:s13], $0x2800  }
0x5a: {  	_ =	swait.ge [sflag:s10], $0x2800  }
0x5b: {  	[sflag:s10] =	ssyncset.done $0x0  }
0x5c: {  	[sflag:s10] =	ssyncadd.s32 $0xFFFFD800  }
0x5d: {  	_ =	sfence.sel $0x180000  }
0x5e: {  	[bflag:$0x0] =	sbarrier.arrive $0xFFFF  }
0x5f: {  	p0 =	sne.s32 s1, $0x0;
	_ =	strace $0x9000004A  }
0x60: {  	s0 =	sadd.s32 @!p0 $0x100000, s0;
	[bflag:$0x2] =	sbarrier.arrive $0xFFFF  }
0x61: {  	[sflag:s0] =	ssyncadd.tile.s32 @!p0 $0x1;
	_ =	shalt  }
.Lfunc_end2:
_tile_overlayer_lowered:
.L_overlay_start_2:
0x62: {  	(tag) =	ssettag $0x2  }
0x63: {  	s0 =	rddreg [dreg:$0x0];
	s2 =	stileid.u32  }
0x64: {  	s1 =	rddreg [dreg:$0x1];
	p0 =	sne.s32 s2, $0x0  }
0x65: {  	s3 =	rddreg [dreg:$0x2];
	[bflag:$0x3] =	sbarrier.arrive $0xFFFF;
	s2 =	simm.s32 @!p0 $0x1C03  }
0x66: {  	[timem:s3], [sflag:s2] =	dma.local @!p0 [hbm:s0], s1  }
0x67: {  	s0 =	simm.s32 @!p0 $0x3  }
0x68: {  	_ =	swait.ge @!p0 [sflag:s0], s1  }
0x69: {  	s1 =	ssub.s32 @!p0 $0x0, s1;
	[sflag:s0] =	ssyncset.done @!p0 $0x0  }
0x6a: {  	[sflag:s0] =	ssyncadd.s32 @!p0 s1  }
0x6b: {  	[bflag:$0x3] =	sbarrier.arrive $0xFFFF  }
0x6c: {  	_ =	shalt  }

// kernel: kernel.17.cloned.1.call-start
scs
__scs_entry_jumppad:
0x0: {  	(pc) =	sbr.rel $0x88, $3  }
0x1: {  	(tag) =	ssettag $0x0;
	lr =	simm.s32 $0x1  }
0x2: {  	[smem:$0x3F89] =	sst lr;
	_ =	strace $0xD0000000  }
0x3: {  	_ = 	snop  }
0x4: {  	_ = 	snop  }
0x5: {  	_ = 	snop  }
0x6: {  	_ = 	snop  }
0x7: {  	_ = 	snop  }
__scs_overlays_trampoline_lowered:
0x8: {  	[smem:$0x3F98] =	sst s0  }
0x9: {  	[smem:$0x3F99] =	sst s1  }
0xa: {  	[smem:$0x3F9A] =	sst s2  }
0xb: {  	[smem:$0x3F9B] =	sst s3  }
0xc: {  	[smem:$0x3F9C] =	sst s4  }
0xd: {  	[smem:$0x3F9D] =	sst s5  }
0xe: {  	[smem:$0x3F9E] =	sst s6  }
0xf: {  	[smem:$0x3F9F] =	sst s7  }
0x10: {  	[smem:$0x3FA0] =	sst s8  }
0x11: {  	[smem:$0x3FA1] =	sst s9;
	s0 =	simm.s32 @!p0 $0x0  }
0x12: {  	s1 =	sld [smem:$0x3F87];
	s0 =	simm.s32 @p0 $0x1  }
0x13: {  	[smem:$0x3FA2] =	sst s0;
	s0 =	simm.s32 @!p1 $0x0  }
0x14: {  	s2 =	sld [smem:$0x3F86];
	s0 =	simm.s32 @p1 $0x1  }
0x15: {  	[smem:$0x3FA3] =	sst s0;
	s0 =	simm.s32 @!p2 $0x0  }
0x16: {  	s3 =	sld [smem:$0x3FDB];
	s0 =	simm.s32 @p2 $0x1  }
0x17: {  	s4 =	simm.s32 $0x1BF5;
	[smem:$0x3FA5] =	sst s0  }
0x18: {  	s0 =	sld [smem:$0x3F88];
	_ =	swait.ge [sflag:s4], $0x0  }
0x19: {  	s7 =	sld [smem:$0x3F89]  }
0x1a: {  	s8 =	sadd.s32 $0xFFFFE003, lr  }
0x1b: {  	s9 =	sadd.s32 $0xFFFFFEF7, lr;
	s5 =	simm.s32 $0xFFFFFFFF;
	p2 =	slt.u32 s8, $0xFFFFF086  }
0x1c: {  	p1 =	slt.u32 s9, $0xF7A;
	s5 =	simm.s32 @!p2 $0x0  }
0x1d: {  	s5 =	simm.s32 @p1 $0x1;
	p0 =	seq.s32 s7, s2  }
0x1e: {  	s7 =	smul.u32 @!p0 $0xF7A, s2;
	p2 =	seq.s32 @!p0 s5, $0x0  }
0x1f: {  	s9 =	smul.u32 $0xF7A, s1;
	s8 =	simm.s32 @!p0 $0x1BF5;
	p2 =	por !p2, p0  }
0x20: {  	[sflag:s8] =	ssyncset.s32 @!p0 $0xFFFFF086;
	s6 =	sadd.s32 @!p0 s3, s7;
	s7 =	simm.s32 @!p0 $0x108  }
0x21: {  	s3 =	sadd.s32 s3, s9;
	s6 =	sadd.s32 @!p0 $0x88, s6;
	s7 =	simm.s32 @p2 $0x1082  }
0x22: {  	[simem:s7], [sflag:s8] =	dma.local @!p0 [hbm:s6], $0xF7A  }
0x23: {  	s9 =	sor.u32 $0xD0000000, s2;
	s6 =	simm.s32 $0x108;
	_ =	swait.ge @!p0 [sflag:s8], $0x0  }
0x24: {  	s3 =	sadd.s32 $0x88, s3;
	s6 =	simm.s32 @!p1 $0x1082;
	[sflag:s4] =	ssyncset.s32 $0xFFFFF086  }
0x25: {  	[simem:s6], [sflag:s4] =	dma.local [hbm:s3], $0xF7A  }
0x26: {  	[smem:$0x3F89] =	sst s1;
	(tag) =	ssettag s2;
	_ =	strace s9  }
0x27: {  	s1 =	sld [smem:$0x3F99]  }
0x28: {  	s2 =	sld [smem:$0x3F9A]  }
0x29: {  	s4 =	sld [smem:$0x3F9C]  }
0x2a: {  	p0 =	seq.s32 s5, $0x0;
	s5 =	sld [smem:$0x3F9D]  }
0x2b: {  	s6 =	sld [smem:$0x3F9E]  }
0x2c: {  	s7 =	sld [smem:$0x3F9F]  }
0x2d: {  	s3 =	simm.s32 $0x108;
	s8 =	sld [smem:$0x3FA0]  }
0x2e: {  	s3 =	simm.s32 @!p0 $0x1082;
	s9 =	sld [smem:$0x3FA1]  }
0x2f: {  	lr =	sadd.s32 s0, s3;
	s0 =	sld [smem:$0x3F98]  }
0x30: {  	s3 =	sld [smem:$0x3F9B]  }
0x31: {  	[smem:$0x3FA4] =	sst s10  }
0x32: {  	s10 =	sld [smem:$0x3FA2];
	_ =	sdelay $0x3  }
0x33: {  	p0 =	seq.s32 s10, $0x1;
	s10 =	sld [smem:$0x3FA4];
	_ =	sdelay $0x3  }
0x34: {  	[smem:$0x3FA4] =	sst s10  }
0x35: {  	s10 =	sld [smem:$0x3FA3];
	_ =	sdelay $0x3  }
0x36: {  	p1 =	seq.s32 s10, $0x1;
	s10 =	sld [smem:$0x3FA4];
	_ =	sdelay $0x3  }
0x37: {  	[smem:$0x3FA4] =	sst s10  }
0x38: {  	s10 =	sld [smem:$0x3FA5]  }
0x39: {  	_ = 	snop;
	(pc) =	sbr.ind lr, $3  }
0x3a: {  	_ = 	snop  }
0x3b: {  	_ = 	snop  }
0x3c: {  	p2 =	seq.s32 s10, $0x1;
	s10 =	sld [smem:$0x3FA4]  }
0x3d: {  	_ =	shalt  }
0x3e: {  	_ =	shalt  }
0x3f: {  	_ =	shalt  }
0x40: {  	_ =	shalt  }
0x41: {  	_ =	shalt  }
0x42: {  	_ =	shalt  }
0x43: {  	_ =	shalt  }
0x44: {  	_ =	shalt  }
0x45: {  	_ =	shalt  }
0x46: {  	_ =	shalt  }
0x47: {  	_ =	shalt  }
0x48: {  	_ =	shalt  }
0x49: {  	_ =	shalt  }
0x4a: {  	_ =	shalt  }
0x4b: {  	_ =	shalt  }
0x4c: {  	_ =	shalt  }
0x4d: {  	_ =	shalt  }
0x4e: {  	_ =	shalt  }
0x4f: {  	_ =	shalt  }
0x50: {  	_ =	shalt  }
0x51: {  	_ =	shalt  }
0x52: {  	_ =	shalt  }
0x53: {  	_ =	shalt  }
0x54: {  	_ =	shalt  }
0x55: {  	_ =	shalt  }
0x56: {  	_ =	shalt  }
0x57: {  	_ =	shalt  }
0x58: {  	_ =	shalt  }
0x59: {  	_ =	shalt  }
0x5a: {  	_ =	shalt  }
0x5b: {  	_ =	shalt  }
0x5c: {  	_ =	shalt  }
0x5d: {  	_ =	shalt  }
0x5e: {  	_ =	shalt  }
0x5f: {  	_ =	shalt  }
0x60: {  	_ =	shalt  }
0x61: {  	_ =	shalt  }
0x62: {  	_ =	shalt  }
0x63: {  	_ =	shalt  }
0x64: {  	_ =	shalt  }
0x65: {  	_ =	shalt  }
0x66: {  	_ =	shalt  }
0x67: {  	_ =	shalt  }
0x68: {  	_ =	shalt  }
0x69: {  	_ =	shalt  }
0x6a: {  	_ =	shalt  }
0x6b: {  	_ =	shalt  }
0x6c: {  	_ =	shalt  }
0x6d: {  	_ =	shalt  }
0x6e: {  	_ =	shalt  }
0x6f: {  	_ =	shalt  }
0x70: {  	_ =	shalt  }
0x71: {  	_ =	shalt  }
0x72: {  	_ =	shalt  }
0x73: {  	_ =	shalt  }
0x74: {  	_ =	shalt  }
0x75: {  	_ =	shalt  }
0x76: {  	_ =	shalt  }
0x77: {  	_ =	shalt  }
0x78: {  	_ =	shalt  }
0x79: {  	_ =	shalt  }
0x7a: {  	_ =	shalt  }
0x7b: {  	_ =	shalt  }
0x7c: {  	_ =	shalt  }
0x7d: {  	_ =	shalt  }
0x7e: {  	_ =	shalt  }
0x7f: {  	_ =	shalt  }
0x80: {  	_ =	shalt  }
0x81: {  	_ =	shalt  }
0x82: {  	_ =	shalt  }
0x83: {  	_ =	shalt  }
0x84: {  	_ =	shalt  }
0x85: {  	_ =	shalt  }
0x86: {  	_ =	shalt  }
0x87: {  	_ =	shalt  }
.Lfunc_end0:
.L_simem_size_0:
called_computation.2_lowered:
.L_overlay_start_0:
0x88: {  	s2 =	sld [smem:$0x3FD9]  }
0x89: {  	s3 =	sld [smem:$0x3FFE];
	_ =	sdelay $0x1  }
0x8a: {  	s1 =	srdreg.scid  }
0x8b: {  	s0 =	sand.u32 $0x1, s1  }
0x8c: {  	s17 =	sshll.u32 s0, $0xA;
	s2 =	sadd.s32 s3, s2  }
0x8d: {  	s2 =	sadd.s32 s2, s17  }
0x8e: {  	[smem:$0x3FB0] =	sst s2  }
0x8f: {  	_ = 	snop  }
0x90: {  	s2 =	sld [smem:$0x3FD0];
	(tm) =	ssettm $0x1  }
0x91: {  	s18 =	sld [smem:$0x3FFB];
	_ =	sdelay $0x3  }
0x92: {  	_ =	strace s18  }
0x93: {  	s3 =	sld [smem:$0x3FFC];
	_ =	sdelay $0x3  }
0x94: {  	_ =	strace s3  }
0x95: {  	s3 =	sld [smem:$0x3FFD];
	_ =	sdelay $0x3  }
0x96: {  	_ =	strace s3  }
0x97: {  	_ =	strace $0x8FFFFFFF  }
0x98: {  	s19 =	sld [smem:$0x3FDB];
	_ =	sdelay $0x1  }
0x99: {  	s4 =	simm.s32 $_scs_section_size  }
0x9a: {  	s5 =	simm.s32 $_size__tile_overlayer_lowered;
	s6 =	simm.s32 $_tile_overlayer_lowered  }
0x9b: {  	s22 =	simm.s32 $0x1BFF;
	s21 =	sshll.u32 s6, $0x1;
	s3 =	sadd.s32 s4, s19  }
0x9c: {  	s7 =	simm.s32 $0x0;
	s20 =	sshll.u32 s5, $0x1;
	s5 =	sadd.s32 s21, s3  }
0x9d: {  	[timem:s7], [sflag:s22] =	dma.local [hbm:s5], s20  }
0x9e: {  	_ =	swait.ge [sflag:s22], s20  }
0x9f: {  	s4 =	ssub.s32 $0x0, s20;
	[sflag:s22] =	ssyncset.done $0x0  }
0xa0: {  	[sflag:s22] =	ssyncadd.s32 s4;
	_ =	sdelay $0x1  }
0xa1: {  	s23 =	simm.s32 $0x1B8B  }
0xa2: {  	_ =	swait.ge [sflag:s23], $0x1  }
0xa3: {  	[sflag:s23] =	ssyncset.done $0x0  }
0xa4: {  	s25 =	simm.s32 $0x1B8E;
	s24 =	sld [smem:$0x3FFE];
	[sflag:s23] =	ssyncadd.s32 $0xFFFFFFFF  }
0xa5: {  	s26 =	simm.s32 $execute0_lowered;
	[smem:$0x3FD2] =	sst s25  }
0xa6: {  	s5 =	sshll.u32 s26, $0x1;
	_ =	strace $0x8000004C;
	[dreg:$0x1] =	wrdreg $0xFFFFFFFF  }
0xa7: {  	s28 =	simm.s32 $_size_execute0_lowered;
	s3 =	sadd.s32 s3, s5;
	[dreg:$0x0] =	wrdreg $0x0  }
0xa8: {  	s5 =	sshll.u32 s28, $0x1;
	[dreg:$0x2] =	wrdreg s3  }
0xa9: {  	[dreg:$0x3] =	wrdreg s5  }
0xaa: {  	[dreg:$0x4] =	wrdreg $0xC0  }
0xab: {  	_ =	task [dreg:s7], $0x5FFFF  }
0xac: {  	[dreg:$0x1] =	wrdreg $0xFFFFFFFF  }
0xad: {  	[dreg:$0x0] =	wrdreg $0x60  }
0xae: {  	[dreg:$0x2] =	wrdreg s24  }
0xaf: {  	[dreg:$0x3] =	wrdreg s2  }
0xb0: {  	[dreg:$0x4] =	wrdreg $0xB7800  }
0xb1: {  	[dreg:$0x5] =	wrdreg $0x9  }
0xb2: {  	_ =	task.clear_ibuf [dreg:s7], $0x6FFFF;
	_ =	strace $0x9000004C  }
0xb3: {  	s29 =	simm.s32 $0x9;
	_ =	strace $0x8000004E  }
0xb4: {  	_ =	swait.ge [sflag:s29], $0x1  }
0xb5: {  	[sflag:s29] =	ssyncadd.s32 $0xFFFFFFFF  }
0xb6: {  	_ =	strace $0x9000004E  }
0xb7: {  	_ =	sfence  }
0xb8: {  	s30 =	sld [smem:$0x0];
	_ =	sdelay $0x2  }
0xb9: {  	s31 =	sshll.u32 s1, $0xD;
	s1 =	sshrl.u32 s1, $0x2  }
0xba: {  	s3 =	sand.u32 $0x4000, s31;
	s1 =	sadd.s32 s1, s30  }
0xbb: {  	s0 =	sor.u32 s3, s0;
	s1 =	sshll.u32 s1, $0x11  }
0xbc: {  	s0 =	sor.u32 s1, s0  }
0xbd: {  	s0 =	sadd.s32 $0x8F2B, s0  }
0xbe: {  	[sflag:s0] =	ssyncadd.remote.s32 $0x1  }
0xbf: {  	_ =	sfence.sel $0xFFFF  }
0xc0: {  	[dreg:$0x0] =	wrdreg $0xFFFFFFFF;
	(pc) =	sbr.abs _section_cstart, $3  }
0xc1: {  	[dreg:$0x1] =	wrdreg $0xFFFFFFFF  }
0xc2: {  	_ =	task.clear_ibuf [dreg:s7], $0x2FFFF;
	_ =	strace $0x9FFFFFFF  }
0xc3: {  	(tm) =	ssettm $0x7FFFFFFF  }
tec
execute0_lowered:
.L_overlay_start_1:
0x0: {  	(tag) =	ssettag $0x1  }
0x1: {  	s5 =	rddreg [dreg:$0x0]  }
0x2: {  	s8 =	rddreg [dreg:$0x1]  }
0x3: {  	s0 =	srdreg.scid;
	s2 =	rddreg [dreg:$0x2]  }
0x4: {  	s1 =	stileid.u32;
	s3 =	simm.s32 $0x0;
	s15 =	simm.s32 $0x6780  }
0x5: {  	s16 =	simm.s32 $0x8F80;
	s17 =	simm.s32 $0x1;
	s18 =	simm.s32 $0x2  }
0x6: {  	s19 =	simm.s32 $0x6580;
	s6 =	sand.u32 $0x1, s0;
	s0 =	rddreg [dreg:$0x3]  }
0x7: {  	s20 =	simm.s32 $0x0;
	[smem:$0x7FF] =	sst s3;
	s10 =	smul.u32 $0x14000, s1  }
0x8: {  	s12 =	smul.u32 $0x50000, s1;
	s31 =	sshll.u32 s1, $0x6;
	s4 =	sshll.u32 s6, $0x4  }
0x9: {  	_ =	strace $0x8000004D;
	s11 =	ssub.s32 $0x2, s6;
	s6 =	smul.u32 $0x140000, s6  }
0xa: {  	s7 =	sor.u32 s1, s4;
	s4 =	sadd.s32 $0x1E400, s5;
	s13 =	sshrl.u32 s10, $0x3  }
0xb: {  	s14 =	sshrl.u32 s11, $0x1;
	s28 =	sshrl.u32 s12, $0x2;
	s12 =	sor.u32 $0x1C03, s31  }
0xc: {  	s9 =	smul.u32 $0x4E2, s7;
	s7 =	sshll.u32 s7, $0xB;
	s13 =	sadd.s32 s13, s5  }
0xd: {  	s11 =	ssub.s32 s11, s14;
	s10 =	sadd.s32 s10, s6;
	s29 =	sadd.s32 s28, s2  }
0xe: {  	s14 =	simm.s32 $0x50;
	s7 =	sadd.s32 s7, s5;
	s30 =	sshrl.u32 s10, $0x3  }
0xf: {  	s10 =	simm.s32 $0x3;
	s9 =	sadd.s32 s9, s5;
	s6 =	sadd.s32 $0xE400, s7  }
0x10: {  	s7 =	sadd.s32 $0x46400, s13;
	s8 =	sadd.s32 s8, s30;
	s13 =	sshrl.u32 s29, $0x3  }
0x11: {  	s5 =	sadd.s32 $0x4600, s9;
	s9 =	smax.u32 s11, $0x1;
	s11 =	simm.s32 $0x2780  }
.LBB2_1:
0x12: {  	[tilespmem:s3], [sflag:$0x3] =	stream.linear.gather [hbm4b:s5+s3], $0x2710, $0x38;
	[tilespmem:$0x1F780] =	vst v63  }
0x13: {  	_ =	swait.ge [sflag:s10], $0x2710  }
0x14: {  	[sflag:s10] =	ssyncset.done $0x0  }
0x15: {  	[sflag:s10] =	ssyncadd.s32 $0xFFFFD8F0  }
0x16: {  	[tilespmem:s11], [sflag:$0x3] =	stream.linear.gather [hbm4b:s6+s3], $0x3E80, $0x38;
	[tilespmem:$0x1F780] =	vst v63  }
0x17: {  	_ =	swait.ge [sflag:s10], $0x3E80  }
0x18: {  	[sflag:s10] =	ssyncset.done $0x0  }
0x19: {  	[sflag:s10] =	ssyncadd.s32 $0xFFFFC180  }
0x1a: {  	[spmem:s13], [sflag:s12] =	dma.local [hbm:s7], $0x2800  }
0x1b: {  	_ =	swait.ge [sflag:s10], $0x2800  }
0x1c: {  	[sflag:s10] =	ssyncset.done $0x0  }
0x1d: {  	[sflag:s10] =	ssyncadd.s32 $0xFFFFD800  }
0x1e: {  	[bflag:$0x0] =	sbarrier.arrive $0xFFFF  }
0x1f: {  	[tilespmem:s15], [sflag:$0x1] =	stream.indirect.gather [hbm4b:s4+s14], $0x80, s3, s14, $0xb8;
	[tilespmem:$0x1F780] =	vst v63  }
0x20: {  	s21 =	simm.s32 $0x50  }
0x21: {  	[tilespmem:s16], [sflag:$0x2] =	stream.indirect.gather [hbm4b:s4+s14], $0x80, s21, s14, $0xb8;
	[tilespmem:$0x1F780] =	vst v63  }
0x22: {  	_ =	swait.ge [sflag:s17], $0x2800  }
0x23: {  	[sflag:s17] =	ssyncset.done $0x0  }
0x24: {  	s29 =	simm.s32 $0x2780;
	[sflag:s17] =	ssyncadd.s32 $0xFFFFD800  }
0x25: {  	[spmem:s2] =	stream.indirect.scatter.add.f32 [tilespmem:s15], [sflag:$0x3], $0x80, s29, s14, $0xb8;
	[tilespmem:$0x1F780] =	vst v63  }
0x26: {  	_ =	swait.ge [sflag:s10], $0x2800  }
0x27: {  	[sflag:s10] =	ssyncset.done $0x0  }
0x28: {  	s30 =	simm.s32 $0xA0;
	[sflag:s10] =	ssyncadd.s32 $0xFFFFD800  }
0x29: {  	[tilespmem:s15], [sflag:$0x1] =	stream.indirect.gather [hbm4b:s4+s14], $0x80, s30, s14, $0xb8;
	[tilespmem:$0x1F780] =	vst v63  }
0x2a: {  	_ =	swait.ge [sflag:s18], $0x2800  }
0x2b: {  	[sflag:s18] =	ssyncset.done $0x0  }
0x2c: {  	s31 =	simm.s32 $0x2800;
	[sflag:s18] =	ssyncadd.s32 $0xFFFFD800  }
0x2d: {  	[spmem:s2] =	stream.indirect.scatter.add.f32 [tilespmem:s16], [sflag:$0x3], $0x80, s31, s14, $0xb8;
	[tilespmem:$0x1F780] =	vst v63  }
0x2e: {  	s22 =	simm.s32 $0x400;
	_ =	swait.ge [sflag:s10], $0x2800  }
0x2f: {  	s23 =	simm.s32 $0x800;
	s21 =	simm.s32 $0x140;
	[sflag:s10] =	ssyncset.done $0x0  }
.LBB2_2:
0x30: {  	p0 =	sne.s32 s23, $0xF400;
	s24 =	sadd.s32 $0xFFFFFFB0, s21;
	[sflag:s10] =	ssyncadd.s32 $0xFFFFD800  }
0x31: {  	[tilespmem:s16], [sflag:$0x2] =	stream.indirect.gather [hbm4b:s4+s14], $0x80, s24, s14, $0xb8;
	[tilespmem:$0x1F780] =	vst v63  }
0x32: {  	s24 =	smov.u32 s23;
	s23 =	sadd.s32 $0x400, s23;
	_ =	swait.ge [sflag:s17], $0x2800  }
0x33: {  	s25 =	sshra.s32 s22, $0x2;
	s22 =	smov.u32 s24;
	[sflag:s17] =	ssyncset.done $0x0  }
0x34: {  	s24 =	sadd.s32 $0x2780, s25;
	[sflag:s17] =	ssyncadd.s32 $0xFFFFD800  }
0x35: {  	[spmem:s2] =	stream.indirect.scatter.add.f32 [tilespmem:s15], [sflag:$0x3], $0x80, s24, s14, $0xb8;
	[tilespmem:$0x1F780] =	vst v63  }
0x36: {  	_ =	swait.ge [sflag:s10], $0x2800  }
0x37: {  	[sflag:s10] =	ssyncset.done $0x0  }
0x38: {  	[sflag:s10] =	ssyncadd.s32 $0xFFFFD800  }
0x39: {  	[tilespmem:s15], [sflag:$0x1] =	stream.indirect.gather [hbm4b:s4+s14], $0x80, s21, s14, $0xb8;
	[tilespmem:$0x1F780] =	vst v63  }
0x3a: {  	_ =	swait.ge [sflag:s18], $0x2800  }
.Ltmp0:
0x3b: {  	[sflag:s18] =	ssyncset.done $0x0;
	(pc) =	sbr.rel @p0 .LBB2_2-.Ltmp0, $4  }
0x3c: {  	s24 =	sadd.s32 $0x2800, s25;
	[sflag:s18] =	ssyncadd.s32 $0xFFFFD800  }
0x3d: {  	[spmem:s2] =	stream.indirect.scatter.add.f32 [tilespmem:s16], [sflag:$0x3], $0x80, s24, s14, $0xb8;
	[tilespmem:$0x1F780] =	vst v63  }
0x3e: {  	_ =	swait.ge [sflag:s10], $0x2800  }
0x3f: {  	s21 =	sadd.s32 $0xA0, s21;
	[sflag:s10] =	ssyncset.done $0x0  }
0x40: {  	s23 =	sadd.s32 $0xFFFFFFB0, s21;
	[sflag:s10] =	ssyncadd.s32 $0xFFFFD800  }
0x41: {  	[tilespmem:s16], [sflag:$0x2] =	stream.indirect.gather [hbm4b:s4+s14], $0x80, s23, s14, $0xb8;
	[tilespmem:$0x1F780] =	vst v63  }
0x42: {  	_ =	swait.ge [sflag:s17], $0x2800  }
0x43: {  	s22 =	sshra.s32 s22, $0x2;
	[sflag:s17] =	ssyncset.done $0x0  }
0x44: {  	s30 =	sadd.s32 $0x2780, s22;
	[sflag:s17] =	ssyncadd.s32 $0xFFFFD800  }
0x45: {  	[spmem:s2] =	stream.indirect.scatter.add.f32 [tilespmem:s15], [sflag:$0x3], $0x80, s30, s14, $0xb8;
	[tilespmem:$0x1F780] =	vst v63  }
0x46: {  	_ =	swait.ge [sflag:s10], $0x2800  }
0x47: {  	[sflag:s10] =	ssyncset.done $0x0  }
0x48: {  	[sflag:s10] =	ssyncadd.s32 $0xFFFFD800  }
0x49: {  	[tilespmem:s15], [sflag:$0x1] =	stream.indirect.gather [hbm4b:s4+s14], $0x80, s21, s14, $0xb8;
	[tilespmem:$0x1F780] =	vst v63  }
0x4a: {  	_ =	swait.ge [sflag:s18], $0x2800  }
0x4b: {  	[sflag:s18] =	ssyncset.done $0x0  }
0x4c: {  	s31 =	sadd.s32 $0x2800, s22;
	[sflag:s18] =	ssyncadd.s32 $0xFFFFD800  }
0x4d: {  	[spmem:s2] =	stream.indirect.scatter.add.f32 [tilespmem:s16], [sflag:$0x3], $0x80, s31, s14, $0xb8;
	[tilespmem:$0x1F780] =	vst v63  }
0x4e: {  	_ =	swait.ge [sflag:s10], $0x2800  }
0x4f: {  	[sflag:s10] =	ssyncset.done $0x0  }
0x50: {  	[sflag:s10] =	ssyncadd.s32 $0xFFFFD800  }
0x51: {  	_ =	swait.ge [sflag:s17], $0x2800  }
0x52: {  	[sflag:s17] =	ssyncset.done $0x0  }
0x53: {  	[sflag:s17] =	ssyncadd.s32 $0xFFFFD800  }
0x54: {  	[spmem:s2] =	stream.indirect.scatter.add.f32 [tilespmem:s15], [sflag:$0x3], $0x80, s19, s14, $0xb8;
	[tilespmem:$0x1F780] =	vst v63  }
0x55: {  	_ =	swait.ge [sflag:s10], $0x2800  }
0x56: {  	s20 =	sadd.s32 $0x1, s20;
	[sflag:s10] =	ssyncset.done $0x0  }
0x57: {  	p0 =	sne.s32 s20, s9;
	[sflag:s10] =	ssyncadd.s32 $0xFFFFD800  }
.Ltmp1:
0x58: {  	[bflag:$0x0] =	sbarrier.arrive $0xFFFF;
	(pc) =	sbr.rel @p0 .LBB2_1-.Ltmp1, $4  }
0x59: {  	[hbm:s8], [sflag:s12] =	dma.local [spmem:s13], $0x2800  }
0x5a: {  	_ =	swait.ge [sflag:s10], $0x2800  }
0x5b: {  	[sflag:s10] =	ssyncset.done $0x0  }
0x5c: {  	[sflag:s10] =	ssyncadd.s32 $0xFFFFD800  }
0x5d: {  	_ =	sfence.sel $0x180000  }
0x5e: {  	[bflag:$0x0] =	sbarrier.arrive $0xFFFF  }
0x5f: {  	p0 =	sne.s32 s1, $0x0;
	_ =	strace $0x9000004D  }
0x60: {  	s0 =	sadd.s32 @!p0 $0x100000, s0;
	[bflag:$0x2] =	sbarrier.arrive $0xFFFF  }
0x61: {  	[sflag:s0] =	ssyncadd.tile.s32 @!p0 $0x1;
	_ =	shalt  }
.Lfunc_end2:
_tile_overlayer_lowered:
.L_overlay_start_2:
0x62: {  	(tag) =	ssettag $0x2  }
0x63: {  	s0 =	rddreg [dreg:$0x0];
	s2 =	stileid.u32  }
0x64: {  	s1 =	rddreg [dreg:$0x1];
	p0 =	sne.s32 s2, $0x0  }
0x65: {  	s3 =	rddreg [dreg:$0x2];
	[bflag:$0x3] =	sbarrier.arrive $0xFFFF;
	s2 =	simm.s32 @!p0 $0x1C03  }
0x66: {  	[timem:s3], [sflag:s2] =	dma.local @!p0 [hbm:s0], s1  }
0x67: {  	s0 =	simm.s32 @!p0 $0x3  }
0x68: {  	_ =	swait.ge @!p0 [sflag:s0], s1  }
0x69: {  	s1 =	ssub.s32 @!p0 $0x0, s1;
	[sflag:s0] =	ssyncset.done @!p0 $0x0  }
0x6a: {  	[sflag:s0] =	ssyncadd.s32 @!p0 s1  }
0x6b: {  	[bflag:$0x3] =	sbarrier.arrive $0xFFFF  }
0x6c: {  	_ =	shalt  }

// kernel: kernel.20.cloned.1.call-start
scs
__scs_entry_jumppad:
0x0: {  	(pc) =	sbr.rel $0x88, $3  }
0x1: {  	(tag) =	ssettag $0x0;
	lr =	simm.s32 $0x1  }
0x2: {  	[smem:$0x3F89] =	sst lr;
	_ =	strace $0xD0000000  }
0x3: {  	_ = 	snop  }
0x4: {  	_ = 	snop  }
0x5: {  	_ = 	snop  }
0x6: {  	_ = 	snop  }
0x7: {  	_ = 	snop  }
__scs_overlays_trampoline_lowered:
0x8: {  	[smem:$0x3F98] =	sst s0  }
0x9: {  	[smem:$0x3F99] =	sst s1  }
0xa: {  	[smem:$0x3F9A] =	sst s2  }
0xb: {  	[smem:$0x3F9B] =	sst s3  }
0xc: {  	[smem:$0x3F9C] =	sst s4  }
0xd: {  	[smem:$0x3F9D] =	sst s5  }
0xe: {  	[smem:$0x3F9E] =	sst s6  }
0xf: {  	[smem:$0x3F9F] =	sst s7  }
0x10: {  	[smem:$0x3FA0] =	sst s8  }
0x11: {  	[smem:$0x3FA1] =	sst s9;
	s0 =	simm.s32 @!p0 $0x0  }
0x12: {  	s1 =	sld [smem:$0x3F87];
	s0 =	simm.s32 @p0 $0x1  }
0x13: {  	[smem:$0x3FA2] =	sst s0;
	s0 =	simm.s32 @!p1 $0x0  }
0x14: {  	s2 =	sld [smem:$0x3F86];
	s0 =	simm.s32 @p1 $0x1  }
0x15: {  	[smem:$0x3FA3] =	sst s0;
	s0 =	simm.s32 @!p2 $0x0  }
0x16: {  	s3 =	sld [smem:$0x3FDB];
	s0 =	simm.s32 @p2 $0x1  }
0x17: {  	s4 =	simm.s32 $0x1BF5;
	[smem:$0x3FA5] =	sst s0  }
0x18: {  	s0 =	sld [smem:$0x3F88];
	_ =	swait.ge [sflag:s4], $0x0  }
0x19: {  	s7 =	sld [smem:$0x3F89]  }
0x1a: {  	s8 =	sadd.s32 $0xFFFFE003, lr  }
0x1b: {  	s9 =	sadd.s32 $0xFFFFFEF7, lr;
	s5 =	simm.s32 $0xFFFFFFFF;
	p2 =	slt.u32 s8, $0xFFFFF086  }
0x1c: {  	p1 =	slt.u32 s9, $0xF7A;
	s5 =	simm.s32 @!p2 $0x0  }
0x1d: {  	s5 =	simm.s32 @p1 $0x1;
	p0 =	seq.s32 s7, s2  }
0x1e: {  	s7 =	smul.u32 @!p0 $0xF7A, s2;
	p2 =	seq.s32 @!p0 s5, $0x0  }
0x1f: {  	s9 =	smul.u32 $0xF7A, s1;
	s8 =	simm.s32 @!p0 $0x1BF5;
	p2 =	por !p2, p0  }
0x20: {  	[sflag:s8] =	ssyncset.s32 @!p0 $0xFFFFF086;
	s6 =	sadd.s32 @!p0 s3, s7;
	s7 =	simm.s32 @!p0 $0x108  }
0x21: {  	s3 =	sadd.s32 s3, s9;
	s6 =	sadd.s32 @!p0 $0x88, s6;
	s7 =	simm.s32 @p2 $0x1082  }
0x22: {  	[simem:s7], [sflag:s8] =	dma.local @!p0 [hbm:s6], $0xF7A  }
0x23: {  	s9 =	sor.u32 $0xD0000000, s2;
	s6 =	simm.s32 $0x108;
	_ =	swait.ge @!p0 [sflag:s8], $0x0  }
0x24: {  	s3 =	sadd.s32 $0x88, s3;
	s6 =	simm.s32 @!p1 $0x1082;
	[sflag:s4] =	ssyncset.s32 $0xFFFFF086  }
0x25: {  	[simem:s6], [sflag:s4] =	dma.local [hbm:s3], $0xF7A  }
0x26: {  	[smem:$0x3F89] =	sst s1;
	(tag) =	ssettag s2;
	_ =	strace s9  }
0x27: {  	s1 =	sld [smem:$0x3F99]  }
0x28: {  	s2 =	sld [smem:$0x3F9A]  }
0x29: {  	s4 =	sld [smem:$0x3F9C]  }
0x2a: {  	p0 =	seq.s32 s5, $0x0;
	s5 =	sld [smem:$0x3F9D]  }
0x2b: {  	s6 =	sld [smem:$0x3F9E]  }
0x2c: {  	s7 =	sld [smem:$0x3F9F]  }
0x2d: {  	s3 =	simm.s32 $0x108;
	s8 =	sld [smem:$0x3FA0]  }
0x2e: {  	s3 =	simm.s32 @!p0 $0x1082;
	s9 =	sld [smem:$0x3FA1]  }
0x2f: {  	lr =	sadd.s32 s0, s3;
	s0 =	sld [smem:$0x3F98]  }
0x30: {  	s3 =	sld [smem:$0x3F9B]  }
0x31: {  	[smem:$0x3FA4] =	sst s10  }
0x32: {  	s10 =	sld [smem:$0x3FA2];
	_ =	sdelay $0x3  }
0x33: {  	p0 =	seq.s32 s10, $0x1;
	s10 =	sld [smem:$0x3FA4];
	_ =	sdelay $0x3  }
0x34: {  	[smem:$0x3FA4] =	sst s10  }
0x35: {  	s10 =	sld [smem:$0x3FA3];
	_ =	sdelay $0x3  }
0x36: {  	p1 =	seq.s32 s10, $0x1;
	s10 =	sld [smem:$0x3FA4];
	_ =	sdelay $0x3  }
0x37: {  	[smem:$0x3FA4] =	sst s10  }
0x38: {  	s10 =	sld [smem:$0x3FA5]  }
0x39: {  	_ = 	snop;
	(pc) =	sbr.ind lr, $3  }
0x3a: {  	_ = 	snop  }
0x3b: {  	_ = 	snop  }
0x3c: {  	p2 =	seq.s32 s10, $0x1;
	s10 =	sld [smem:$0x3FA4]  }
0x3d: {  	_ =	shalt  }
0x3e: {  	_ =	shalt  }
0x3f: {  	_ =	shalt  }
0x40: {  	_ =	shalt  }
0x41: {  	_ =	shalt  }
0x42: {  	_ =	shalt  }
0x43: {  	_ =	shalt  }
0x44: {  	_ =	shalt  }
0x45: {  	_ =	shalt  }
0x46: {  	_ =	shalt  }
0x47: {  	_ =	shalt  }
0x48: {  	_ =	shalt  }
0x49: {  	_ =	shalt  }
0x4a: {  	_ =	shalt  }
0x4b: {  	_ =	shalt  }
0x4c: {  	_ =	shalt  }
0x4d: {  	_ =	shalt  }
0x4e: {  	_ =	shalt  }
0x4f: {  	_ =	shalt  }
0x50: {  	_ =	shalt  }
0x51: {  	_ =	shalt  }
0x52: {  	_ =	shalt  }
0x53: {  	_ =	shalt  }
0x54: {  	_ =	shalt  }
0x55: {  	_ =	shalt  }
0x56: {  	_ =	shalt  }
0x57: {  	_ =	shalt  }
0x58: {  	_ =	shalt  }
0x59: {  	_ =	shalt  }
0x5a: {  	_ =	shalt  }
0x5b: {  	_ =	shalt  }
0x5c: {  	_ =	shalt  }
0x5d: {  	_ =	shalt  }
0x5e: {  	_ =	shalt  }
0x5f: {  	_ =	shalt  }
0x60: {  	_ =	shalt  }
0x61: {  	_ =	shalt  }
0x62: {  	_ =	shalt  }
0x63: {  	_ =	shalt  }
0x64: {  	_ =	shalt  }
0x65: {  	_ =	shalt  }
0x66: {  	_ =	shalt  }
0x67: {  	_ =	shalt  }
0x68: {  	_ =	shalt  }
0x69: {  	_ =	shalt  }
0x6a: {  	_ =	shalt  }
0x6b: {  	_ =	shalt  }
0x6c: {  	_ =	shalt  }
0x6d: {  	_ =	shalt  }
0x6e: {  	_ =	shalt  }
0x6f: {  	_ =	shalt  }
0x70: {  	_ =	shalt  }
0x71: {  	_ =	shalt  }
0x72: {  	_ =	shalt  }
0x73: {  	_ =	shalt  }
0x74: {  	_ =	shalt  }
0x75: {  	_ =	shalt  }
0x76: {  	_ =	shalt  }
0x77: {  	_ =	shalt  }
0x78: {  	_ =	shalt  }
0x79: {  	_ =	shalt  }
0x7a: {  	_ =	shalt  }
0x7b: {  	_ =	shalt  }
0x7c: {  	_ =	shalt  }
0x7d: {  	_ =	shalt  }
0x7e: {  	_ =	shalt  }
0x7f: {  	_ =	shalt  }
0x80: {  	_ =	shalt  }
0x81: {  	_ =	shalt  }
0x82: {  	_ =	shalt  }
0x83: {  	_ =	shalt  }
0x84: {  	_ =	shalt  }
0x85: {  	_ =	shalt  }
0x86: {  	_ =	shalt  }
0x87: {  	_ =	shalt  }
.Lfunc_end0:
.L_simem_size_0:
called_computation.3_lowered:
.L_overlay_start_0:
0x88: {  	s2 =	sld [smem:$0x3FD9]  }
0x89: {  	s3 =	sld [smem:$0x3FFE];
	_ =	sdelay $0x1  }
0x8a: {  	s1 =	srdreg.scid  }
0x8b: {  	s0 =	sand.u32 $0x1, s1  }
0x8c: {  	s17 =	sshll.u32 s0, $0xA;
	s2 =	sadd.s32 s3, s2  }
0x8d: {  	s2 =	sadd.s32 s2, s17  }
0x8e: {  	[smem:$0x3FB0] =	sst s2  }
0x8f: {  	_ = 	snop  }
0x90: {  	s2 =	sld [smem:$0x3FD0];
	(tm) =	ssettm $0x1  }
0x91: {  	s18 =	sld [smem:$0x3FFB];
	_ =	sdelay $0x3  }
0x92: {  	_ =	strace s18  }
0x93: {  	s3 =	sld [smem:$0x3FFC];
	_ =	sdelay $0x3  }
0x94: {  	_ =	strace s3  }
0x95: {  	s3 =	sld [smem:$0x3FFD];
	_ =	sdelay $0x3  }
0x96: {  	_ =	strace s3  }
0x97: {  	_ =	strace $0x8FFFFFFF  }
0x98: {  	s19 =	sld [smem:$0x3FDB];
	_ =	sdelay $0x1  }
0x99: {  	s4 =	simm.s32 $_scs_section_size  }
0x9a: {  	s5 =	simm.s32 $_size__tile_overlayer_lowered;
	s6 =	simm.s32 $_tile_overlayer_lowered  }
0x9b: {  	s22 =	simm.s32 $0x1BFF;
	s21 =	sshll.u32 s6, $0x1;
	s3 =	sadd.s32 s4, s19  }
0x9c: {  	s7 =	simm.s32 $0x0;
	s20 =	sshll.u32 s5, $0x1;
	s5 =	sadd.s32 s21, s3  }
0x9d: {  	[timem:s7], [sflag:s22] =	dma.local [hbm:s5], s20  }
0x9e: {  	_ =	swait.ge [sflag:s22], s20  }
0x9f: {  	s4 =	ssub.s32 $0x0, s20;
	[sflag:s22] =	ssyncset.done $0x0  }
0xa0: {  	[sflag:s22] =	ssyncadd.s32 s4;
	_ =	sdelay $0x1  }
0xa1: {  	s23 =	simm.s32 $0x1B8B  }
0xa2: {  	_ =	swait.ge [sflag:s23], $0x1  }
0xa3: {  	[sflag:s23] =	ssyncset.done $0x0  }
0xa4: {  	s25 =	simm.s32 $0x1B8E;
	s24 =	sld [smem:$0x3FFE];
	[sflag:s23] =	ssyncadd.s32 $0xFFFFFFFF  }
0xa5: {  	s26 =	simm.s32 $execute0_lowered;
	[smem:$0x3FD2] =	sst s25  }
0xa6: {  	s5 =	sshll.u32 s26, $0x1;
	_ =	strace $0x8000004F;
	[dreg:$0x1] =	wrdreg $0xFFFFFFFF  }
0xa7: {  	s28 =	simm.s32 $_size_execute0_lowered;
	s3 =	sadd.s32 s3, s5;
	[dreg:$0x0] =	wrdreg $0x0  }
0xa8: {  	s5 =	sshll.u32 s28, $0x1;
	[dreg:$0x2] =	wrdreg s3  }
0xa9: {  	[dreg:$0x3] =	wrdreg s5  }
0xaa: {  	[dreg:$0x4] =	wrdreg $0xC0  }
0xab: {  	_ =	task [dreg:s7], $0x5FFFF  }
0xac: {  	[dreg:$0x1] =	wrdreg $0xFFFFFFFF  }
0xad: {  	[dreg:$0x0] =	wrdreg $0x60  }
0xae: {  	[dreg:$0x2] =	wrdreg s24  }
0xaf: {  	[dreg:$0x3] =	wrdreg s2  }
0xb0: {  	[dreg:$0x4] =	wrdreg $0x9  }
0xb1: {  	_ =	task.clear_ibuf [dreg:s7], $0x5FFFF;
	_ =	strace $0x9000004F  }
0xb2: {  	s29 =	simm.s32 $0x9;
	_ =	strace $0x80000051  }
0xb3: {  	_ =	swait.ge [sflag:s29], $0x1  }
0xb4: {  	[sflag:s29] =	ssyncadd.s32 $0xFFFFFFFF  }
0xb5: {  	_ =	strace $0x90000051  }
0xb6: {  	_ =	sfence  }
0xb7: {  	s30 =	sld [smem:$0x0];
	_ =	sdelay $0x2  }
0xb8: {  	s31 =	sshll.u32 s1, $0xD;
	s1 =	sshrl.u32 s1, $0x2  }
0xb9: {  	s3 =	sand.u32 $0x4000, s31;
	s1 =	sadd.s32 s1, s30  }
0xba: {  	s0 =	sor.u32 s3, s0;
	s1 =	sshll.u32 s1, $0x11  }
0xbb: {  	s0 =	sor.u32 s1, s0  }
0xbc: {  	s0 =	sadd.s32 $0x8F2B, s0  }
0xbd: {  	[sflag:s0] =	ssyncadd.remote.s32 $0x1  }
0xbe: {  	_ =	sfence.sel $0xFFFF  }
0xbf: {  	[dreg:$0x0] =	wrdreg $0xFFFFFFFF;
	(pc) =	sbr.abs _section_cstart, $3  }
0xc0: {  	[dreg:$0x1] =	wrdreg $0xFFFFFFFF  }
0xc1: {  	_ =	task.clear_ibuf [dreg:s7], $0x2FFFF;
	_ =	strace $0x9FFFFFFF  }
0xc2: {  	(tm) =	ssettm $0x7FFFFFFF  }
0xc3: {  	_ =	shalt  }
tec
execute0_lowered:
.L_overlay_start_1:
0x0: {  	(tag) =	ssettag $0x1  }
0x1: {  	s0 =	srdreg.scid;
	s4 =	rddreg [dreg:$0x0]  }
0x2: {  	s8 =	rddreg [dreg:$0x1];
	s1 =	stileid.u32  }
0x3: {  	s2 =	simm.s32 $0x0;
	s12 =	simm.s32 $0x2E80;
	s5 =	sand.u32 $0x1, s0  }
0x4: {  	s13 =	simm.s32 $0x1;
	s14 =	simm.s32 $0x2;
	s3 =	sshll.u32 s5, $0x4  }
0x5: {  	s15 =	simm.s32 $0x5F0;
	s11 =	smul.u32 $0x6400, s1;
	s3 =	sor.u32 s1, s3  }
0x6: {  	s16 =	simm.s32 $0x0;
	s0 =	rddreg [dreg:$0x2];
	s6 =	smul.u32 $0x640, s3  }
0x7: {  	[smem:$0x7FF] =	sst s2;
	s9 =	ssub.s32 $0x2, s5;
	s7 =	smul.u32 $0x32000, s3  }
0x8: {  	_ =	strace $0x80000050;
	s10 =	smul.u32 $0x64000, s5;
	s30 =	sshrl.u32 s9, $0x1  }
0x9: {  	s3 =	sadd.s32 $0x4000, s4;
	s6 =	sshrl.u32 s6, $0x3;
	s7 =	sshrl.u32 s7, $0x3  }
0xa: {  	s9 =	ssub.s32 s9, s30;
	s4 =	sadd.s32 s6, s4;
	s31 =	sadd.s32 s8, s7  }
0xb: {  	s7 =	smax.u32 s9, $0x1;
	s8 =	sadd.s32 s10, s8;
	s9 =	simm.s32 $0x3  }
0xc: {  	s10 =	simm.s32 $0x50;
	s4 =	sadd.s32 $0x6E400, s4;
	s5 =	sadd.s32 $0x5A00, s31  }
0xd: {  	s6 =	sadd.s32 $0x5F00, s31;
	s8 =	sadd.s32 s11, s8;
	s11 =	simm.s32 $0x680  }
.LBB2_1:
0xe: {  	[tilespmem:s2], [sflag:$0x3] =	stream.linear.gather [hbm4b:s4+s2], $0x640, $0x38;
	[tilespmem:$0x5680] =	vst v63  }
0xf: {  	_ =	swait.ge [sflag:s9], $0x640  }
0x10: {  	[sflag:s9] =	ssyncset.done $0x0  }
0x11: {  	[sflag:s9] =	ssyncadd.s32 $0xFFFFF9C0  }
0x12: {  	[tilespmem:s11], [sflag:$0x1] =	stream.indirect.gather [hbm4b:s3+s10], $0x80, s2, s10, $0xb8;
	[tilespmem:$0x5680] =	vst v63  }
0x13: {  	s17 =	simm.s32 $0x50  }
0x14: {  	[tilespmem:s12], [sflag:$0x2] =	stream.indirect.gather [hbm4b:s3+s10], $0x80, s17, s10, $0xb8;
	[tilespmem:$0x5680] =	vst v63  }
0x15: {  	_ =	swait.ge [sflag:s13], $0x2800  }
0x16: {  	[sflag:s13] =	ssyncset.done $0x0  }
0x17: {  	s31 =	sadd.s32 $0x0, s8;
	[sflag:s13] =	ssyncadd.s32 $0xFFFFD800  }
0x18: {  	[hbm4b:s31+s2] =	stream.linear.scatter [tilespmem:s11], [sflag:$0x3], $0x2800, $0x38;
	[tilespmem:$0x5680] =	vst v63  }
0x19: {  	_ =	swait.ge [sflag:s9], $0x2800  }
0x1a: {  	[sflag:s9] =	ssyncset.done $0x0  }
0x1b: {  	s18 =	simm.s32 $0xA0;
	[sflag:s9] =	ssyncadd.s32 $0xFFFFD800  }
0x1c: {  	[tilespmem:s11], [sflag:$0x1] =	stream.indirect.gather [hbm4b:s3+s10], $0x80, s18, s10, $0xb8;
	[tilespmem:$0x5680] =	vst v63  }
0x1d: {  	_ =	swait.ge [sflag:s14], $0x2800  }
0x1e: {  	[sflag:s14] =	ssyncset.done $0x0  }
0x1f: {  	s17 =	sadd.s32 $0x500, s31;
	[sflag:s14] =	ssyncadd.s32 $0xFFFFD800  }
0x20: {  	[hbm4b:s17+s2] =	stream.linear.scatter [tilespmem:s12], [sflag:$0x3], $0x2800, $0x38;
	[tilespmem:$0x5680] =	vst v63  }
0x21: {  	s19 =	simm.s32 $0x1400;
	_ =	swait.ge [sflag:s9], $0x2800  }
0x22: {  	s18 =	simm.s32 $0xA00;
	s17 =	simm.s32 $0x140;
	[sflag:s9] =	ssyncset.done $0x0  }
.LBB2_2:
0x23: {  	p0 =	sne.s32 s19, $0x5000;
	s20 =	sadd.s32 $0xFFFFFFB0, s17;
	[sflag:s9] =	ssyncadd.s32 $0xFFFFD800  }
0x24: {  	[tilespmem:s12], [sflag:$0x2] =	stream.indirect.gather [hbm4b:s3+s10], $0x80, s20, s10, $0xb8;
	[tilespmem:$0x5680] =	vst v63  }
0x25: {  	s20 =	smov.u32 s19;
	s19 =	sadd.s32 $0xA00, s19;
	_ =	swait.ge [sflag:s13], $0x2800  }
0x26: {  	[sflag:s13] =	ssyncset.done $0x0  }
0x27: {  	s21 =	sadd.s32 s18, s8;
	s18 =	smov.u32 s20;
	[sflag:s13] =	ssyncadd.s32 $0xFFFFD800  }
0x28: {  	[hbm4b:s21+s2] =	stream.linear.scatter [tilespmem:s11], [sflag:$0x3], $0x2800, $0x38;
	[tilespmem:$0x5680] =	vst v63  }
0x29: {  	_ =	swait.ge [sflag:s9], $0x2800  }
0x2a: {  	[sflag:s9] =	ssyncset.done $0x0  }
0x2b: {  	[sflag:s9] =	ssyncadd.s32 $0xFFFFD800  }
0x2c: {  	[tilespmem:s11], [sflag:$0x1] =	stream.indirect.gather [hbm4b:s3+s10], $0x80, s17, s10, $0xb8;
	[tilespmem:$0x5680] =	vst v63  }
0x2d: {  	_ =	swait.ge [sflag:s14], $0x2800  }
.Ltmp0:
0x2e: {  	[sflag:s14] =	ssyncset.done $0x0;
	(pc) =	sbr.rel @p0 .LBB2_2-.Ltmp0, $4  }
0x2f: {  	s20 =	sadd.s32 $0x500, s21;
	[sflag:s14] =	ssyncadd.s32 $0xFFFFD800  }
0x30: {  	[hbm4b:s20+s2] =	stream.linear.scatter [tilespmem:s12], [sflag:$0x3], $0x2800, $0x38;
	[tilespmem:$0x5680] =	vst v63  }
0x31: {  	_ =	swait.ge [sflag:s9], $0x2800  }
0x32: {  	s17 =	sadd.s32 $0xA0, s17;
	[sflag:s9] =	ssyncset.done $0x0  }
0x33: {  	s19 =	sadd.s32 $0xFFFFFFB0, s17;
	[sflag:s9] =	ssyncadd.s32 $0xFFFFD800  }
0x34: {  	[tilespmem:s12], [sflag:$0x2] =	stream.indirect.gather [hbm4b:s3+s10], $0x80, s19, s10, $0xb8;
	[tilespmem:$0x5680] =	vst v63  }
0x35: {  	_ =	swait.ge [sflag:s13], $0x2800  }
0x36: {  	[sflag:s13] =	ssyncset.done $0x0  }
0x37: {  	s18 =	sadd.s32 s18, s8;
	[sflag:s13] =	ssyncadd.s32 $0xFFFFD800  }
0x38: {  	[hbm4b:s18+s2] =	stream.linear.scatter [tilespmem:s11], [sflag:$0x3], $0x2800, $0x38;
	[tilespmem:$0x5680] =	vst v63  }
0x39: {  	_ =	swait.ge [sflag:s9], $0x2800  }
0x3a: {  	[sflag:s9] =	ssyncset.done $0x0  }
0x3b: {  	[sflag:s9] =	ssyncadd.s32 $0xFFFFD800  }
0x3c: {  	[tilespmem:s11], [sflag:$0x1] =	stream.indirect.gather [hbm4b:s3+s10], $0x80, s17, s10, $0xb8;
	[tilespmem:$0x5680] =	vst v63  }
0x3d: {  	_ =	swait.ge [sflag:s14], $0x2800  }
0x3e: {  	[sflag:s14] =	ssyncset.done $0x0  }
0x3f: {  	s31 =	sadd.s32 $0x500, s18;
	[sflag:s14] =	ssyncadd.s32 $0xFFFFD800  }
0x40: {  	[hbm4b:s31+s2] =	stream.linear.scatter [tilespmem:s12], [sflag:$0x3], $0x2800, $0x38;
	[tilespmem:$0x5680] =	vst v63  }
0x41: {  	_ =	swait.ge [sflag:s9], $0x2800  }
0x42: {  	[sflag:s9] =	ssyncset.done $0x0  }
0x43: {  	[sflag:s9] =	ssyncadd.s32 $0xFFFFD800  }
0x44: {  	[tilespmem:s12], [sflag:$0x2] =	stream.indirect.gather [hbm4b:s3+s10], $0x80, s15, s10, $0xb8;
	[tilespmem:$0x5680] =	vst v63  }
0x45: {  	_ =	swait.ge [sflag:s13], $0x2800  }
0x46: {  	[sflag:s13] =	ssyncset.done $0x0  }
0x47: {  	[sflag:s13] =	ssyncadd.s32 $0xFFFFD800  }
0x48: {  	[hbm4b:s5+s2] =	stream.linear.scatter [tilespmem:s11], [sflag:$0x3], $0x2800, $0x38;
	[tilespmem:$0x5680] =	vst v63  }
0x49: {  	_ =	swait.ge [sflag:s9], $0x2800  }
0x4a: {  	[sflag:s9] =	ssyncset.done $0x0  }
0x4b: {  	[sflag:s9] =	ssyncadd.s32 $0xFFFFD800  }
0x4c: {  	s16 =	sadd.s32 $0x1, s16;
	_ =	swait.ge [sflag:s14], $0x2800  }
0x4d: {  	p0 =	sne.s32 s16, s7;
	[sflag:s14] =	ssyncset.done $0x0  }
.Ltmp1:
0x4e: {  	[sflag:s14] =	ssyncadd.s32 $0xFFFFD800;
	(pc) =	sbr.rel @p0 .LBB2_1-.Ltmp1, $4  }
0x4f: {  	[hbm4b:s6+s2] =	stream.linear.scatter [tilespmem:s12], [sflag:$0x3], $0x2800, $0x38;
	[tilespmem:$0x5680] =	vst v63  }
0x50: {  	_ =	swait.ge [sflag:s9], $0x2800  }
0x51: {  	[sflag:s9] =	ssyncset.done $0x0  }
0x52: {  	[sflag:s9] =	ssyncadd.s32 $0xFFFFD800  }
0x53: {  	_ =	sfence.sel $0x180000  }
0x54: {  	[bflag:$0x0] =	sbarrier.arrive $0xFFFF  }
0x55: {  	p0 =	sne.s32 s1, $0x0;
	_ =	strace $0x90000050  }
0x56: {  	s0 =	sadd.s32 @!p0 $0x100000, s0;
	[bflag:$0x2] =	sbarrier.arrive $0xFFFF  }
0x57: {  	[sflag:s0] =	ssyncadd.tile.s32 @!p0 $0x1;
	_ =	shalt  }
.Lfunc_end2:
_tile_overlayer_lowered:
.L_overlay_start_2:
0x58: {  	(tag) =	ssettag $0x2  }
0x59: {  	s0 =	rddreg [dreg:$0x0];
	s2 =	stileid.u32  }
0x5a: {  	s1 =	rddreg [dreg:$0x1];
	p0 =	sne.s32 s2, $0x0  }
0x5b: {  	s3 =	rddreg [dreg:$0x2];
	[bflag:$0x3] =	sbarrier.arrive $0xFFFF;
	s2 =	simm.s32 @!p0 $0x1C03  }
0x5c: {  	[timem:s3], [sflag:s2] =	dma.local @!p0 [hbm:s0], s1  }
0x5d: {  	s0 =	simm.s32 @!p0 $0x3  }
0x5e: {  	_ =	swait.ge @!p0 [sflag:s0], s1  }
0x5f: {  	s1 =	ssub.s32 @!p0 $0x0, s1;
	[sflag:s0] =	ssyncset.done @!p0 $0x0  }
0x60: {  	[sflag:s0] =	ssyncadd.s32 @!p0 s1  }
0x61: {  	[bflag:$0x3] =	sbarrier.arrive $0xFFFF  }
0x62: {  	_ =	shalt  }

</sc_bundles>
